<compile_context>
chip_gen: v7x
topology: tpu7x:2x2x1
jax: 0.10.2.dev20260603
libtpu: 0.0.44.dev20260713+nightly
codegen_flags: <defaults>
</compile_context>

<pallas_src>
import functools

import jax
import jax.numpy as jnp
from jax import lax
from jax.experimental import pallas as pl
from jax.experimental.pallas import tpu as pltpu
from jax.experimental.pallas import tpu_sc as plsc

_N_DIMS = 10
_DELTA = 1.0 / 4095.0


def _round_to_bf16(x):
    u = lax.bitcast_convert_type(x, jnp.uint32)
    lsb = (u >> 16) & jnp.uint32(1)
    u2 = (u + jnp.uint32(0x7FFF) + lsb) & jnp.uint32(0xFFFF0000)
    return lax.bitcast_convert_type(u2, jnp.float32)


def _sc_row_tables(codebook, w_flat, rows):
    n_workers = 32
    rows_per_w = rows // n_workers
    tbl_per_w = rows_per_w * 16
    mesh = plsc.VectorSubcoreMesh(core_axis_name="c", subcore_axis_name="s")

    @functools.partial(
        pl.kernel,
        mesh=mesh,
        compiler_params=pltpu.CompilerParams(needs_layout_passes=False),
        out_type=(
            jax.ShapeDtypeStruct((rows * 16,), jnp.int32),
            jax.ShapeDtypeStruct((rows * 16,), jnp.float32),
        ),
        scratch_types=[
            pltpu.VMEM((1024,), jnp.float32),
            pltpu.VMEM((48,), jnp.float32),
            pltpu.VMEM((tbl_per_w,), jnp.int32),
            pltpu.VMEM((tbl_per_w,), jnp.float32),
        ],
    )
    def prep(cb_hbm, w_hbm, bp_hbm, vals_hbm, cb_v, w_v, bp_buf, vals_buf):
        wid = lax.axis_index("s") * 2 + lax.axis_index("c")
        pltpu.sync_copy(cb_hbm, cb_v)
        pltpu.sync_copy(w_hbm, w_v)
        tw0 = _round_to_bf16(w_v[pl.ds(0, 16)])
        tw1 = _round_to_bf16(w_v[pl.ds(16, 16)])
        tw2 = _round_to_bf16(w_v[pl.ds(32, 16)])
        lanes = lax.iota(jnp.int32, 16)
        pow2 = jnp.where(lanes < _N_DIMS, jnp.int32(1) << lanes, jnp.int32(0))
        delta = jnp.float32(_DELTA)
        row_base = wid * rows_per_w

        def row_body(rl, carry):
            r_f = (row_base + rl).astype(jnp.float32)
            grt = _round_to_bf16(jnp.full((16,), r_f * delta, jnp.float32))
            a = jnp.float32(0.5) * tw0 + grt * tw1
            pred0 = a > 0
            idx0 = jnp.sum(jnp.where(pred0, pow2, jnp.int32(0)))
            lo = jnp.zeros((16,), jnp.int32)
            hi = jnp.full((16,), 4096, jnp.int32)
            for _ in range(12):
                mid = (lo + hi) >> 1
                tgc = _round_to_bf16(mid.astype(jnp.float32) * delta)
                f = a + tgc * tw2
                flipped = (f > 0) != pred0
                hi = jnp.where(flipped, mid, hi)
                lo = jnp.where(flipped, lo, mid)
            sbp, spow = plsc.sort_key_val(hi, pow2)
            incl = plsc.cumsum(spow)
            seg_idx = idx0 ^ (incl - spow)
            vals = plsc.load_gather(cb_v, [seg_idx])
            bp_buf[pl.ds(rl * 16, 16)] = sbp
            vals_buf[pl.ds(rl * 16, 16)] = vals
            return carry

        lax.fori_loop(0, rows_per_w, row_body, 0)
        pltpu.sync_copy(bp_buf, bp_hbm.at[pl.ds(wid * tbl_per_w, tbl_per_w)])
        pltpu.sync_copy(vals_buf, vals_hbm.at[pl.ds(wid * tbl_per_w, tbl_per_w)])

    return prep(codebook, w_flat)


def _tc_expand_body(bp_ref, vals_ref, out_ref):
    br, cc = out_ref.shape
    rt, ct = 8, 4096
    for r0 in range(0, br, rt):
        for c0 in range(0, cc, ct):
            col = lax.broadcasted_iota(jnp.int32, (1, ct), 1) + c0
            acc = jnp.broadcast_to(vals_ref[r0 : r0 + rt, 0:1], (rt, ct))
            for k in range(_N_DIMS):
                acc = jnp.where(
                    col >= bp_ref[r0 : r0 + rt, k : k + 1],
                    vals_ref[r0 : r0 + rt, k + 1 : k + 2],
                    acc,
                )
            out_ref[r0 : r0 + rt, c0 : c0 + ct] = acc


def _tc_expand(bp, vals, rows, cols, block_rows):
    return pl.pallas_call(
        _tc_expand_body,
        grid=(rows // block_rows,),
        in_specs=[
            pl.BlockSpec((block_rows, 16), lambda i: (i, 0)),
            pl.BlockSpec((block_rows, 16), lambda i: (i, 0)),
        ],
        out_specs=pl.BlockSpec((block_rows, cols), lambda i: (i, 0)),
        out_shape=jax.ShapeDtypeStruct((rows, cols), jnp.float32),
    )(bp, vals)


def kernel(weight_matrix, codebook, W_proj):
    rows, cols = weight_matrix.shape
    w_flat = jnp.concatenate(
        [jnp.pad(W_proj[:, k], (0, 16 - _N_DIMS)) for k in range(3)]
    )
    bp, vals = _sc_row_tables(codebook, w_flat, rows)
    return _tc_expand(
        bp.reshape(rows, 16), vals.reshape(rows, 16), rows, cols, block_rows=128
    )

# --- scband reference (transcript-rebuilt; emitter-appended) ---
"""Pipeline reference for scband-hypercube-codebook-29437705846815 (READ-ONLY COPY).

The authoritative reference and input builder live on the scoring server;
editing this copy changes nothing except your own understanding.
"""

import jax, jax.numpy as jnp
import numpy as np

N_DIMS = 10
N_CENTROIDS = 2 ** N_DIMS  # 1024


def setup_inputs(seed: int = 0) -> dict:
    key = jax.random.key(seed)
    k1, k2, k3 = jax.random.split(key, 3)
    R, C = 4096, 4096
    weight_matrix = jax.random.normal(k1, (R, C), dtype=jnp.float32)
    # learned params sized per init_kwargs
    codebook = jax.random.normal(k2, (N_CENTROIDS,), dtype=jnp.float32) * 0.01
    # torch nn.Linear(3, 10, bias=False): weight shape [10, 3], out = x @ W.T
    bound = 1.0 / np.sqrt(3.0)
    W_proj = jax.random.uniform(k3, (N_DIMS, 3), dtype=jnp.float32, minval=-bound, maxval=bound)
    return {"weight_matrix": weight_matrix, "codebook": codebook, "W_proj": W_proj}


def reference(weight_matrix, codebook, W_proj):
    layer_frac = 0.5
    R, C = weight_matrix.shape
    rows = jnp.linspace(0.0, 1.0, R, dtype=weight_matrix.dtype)
    cols = jnp.linspace(0.0, 1.0, C, dtype=weight_matrix.dtype)
    grid_r, grid_c = jnp.meshgrid(rows, cols, indexing='ij')
    layer_grid = jnp.full_like(grid_r, layer_frac)
    positions = jnp.stack([layer_grid, grid_r, grid_c], axis=-1)  # [R, C, 3]
    coords_10d = jax.nn.sigmoid(positions @ W_proj.T)  # [R, C, 10]
    binary = (coords_10d > 0.5).astype(jnp.int32)
    powers = (2 ** jnp.arange(N_DIMS, dtype=jnp.int32))
    indices = jnp.sum(binary * powers, axis=-1)  # [R, C] in [0, 1024)
    reconstructed = jnp.take(codebook, indices, axis=0)  # gather/decode
    # straight-through estimator
    return weight_matrix + jax.lax.stop_gradient(reconstructed - weight_matrix)

if __name__ == "__main__":
    import jax
    _d = setup_inputs()
    print(jax.jit(kernel)(*tuple(_d.values())))

</pallas_src>

<mosaic_0001>
#map = affine_map<(d0, d1) -> (0)>
module attributes {stable_mosaic.version = 14 : i64} {
  func.func @prep(%arg0: i32, %arg1: i32, %arg2: memref<1024xf32, #tpu.memory_space<hbm>>, %arg3: memref<48xf32, #tpu.memory_space<hbm>>, %arg4: memref<65536xi32, #tpu.memory_space<hbm>>, %arg5: memref<65536xf32, #tpu.memory_space<hbm>>, %arg6: memref<1024xf32, #tpu.memory_space<vmem>>, %arg7: memref<48xf32, #tpu.memory_space<vmem>>, %arg8: memref<2048xi32, #tpu.memory_space<vmem>>, %arg9: memref<2048xf32, #tpu.memory_space<vmem>>) attributes {dimension_semantics = [#tpu.dimension_semantics<core_parallel>, #tpu.dimension_semantics<subcore_parallel>], iteration_bounds = array<i64: 2, 16>, scalar_prefetch = 0 : i64, scratch_operands = 4 : i64, tpu.core_type = #tpu.core_type<sc_vector_subcore>, window_params = [{transform_indices = #map}, {transform_indices = #map}, {transform_indices = #map}, {transform_indices = #map}]} {
    %mul3A = arith.constant 2 : i32
    %mul3A_0 = arith.muli %arg1, %mul3A : i32
    %add3A = arith.addi %mul3A_0, %arg0 : i32
    "tpu.region"() ({
      %run_scoped3A = tpu.sem_alloc : memref<!tpu.dma_semaphore, #tpu.memory_space<semaphore_mem>>
      tpu.enqueue_dma source(%arg2 : memref<1024xf32, #tpu.memory_space<hbm>>) target(%arg6 : memref<1024xf32, #tpu.memory_space<vmem>>) target_semaphore(%run_scoped3A : memref<!tpu.dma_semaphore, #tpu.memory_space<semaphore_mem>>)
      tpu.wait_dma2 semaphore(%run_scoped3A : memref<!tpu.dma_semaphore, #tpu.memory_space<semaphore_mem>>) src(%arg2 : memref<1024xf32, #tpu.memory_space<hbm>>) dst(%arg6 : memref<1024xf32, #tpu.memory_space<vmem>>)
      tpu.yield
    }) : () -> ()
    "tpu.region"() ({
      %run_scoped3A = tpu.sem_alloc : memref<!tpu.dma_semaphore, #tpu.memory_space<semaphore_mem>>
      tpu.enqueue_dma source(%arg3 : memref<48xf32, #tpu.memory_space<hbm>>) target(%arg7 : memref<48xf32, #tpu.memory_space<vmem>>) target_semaphore(%run_scoped3A : memref<!tpu.dma_semaphore, #tpu.memory_space<semaphore_mem>>)
      tpu.wait_dma2 semaphore(%run_scoped3A : memref<!tpu.dma_semaphore, #tpu.memory_space<semaphore_mem>>) src(%arg3 : memref<48xf32, #tpu.memory_space<hbm>>) dst(%arg7 : memref<48xf32, #tpu.memory_space<vmem>>)
      tpu.yield
    }) : () -> ()
    %get3A = arith.constant 0 : index
    %get3A_1 = tpu.vector_load %arg7[%get3A] {strides = array<i32>} : memref<48xf32, #tpu.memory_space<vmem>>, vector<16xf32>,
    %bitcast_convert_type3A = tpu.bitcast %get3A_1 : vector<16xf32> -> vector<16xi32>
    %shift_right_logical3A = arith.constant 16 : i32
    %shift_right_logical3A_2 = vector.broadcast %shift_right_logical3A : i32 to vector<16xi32>
    %shift_right_logical3A_3 = arith.shrui %bitcast_convert_type3A, %shift_right_logical3A_2 : vector<16xi32>
    %and3A = arith.constant 1 : i32
    %and3A_4 = vector.broadcast %and3A : i32 to vector<16xi32>
    %and3A_5 = arith.andi %shift_right_logical3A_3, %and3A_4 : vector<16xi32>
    %add3A_6 = arith.constant 32767 : i32
    %add3A_7 = vector.broadcast %add3A_6 : i32 to vector<16xi32>
    %add3A_8 = arith.addi %bitcast_convert_type3A, %add3A_7 : vector<16xi32>
    %add3A_9 = arith.addi %add3A_8, %and3A_5 : vector<16xi32>
    %and3A_10 = arith.constant -65536 : i32
    %and3A_11 = vector.broadcast %and3A_10 : i32 to vector<16xi32>
    %and3A_12 = arith.andi %add3A_9, %and3A_11 : vector<16xi32>
    %bitcast_convert_type3A_13 = tpu.bitcast %and3A_12 : vector<16xi32> -> vector<16xf32>
    %get3A_14 = arith.constant 16 : index
    %get3A_15 = tpu.vector_load %arg7[%get3A_14] {strides = array<i32>} : memref<48xf32, #tpu.memory_space<vmem>>, vector<16xf32>,
    %bitcast_convert_type3A_16 = tpu.bitcast %get3A_15 : vector<16xf32> -> vector<16xi32>
    %shift_right_logical3A_17 = arith.constant 16 : i32
    %shift_right_logical3A_18 = vector.broadcast %shift_right_logical3A_17 : i32 to vector<16xi32>
    %shift_right_logical3A_19 = arith.shrui %bitcast_convert_type3A_16, %shift_right_logical3A_18 : vector<16xi32>
    %and3A_20 = arith.constant 1 : i32
    %and3A_21 = vector.broadcast %and3A_20 : i32 to vector<16xi32>
    %and3A_22 = arith.andi %shift_right_logical3A_19, %and3A_21 : vector<16xi32>
    %add3A_23 = arith.constant 32767 : i32
    %add3A_24 = vector.broadcast %add3A_23 : i32 to vector<16xi32>
    %add3A_25 = arith.addi %bitcast_convert_type3A_16, %add3A_24 : vector<16xi32>
    %add3A_26 = arith.addi %add3A_25, %and3A_22 : vector<16xi32>
    %and3A_27 = arith.constant -65536 : i32
    %and3A_28 = vector.broadcast %and3A_27 : i32 to vector<16xi32>
    %and3A_29 = arith.andi %add3A_26, %and3A_28 : vector<16xi32>
    %bitcast_convert_type3A_30 = tpu.bitcast %and3A_29 : vector<16xi32> -> vector<16xf32>
    %get3A_31 = arith.constant 32 : index
    %get3A_32 = tpu.vector_load %arg7[%get3A_31] {strides = array<i32>} : memref<48xf32, #tpu.memory_space<vmem>>, vector<16xf32>,
    %bitcast_convert_type3A_33 = tpu.bitcast %get3A_32 : vector<16xf32> -> vector<16xi32>
    %shift_right_logical3A_34 = arith.constant 16 : i32
    %shift_right_logical3A_35 = vector.broadcast %shift_right_logical3A_34 : i32 to vector<16xi32>
    %shift_right_logical3A_36 = arith.shrui %bitcast_convert_type3A_33, %shift_right_logical3A_35 : vector<16xi32>
    %and3A_37 = arith.constant 1 : i32
    %and3A_38 = vector.broadcast %and3A_37 : i32 to vector<16xi32>
    %and3A_39 = arith.andi %shift_right_logical3A_36, %and3A_38 : vector<16xi32>
    %add3A_40 = arith.constant 32767 : i32
    %add3A_41 = vector.broadcast %add3A_40 : i32 to vector<16xi32>
    %add3A_42 = arith.addi %bitcast_convert_type3A_33, %add3A_41 : vector<16xi32>
    %add3A_43 = arith.addi %add3A_42, %and3A_39 : vector<16xi32>
    %and3A_44 = arith.constant -65536 : i32
    %and3A_45 = vector.broadcast %and3A_44 : i32 to vector<16xi32>
    %and3A_46 = arith.andi %add3A_43, %and3A_45 : vector<16xi32>
    %bitcast_convert_type3A_47 = tpu.bitcast %and3A_46 : vector<16xi32> -> vector<16xf32>
    %iota3A = tpu.iota {dimensions = array<i32: 0>} : vector<16xi32>
    %lt3A = arith.constant 10 : i32
    %lt3A_48 = vector.broadcast %lt3A : i32 to vector<16xi32>
    %lt3A_49 = arith.cmpi slt, %iota3A, %lt3A_48 : vector<16xi32>
    %shift_left3A = arith.constant 1 : i32
    %shift_left3A_50 = vector.broadcast %shift_left3A : i32 to vector<16xi32>
    %shift_left3A_51 = arith.shli %shift_left3A_50, %iota3A : vector<16xi32>
    %jit3A = arith.constant 0 : i32
    %broadcast_in_dim3A = vector.broadcast %jit3A : i32 to vector<16xi32>
    %select_n3A = arith.select %lt3A_49, %shift_left3A_51, %broadcast_in_dim3A : vector<16xi1>, vector<16xi32>
    %mul3A_52 = arith.constant 128 : i32
    %mul3A_53 = arith.muli %add3A, %mul3A_52 : i32
    %scan3A = arith.constant 0 : i32
    %scan3A_54 = arith.constant 2.44200259E-4 : f32
    %scan3A_55 = arith.constant 0 : i32
    %scan3A_56 = arith.constant 128 : i32
    %scan3A_57 = arith.addi %scan3A_55, %scan3A_56 : i32
    %scan3A_58 = arith.constant 1 : i32
    scf.for %scan3A_64 = %scan3A_55 to %scan3A_57 step %scan3A_58  : i32 {
      %add3A_65 = arith.addi %mul3A_53, %scan3A_64 : i32
      %convert_element_type3A = arith.sitofp %add3A_65 : i32 to f32
      %mul3A_66 = arith.mulf %convert_element_type3A, %scan3A_54 : f32
      %broadcast_in_dim3A_67 = vector.broadcast %mul3A_66 : f32 to vector<16xf32>
      %bitcast_convert_type3A_68 = tpu.bitcast %broadcast_in_dim3A_67 : vector<16xf32> -> vector<16xi32>
      %shift_right_logical3A_69 = arith.constant 16 : i32
      %shift_right_logical3A_70 = vector.broadcast %shift_right_logical3A_69 : i32 to vector<16xi32>
      %shift_right_logical3A_71 = arith.shrui %bitcast_convert_type3A_68, %shift_right_logical3A_70 : vector<16xi32>
      %and3A_72 = arith.constant 1 : i32
      %and3A_73 = vector.broadcast %and3A_72 : i32 to vector<16xi32>
      %and3A_74 = arith.andi %shift_right_logical3A_71, %and3A_73 : vector<16xi32>
      %add3A_75 = arith.constant 32767 : i32
      %add3A_76 = vector.broadcast %add3A_75 : i32 to vector<16xi32>
      %add3A_77 = arith.addi %bitcast_convert_type3A_68, %add3A_76 : vector<16xi32>
      %add3A_78 = arith.addi %add3A_77, %and3A_74 : vector<16xi32>
      %and3A_79 = arith.constant -65536 : i32
      %and3A_80 = vector.broadcast %and3A_79 : i32 to vector<16xi32>
      %and3A_81 = arith.andi %add3A_78, %and3A_80 : vector<16xi32>
      %bitcast_convert_type3A_82 = tpu.bitcast %and3A_81 : vector<16xi32> -> vector<16xf32>
      %mul3A_83 = arith.constant 5.000000e-01 : f32
      %mul3A_84 = vector.broadcast %mul3A_83 : f32 to vector<16xf32>
      %mul3A_85 = arith.mulf %mul3A_84, %bitcast_convert_type3A_13 : vector<16xf32>
      %mul3A_86 = arith.mulf %bitcast_convert_type3A_82, %bitcast_convert_type3A_30 : vector<16xf32>
      %add3A_87 = arith.addf %mul3A_85, %mul3A_86 : vector<16xf32>
      %gt3A = arith.constant 0.000000e+00 : f32
      %gt3A_88 = vector.broadcast %gt3A : f32 to vector<16xf32>
      %gt3A_89 = arith.cmpf ogt, %add3A_87, %gt3A_88 : vector<16xf32>
      %jit3A_90 = arith.constant 0 : i32
      %broadcast_in_dim3A_91 = vector.broadcast %jit3A_90 : i32 to vector<16xi32>
      %select_n3A_92 = arith.select %gt3A_89, %select_n3A, %broadcast_in_dim3A_91 : vector<16xi1>, vector<16xi32>
      %reduce_sum3A = arith.constant true
      %reduce_sum3A_93 = vector.broadcast %reduce_sum3A : i1 to vector<16xi1>
      %reduce_sum3A_94 = tpu.scan <sum>, %select_n3A_92 masked %reduce_sum3A_93 : vector<16xi32>, vector<16xi1> -> vector<16xi32>
      %reduce_sum3A_95 = vector.extract %reduce_sum3A_94[15] : i32 from vector<16xi32>
      %broadcast_in_dim3A_96 = arith.constant 0 : i32
      %broadcast_in_dim3A_97 = vector.broadcast %broadcast_in_dim3A_96 : i32 to vector<16xi32>
      %broadcast_in_dim3A_98 = arith.constant 4096 : i32
      %broadcast_in_dim3A_99 = vector.broadcast %broadcast_in_dim3A_98 : i32 to vector<16xi32>
      %add3A_100 = arith.addi %broadcast_in_dim3A_97, %broadcast_in_dim3A_99 : vector<16xi32>
      %shift_right_arithmetic3A = arith.constant 1 : i32
      %shift_right_arithmetic3A_101 = vector.broadcast %shift_right_arithmetic3A : i32 to vector<16xi32>
      %shift_right_arithmetic3A_102 = arith.shrsi %add3A_100, %shift_right_arithmetic3A_101 : vector<16xi32>
      %convert_element_type3A_103 = arith.sitofp %shift_right_arithmetic3A_102 : vector<16xi32> to vector<16xf32>
      %mul3A_104 = vector.broadcast %scan3A_54 : f32 to vector<16xf32>
      %mul3A_105 = arith.mulf %convert_element_type3A_103, %mul3A_104 : vector<16xf32>
      %bitcast_convert_type3A_106 = tpu.bitcast %mul3A_105 : vector<16xf32> -> vector<16xi32>
      %shift_right_logical3A_107 = arith.constant 16 : i32
      %shift_right_logical3A_108 = vector.broadcast %shift_right_logical3A_107 : i32 to vector<16xi32>
      %shift_right_logical3A_109 = arith.shrui %bitcast_convert_type3A_106, %shift_right_logical3A_108 : vector<16xi32>
      %and3A_110 = arith.constant 1 : i32
      %and3A_111 = vector.broadcast %and3A_110 : i32 to vector<16xi32>
      %and3A_112 = arith.andi %shift_right_logical3A_109, %and3A_111 : vector<16xi32>
      %add3A_113 = arith.constant 32767 : i32
      %add3A_114 = vector.broadcast %add3A_113 : i32 to vector<16xi32>
      %add3A_115 = arith.addi %bitcast_convert_type3A_106, %add3A_114 : vector<16xi32>
      %add3A_116 = arith.addi %add3A_115, %and3A_112 : vector<16xi32>
      %and3A_117 = arith.constant -65536 : i32
      %and3A_118 = vector.broadcast %and3A_117 : i32 to vector<16xi32>
      %and3A_119 = arith.andi %add3A_116, %and3A_118 : vector<16xi32>
      %bitcast_convert_type3A_120 = tpu.bitcast %and3A_119 : vector<16xi32> -> vector<16xf32>
      %mul3A_121 = arith.mulf %bitcast_convert_type3A_120, %bitcast_convert_type3A_47 : vector<16xf32>
      %add3A_122 = arith.addf %add3A_87, %mul3A_121 : vector<16xf32>
      %gt3A_123 = arith.constant 0.000000e+00 : f32
      %gt3A_124 = vector.broadcast %gt3A_123 : f32 to vector<16xf32>
      %gt3A_125 = arith.cmpf ogt, %add3A_122, %gt3A_124 : vector<16xf32>
      %ne3A = arith.xori %gt3A_125, %gt3A_89 : vector<16xi1>
      %select_n3A_126 = arith.select %ne3A, %shift_right_arithmetic3A_102, %broadcast_in_dim3A_99 : vector<16xi1>, vector<16xi32>
      %select_n3A_127 = arith.select %ne3A, %broadcast_in_dim3A_97, %shift_right_arithmetic3A_102 : vector<16xi1>, vector<16xi32>
      %add3A_128 = arith.addi %select_n3A_127, %select_n3A_126 : vector<16xi32>
      %shift_right_arithmetic3A_129 = arith.constant 1 : i32
      %shift_right_arithmetic3A_130 = vector.broadcast %shift_right_arithmetic3A_129 : i32 to vector<16xi32>
      %shift_right_arithmetic3A_131 = arith.shrsi %add3A_128, %shift_right_arithmetic3A_130 : vector<16xi32>
      %convert_element_type3A_132 = arith.sitofp %shift_right_arithmetic3A_131 : vector<16xi32> to vector<16xf32>
      %mul3A_133 = vector.broadcast %scan3A_54 : f32 to vector<16xf32>
      %mul3A_134 = arith.mulf %convert_element_type3A_132, %mul3A_133 : vector<16xf32>
      %bitcast_convert_type3A_135 = tpu.bitcast %mul3A_134 : vector<16xf32> -> vector<16xi32>
      %shift_right_logical3A_136 = arith.constant 16 : i32
      %shift_right_logical3A_137 = vector.broadcast %shift_right_logical3A_136 : i32 to vector<16xi32>
      %shift_right_logical3A_138 = arith.shrui %bitcast_convert_type3A_135, %shift_right_logical3A_137 : vector<16xi32>
      %and3A_139 = arith.constant 1 : i32
      %and3A_140 = vector.broadcast %and3A_139 : i32 to vector<16xi32>
      %and3A_141 = arith.andi %shift_right_logical3A_138, %and3A_140 : vector<16xi32>
      %add3A_142 = arith.constant 32767 : i32
      %add3A_143 = vector.broadcast %add3A_142 : i32 to vector<16xi32>
      %add3A_144 = arith.addi %bitcast_convert_type3A_135, %add3A_143 : vector<16xi32>
      %add3A_145 = arith.addi %add3A_144, %and3A_141 : vector<16xi32>
      %and3A_146 = arith.constant -65536 : i32
      %and3A_147 = vector.broadcast %and3A_146 : i32 to vector<16xi32>
      %and3A_148 = arith.andi %add3A_145, %and3A_147 : vector<16xi32>
      %bitcast_convert_type3A_149 = tpu.bitcast %and3A_148 : vector<16xi32> -> vector<16xf32>
      %mul3A_150 = arith.mulf %bitcast_convert_type3A_149, %bitcast_convert_type3A_47 : vector<16xf32>
      %add3A_151 = arith.addf %add3A_87, %mul3A_150 : vector<16xf32>
      %gt3A_152 = arith.constant 0.000000e+00 : f32
      %gt3A_153 = vector.broadcast %gt3A_152 : f32 to vector<16xf32>
      %gt3A_154 = arith.cmpf ogt, %add3A_151, %gt3A_153 : vector<16xf32>
      %ne3A_155 = arith.xori %gt3A_154, %gt3A_89 : vector<16xi1>
      %select_n3A_156 = arith.select %ne3A_155, %shift_right_arithmetic3A_131, %select_n3A_126 : vector<16xi1>, vector<16xi32>
      %select_n3A_157 = arith.select %ne3A_155, %select_n3A_127, %shift_right_arithmetic3A_131 : vector<16xi1>, vector<16xi32>
      %add3A_158 = arith.addi %select_n3A_157, %select_n3A_156 : vector<16xi32>
      %shift_right_arithmetic3A_159 = arith.constant 1 : i32
      %shift_right_arithmetic3A_160 = vector.broadcast %shift_right_arithmetic3A_159 : i32 to vector<16xi32>
      %shift_right_arithmetic3A_161 = arith.shrsi %add3A_158, %shift_right_arithmetic3A_160 : vector<16xi32>
      %convert_element_type3A_162 = arith.sitofp %shift_right_arithmetic3A_161 : vector<16xi32> to vector<16xf32>
      %mul3A_163 = vector.broadcast %scan3A_54 : f32 to vector<16xf32>
      %mul3A_164 = arith.mulf %convert_element_type3A_162, %mul3A_163 : vector<16xf32>
      %bitcast_convert_type3A_165 = tpu.bitcast %mul3A_164 : vector<16xf32> -> vector<16xi32>
      %shift_right_logical3A_166 = arith.constant 16 : i32
      %shift_right_logical3A_167 = vector.broadcast %shift_right_logical3A_166 : i32 to vector<16xi32>
      %shift_right_logical3A_168 = arith.shrui %bitcast_convert_type3A_165, %shift_right_logical3A_167 : vector<16xi32>
      %and3A_169 = arith.constant 1 : i32
      %and3A_170 = vector.broadcast %and3A_169 : i32 to vector<16xi32>
      %and3A_171 = arith.andi %shift_right_logical3A_168, %and3A_170 : vector<16xi32>
      %add3A_172 = arith.constant 32767 : i32
      %add3A_173 = vector.broadcast %add3A_172 : i32 to vector<16xi32>
      %add3A_174 = arith.addi %bitcast_convert_type3A_165, %add3A_173 : vector<16xi32>
      %add3A_175 = arith.addi %add3A_174, %and3A_171 : vector<16xi32>
      %and3A_176 = arith.constant -65536 : i32
      %and3A_177 = vector.broadcast %and3A_176 : i32 to vector<16xi32>
      %and3A_178 = arith.andi %add3A_175, %and3A_177 : vector<16xi32>
      %bitcast_convert_type3A_179 = tpu.bitcast %and3A_178 : vector<16xi32> -> vector<16xf32>
      %mul3A_180 = arith.mulf %bitcast_convert_type3A_179, %bitcast_convert_type3A_47 : vector<16xf32>
      %add3A_181 = arith.addf %add3A_87, %mul3A_180 : vector<16xf32>
      %gt3A_182 = arith.constant 0.000000e+00 : f32
      %gt3A_183 = vector.broadcast %gt3A_182 : f32 to vector<16xf32>
      %gt3A_184 = arith.cmpf ogt, %add3A_181, %gt3A_183 : vector<16xf32>
      %ne3A_185 = arith.xori %gt3A_184, %gt3A_89 : vector<16xi1>
      %select_n3A_186 = arith.select %ne3A_185, %shift_right_arithmetic3A_161, %select_n3A_156 : vector<16xi1>, vector<16xi32>
      %select_n3A_187 = arith.select %ne3A_185, %select_n3A_157, %shift_right_arithmetic3A_161 : vector<16xi1>, vector<16xi32>
      %add3A_188 = arith.addi %select_n3A_187, %select_n3A_186 : vector<16xi32>
      %shift_right_arithmetic3A_189 = arith.constant 1 : i32
      %shift_right_arithmetic3A_190 = vector.broadcast %shift_right_arithmetic3A_189 : i32 to vector<16xi32>
      %shift_right_arithmetic3A_191 = arith.shrsi %add3A_188, %shift_right_arithmetic3A_190 : vector<16xi32>
      %convert_element_type3A_192 = arith.sitofp %shift_right_arithmetic3A_191 : vector<16xi32> to vector<16xf32>
      %mul3A_193 = vector.broadcast %scan3A_54 : f32 to vector<16xf32>
      %mul3A_194 = arith.mulf %convert_element_type3A_192, %mul3A_193 : vector<16xf32>
      %bitcast_convert_type3A_195 = tpu.bitcast %mul3A_194 : vector<16xf32> -> vector<16xi32>
      %shift_right_logical3A_196 = arith.constant 16 : i32
      %shift_right_logical3A_197 = vector.broadcast %shift_right_logical3A_196 : i32 to vector<16xi32>
      %shift_right_logical3A_198 = arith.shrui %bitcast_convert_type3A_195, %shift_right_logical3A_197 : vector<16xi32>
      %and3A_199 = arith.constant 1 : i32
      %and3A_200 = vector.broadcast %and3A_199 : i32 to vector<16xi32>
      %and3A_201 = arith.andi %shift_right_logical3A_198, %and3A_200 : vector<16xi32>
      %add3A_202 = arith.constant 32767 : i32
      %add3A_203 = vector.broadcast %add3A_202 : i32 to vector<16xi32>
      %add3A_204 = arith.addi %bitcast_convert_type3A_195, %add3A_203 : vector<16xi32>
      %add3A_205 = arith.addi %add3A_204, %and3A_201 : vector<16xi32>
      %and3A_206 = arith.constant -65536 : i32
      %and3A_207 = vector.broadcast %and3A_206 : i32 to vector<16xi32>
      %and3A_208 = arith.andi %add3A_205, %and3A_207 : vector<16xi32>
      %bitcast_convert_type3A_209 = tpu.bitcast %and3A_208 : vector<16xi32> -> vector<16xf32>
      %mul3A_210 = arith.mulf %bitcast_convert_type3A_209, %bitcast_convert_type3A_47 : vector<16xf32>
      %add3A_211 = arith.addf %add3A_87, %mul3A_210 : vector<16xf32>
      %gt3A_212 = arith.constant 0.000000e+00 : f32
      %gt3A_213 = vector.broadcast %gt3A_212 : f32 to vector<16xf32>
      %gt3A_214 = arith.cmpf ogt, %add3A_211, %gt3A_213 : vector<16xf32>
      %ne3A_215 = arith.xori %gt3A_214, %gt3A_89 : vector<16xi1>
      %select_n3A_216 = arith.select %ne3A_215, %shift_right_arithmetic3A_191, %select_n3A_186 : vector<16xi1>, vector<16xi32>
      %select_n3A_217 = arith.select %ne3A_215, %select_n3A_187, %shift_right_arithmetic3A_191 : vector<16xi1>, vector<16xi32>
      %add3A_218 = arith.addi %select_n3A_217, %select_n3A_216 : vector<16xi32>
      %shift_right_arithmetic3A_219 = arith.constant 1 : i32
      %shift_right_arithmetic3A_220 = vector.broadcast %shift_right_arithmetic3A_219 : i32 to vector<16xi32>
      %shift_right_arithmetic3A_221 = arith.shrsi %add3A_218, %shift_right_arithmetic3A_220 : vector<16xi32>
      %convert_element_type3A_222 = arith.sitofp %shift_right_arithmetic3A_221 : vector<16xi32> to vector<16xf32>
      %mul3A_223 = vector.broadcast %scan3A_54 : f32 to vector<16xf32>
      %mul3A_224 = arith.mulf %convert_element_type3A_222, %mul3A_223 : vector<16xf32>
      %bitcast_convert_type3A_225 = tpu.bitcast %mul3A_224 : vector<16xf32> -> vector<16xi32>
      %shift_right_logical3A_226 = arith.constant 16 : i32
      %shift_right_logical3A_227 = vector.broadcast %shift_right_logical3A_226 : i32 to vector<16xi32>
      %shift_right_logical3A_228 = arith.shrui %bitcast_convert_type3A_225, %shift_right_logical3A_227 : vector<16xi32>
      %and3A_229 = arith.constant 1 : i32
      %and3A_230 = vector.broadcast %and3A_229 : i32 to vector<16xi32>
      %and3A_231 = arith.andi %shift_right_logical3A_228, %and3A_230 : vector<16xi32>
      %add3A_232 = arith.constant 32767 : i32
      %add3A_233 = vector.broadcast %add3A_232 : i32 to vector<16xi32>
      %add3A_234 = arith.addi %bitcast_convert_type3A_225, %add3A_233 : vector<16xi32>
      %add3A_235 = arith.addi %add3A_234, %and3A_231 : vector<16xi32>
      %and3A_236 = arith.constant -65536 : i32
      %and3A_237 = vector.broadcast %and3A_236 : i32 to vector<16xi32>
      %and3A_238 = arith.andi %add3A_235, %and3A_237 : vector<16xi32>
      %bitcast_convert_type3A_239 = tpu.bitcast %and3A_238 : vector<16xi32> -> vector<16xf32>
      %mul3A_240 = arith.mulf %bitcast_convert_type3A_239, %bitcast_convert_type3A_47 : vector<16xf32>
      %add3A_241 = arith.addf %add3A_87, %mul3A_240 : vector<16xf32>
      %gt3A_242 = arith.constant 0.000000e+00 : f32
      %gt3A_243 = vector.broadcast %gt3A_242 : f32 to vector<16xf32>
      %gt3A_244 = arith.cmpf ogt, %add3A_241, %gt3A_243 : vector<16xf32>
      %ne3A_245 = arith.xori %gt3A_244, %gt3A_89 : vector<16xi1>
      %select_n3A_246 = arith.select %ne3A_245, %shift_right_arithmetic3A_221, %select_n3A_216 : vector<16xi1>, vector<16xi32>
      %select_n3A_247 = arith.select %ne3A_245, %select_n3A_217, %shift_right_arithmetic3A_221 : vector<16xi1>, vector<16xi32>
      %add3A_248 = arith.addi %select_n3A_247, %select_n3A_246 : vector<16xi32>
      %shift_right_arithmetic3A_249 = arith.constant 1 : i32
      %shift_right_arithmetic3A_250 = vector.broadcast %shift_right_arithmetic3A_249 : i32 to vector<16xi32>
      %shift_right_arithmetic3A_251 = arith.shrsi %add3A_248, %shift_right_arithmetic3A_250 : vector<16xi32>
      %convert_element_type3A_252 = arith.sitofp %shift_right_arithmetic3A_251 : vector<16xi32> to vector<16xf32>
      %mul3A_253 = vector.broadcast %scan3A_54 : f32 to vector<16xf32>
      %mul3A_254 = arith.mulf %convert_element_type3A_252, %mul3A_253 : vector<16xf32>
      %bitcast_convert_type3A_255 = tpu.bitcast %mul3A_254 : vector<16xf32> -> vector<16xi32>
      %shift_right_logical3A_256 = arith.constant 16 : i32
      %shift_right_logical3A_257 = vector.broadcast %shift_right_logical3A_256 : i32 to vector<16xi32>
      %shift_right_logical3A_258 = arith.shrui %bitcast_convert_type3A_255, %shift_right_logical3A_257 : vector<16xi32>
      %and3A_259 = arith.constant 1 : i32
      %and3A_260 = vector.broadcast %and3A_259 : i32 to vector<16xi32>
      %and3A_261 = arith.andi %shift_right_logical3A_258, %and3A_260 : vector<16xi32>
      %add3A_262 = arith.constant 32767 : i32
      %add3A_263 = vector.broadcast %add3A_262 : i32 to vector<16xi32>
      %add3A_264 = arith.addi %bitcast_convert_type3A_255, %add3A_263 : vector<16xi32>
      %add3A_265 = arith.addi %add3A_264, %and3A_261 : vector<16xi32>
      %and3A_266 = arith.constant -65536 : i32
      %and3A_267 = vector.broadcast %and3A_266 : i32 to vector<16xi32>
      %and3A_268 = arith.andi %add3A_265, %and3A_267 : vector<16xi32>
      %bitcast_convert_type3A_269 = tpu.bitcast %and3A_268 : vector<16xi32> -> vector<16xf32>
      %mul3A_270 = arith.mulf %bitcast_convert_type3A_269, %bitcast_convert_type3A_47 : vector<16xf32>
      %add3A_271 = arith.addf %add3A_87, %mul3A_270 : vector<16xf32>
      %gt3A_272 = arith.constant 0.000000e+00 : f32
      %gt3A_273 = vector.broadcast %gt3A_272 : f32 to vector<16xf32>
      %gt3A_274 = arith.cmpf ogt, %add3A_271, %gt3A_273 : vector<16xf32>
      %ne3A_275 = arith.xori %gt3A_274, %gt3A_89 : vector<16xi1>
      %select_n3A_276 = arith.select %ne3A_275, %shift_right_arithmetic3A_251, %select_n3A_246 : vector<16xi1>, vector<16xi32>
      %select_n3A_277 = arith.select %ne3A_275, %select_n3A_247, %shift_right_arithmetic3A_251 : vector<16xi1>, vector<16xi32>
      %add3A_278 = arith.addi %select_n3A_277, %select_n3A_276 : vector<16xi32>
      %shift_right_arithmetic3A_279 = arith.constant 1 : i32
      %shift_right_arithmetic3A_280 = vector.broadcast %shift_right_arithmetic3A_279 : i32 to vector<16xi32>
      %shift_right_arithmetic3A_281 = arith.shrsi %add3A_278, %shift_right_arithmetic3A_280 : vector<16xi32>
      %convert_element_type3A_282 = arith.sitofp %shift_right_arithmetic3A_281 : vector<16xi32> to vector<16xf32>
      %mul3A_283 = vector.broadcast %scan3A_54 : f32 to vector<16xf32>
      %mul3A_284 = arith.mulf %convert_element_type3A_282, %mul3A_283 : vector<16xf32>
      %bitcast_convert_type3A_285 = tpu.bitcast %mul3A_284 : vector<16xf32> -> vector<16xi32>
      %shift_right_logical3A_286 = arith.constant 16 : i32
      %shift_right_logical3A_287 = vector.broadcast %shift_right_logical3A_286 : i32 to vector<16xi32>
      %shift_right_logical3A_288 = arith.shrui %bitcast_convert_type3A_285, %shift_right_logical3A_287 : vector<16xi32>
      %and3A_289 = arith.constant 1 : i32
      %and3A_290 = vector.broadcast %and3A_289 : i32 to vector<16xi32>
      %and3A_291 = arith.andi %shift_right_logical3A_288, %and3A_290 : vector<16xi32>
      %add3A_292 = arith.constant 32767 : i32
      %add3A_293 = vector.broadcast %add3A_292 : i32 to vector<16xi32>
      %add3A_294 = arith.addi %bitcast_convert_type3A_285, %add3A_293 : vector<16xi32>
      %add3A_295 = arith.addi %add3A_294, %and3A_291 : vector<16xi32>
      %and3A_296 = arith.constant -65536 : i32
      %and3A_297 = vector.broadcast %and3A_296 : i32 to vector<16xi32>
      %and3A_298 = arith.andi %add3A_295, %and3A_297 : vector<16xi32>
      %bitcast_convert_type3A_299 = tpu.bitcast %and3A_298 : vector<16xi32> -> vector<16xf32>
      %mul3A_300 = arith.mulf %bitcast_convert_type3A_299, %bitcast_convert_type3A_47 : vector<16xf32>
      %add3A_301 = arith.addf %add3A_87, %mul3A_300 : vector<16xf32>
      %gt3A_302 = arith.constant 0.000000e+00 : f32
      %gt3A_303 = vector.broadcast %gt3A_302 : f32 to vector<16xf32>
      %gt3A_304 = arith.cmpf ogt, %add3A_301, %gt3A_303 : vector<16xf32>
      %ne3A_305 = arith.xori %gt3A_304, %gt3A_89 : vector<16xi1>
      %select_n3A_306 = arith.select %ne3A_305, %shift_right_arithmetic3A_281, %select_n3A_276 : vector<16xi1>, vector<16xi32>
      %select_n3A_307 = arith.select %ne3A_305, %select_n3A_277, %shift_right_arithmetic3A_281 : vector<16xi1>, vector<16xi32>
      %add3A_308 = arith.addi %select_n3A_307, %select_n3A_306 : vector<16xi32>
      %shift_right_arithmetic3A_309 = arith.constant 1 : i32
      %shift_right_arithmetic3A_310 = vector.broadcast %shift_right_arithmetic3A_309 : i32 to vector<16xi32>
      %shift_right_arithmetic3A_311 = arith.shrsi %add3A_308, %shift_right_arithmetic3A_310 : vector<16xi32>
      %convert_element_type3A_312 = arith.sitofp %shift_right_arithmetic3A_311 : vector<16xi32> to vector<16xf32>
      %mul3A_313 = vector.broadcast %scan3A_54 : f32 to vector<16xf32>
      %mul3A_314 = arith.mulf %convert_element_type3A_312, %mul3A_313 : vector<16xf32>
      %bitcast_convert_type3A_315 = tpu.bitcast %mul3A_314 : vector<16xf32> -> vector<16xi32>
      %shift_right_logical3A_316 = arith.constant 16 : i32
      %shift_right_logical3A_317 = vector.broadcast %shift_right_logical3A_316 : i32 to vector<16xi32>
      %shift_right_logical3A_318 = arith.shrui %bitcast_convert_type3A_315, %shift_right_logical3A_317 : vector<16xi32>
      %and3A_319 = arith.constant 1 : i32
      %and3A_320 = vector.broadcast %and3A_319 : i32 to vector<16xi32>
      %and3A_321 = arith.andi %shift_right_logical3A_318, %and3A_320 : vector<16xi32>
      %add3A_322 = arith.constant 32767 : i32
      %add3A_323 = vector.broadcast %add3A_322 : i32 to vector<16xi32>
      %add3A_324 = arith.addi %bitcast_convert_type3A_315, %add3A_323 : vector<16xi32>
      %add3A_325 = arith.addi %add3A_324, %and3A_321 : vector<16xi32>
      %and3A_326 = arith.constant -65536 : i32
      %and3A_327 = vector.broadcast %and3A_326 : i32 to vector<16xi32>
      %and3A_328 = arith.andi %add3A_325, %and3A_327 : vector<16xi32>
      %bitcast_convert_type3A_329 = tpu.bitcast %and3A_328 : vector<16xi32> -> vector<16xf32>
      %mul3A_330 = arith.mulf %bitcast_convert_type3A_329, %bitcast_convert_type3A_47 : vector<16xf32>
      %add3A_331 = arith.addf %add3A_87, %mul3A_330 : vector<16xf32>
      %gt3A_332 = arith.constant 0.000000e+00 : f32
      %gt3A_333 = vector.broadcast %gt3A_332 : f32 to vector<16xf32>
      %gt3A_334 = arith.cmpf ogt, %add3A_331, %gt3A_333 : vector<16xf32>
      %ne3A_335 = arith.xori %gt3A_334, %gt3A_89 : vector<16xi1>
      %select_n3A_336 = arith.select %ne3A_335, %shift_right_arithmetic3A_311, %select_n3A_306 : vector<16xi1>, vector<16xi32>
      %select_n3A_337 = arith.select %ne3A_335, %select_n3A_307, %shift_right_arithmetic3A_311 : vector<16xi1>, vector<16xi32>
      %add3A_338 = arith.addi %select_n3A_337, %select_n3A_336 : vector<16xi32>
      %shift_right_arithmetic3A_339 = arith.constant 1 : i32
      %shift_right_arithmetic3A_340 = vector.broadcast %shift_right_arithmetic3A_339 : i32 to vector<16xi32>
      %shift_right_arithmetic3A_341 = arith.shrsi %add3A_338, %shift_right_arithmetic3A_340 : vector<16xi32>
      %convert_element_type3A_342 = arith.sitofp %shift_right_arithmetic3A_341 : vector<16xi32> to vector<16xf32>
      %mul3A_343 = vector.broadcast %scan3A_54 : f32 to vector<16xf32>
      %mul3A_344 = arith.mulf %convert_element_type3A_342, %mul3A_343 : vector<16xf32>
      %bitcast_convert_type3A_345 = tpu.bitcast %mul3A_344 : vector<16xf32> -> vector<16xi32>
      %shift_right_logical3A_346 = arith.constant 16 : i32
      %shift_right_logical3A_347 = vector.broadcast %shift_right_logical3A_346 : i32 to vector<16xi32>
      %shift_right_logical3A_348 = arith.shrui %bitcast_convert_type3A_345, %shift_right_logical3A_347 : vector<16xi32>
      %and3A_349 = arith.constant 1 : i32
      %and3A_350 = vector.broadcast %and3A_349 : i32 to vector<16xi32>
      %and3A_351 = arith.andi %shift_right_logical3A_348, %and3A_350 : vector<16xi32>
      %add3A_352 = arith.constant 32767 : i32
      %add3A_353 = vector.broadcast %add3A_352 : i32 to vector<16xi32>
      %add3A_354 = arith.addi %bitcast_convert_type3A_345, %add3A_353 : vector<16xi32>
      %add3A_355 = arith.addi %add3A_354, %and3A_351 : vector<16xi32>
      %and3A_356 = arith.constant -65536 : i32
      %and3A_357 = vector.broadcast %and3A_356 : i32 to vector<16xi32>
      %and3A_358 = arith.andi %add3A_355, %and3A_357 : vector<16xi32>
      %bitcast_convert_type3A_359 = tpu.bitcast %and3A_358 : vector<16xi32> -> vector<16xf32>
      %mul3A_360 = arith.mulf %bitcast_convert_type3A_359, %bitcast_convert_type3A_47 : vector<16xf32>
      %add3A_361 = arith.addf %add3A_87, %mul3A_360 : vector<16xf32>
      %gt3A_362 = arith.constant 0.000000e+00 : f32
      %gt3A_363 = vector.broadcast %gt3A_362 : f32 to vector<16xf32>
      %gt3A_364 = arith.cmpf ogt, %add3A_361, %gt3A_363 : vector<16xf32>
      %ne3A_365 = arith.xori %gt3A_364, %gt3A_89 : vector<16xi1>
      %select_n3A_366 = arith.select %ne3A_365, %shift_right_arithmetic3A_341, %select_n3A_336 : vector<16xi1>, vector<16xi32>
      %select_n3A_367 = arith.select %ne3A_365, %select_n3A_337, %shift_right_arithmetic3A_341 : vector<16xi1>, vector<16xi32>
      %add3A_368 = arith.addi %select_n3A_367, %select_n3A_366 : vector<16xi32>
      %shift_right_arithmetic3A_369 = arith.constant 1 : i32
      %shift_right_arithmetic3A_370 = vector.broadcast %shift_right_arithmetic3A_369 : i32 to vector<16xi32>
      %shift_right_arithmetic3A_371 = arith.shrsi %add3A_368, %shift_right_arithmetic3A_370 : vector<16xi32>
      %convert_element_type3A_372 = arith.sitofp %shift_right_arithmetic3A_371 : vector<16xi32> to vector<16xf32>
      %mul3A_373 = vector.broadcast %scan3A_54 : f32 to vector<16xf32>
      %mul3A_374 = arith.mulf %convert_element_type3A_372, %mul3A_373 : vector<16xf32>
      %bitcast_convert_type3A_375 = tpu.bitcast %mul3A_374 : vector<16xf32> -> vector<16xi32>
      %shift_right_logical3A_376 = arith.constant 16 : i32
      %shift_right_logical3A_377 = vector.broadcast %shift_right_logical3A_376 : i32 to vector<16xi32>
      %shift_right_logical3A_378 = arith.shrui %bitcast_convert_type3A_375, %shift_right_logical3A_377 : vector<16xi32>
      %and3A_379 = arith.constant 1 : i32
      %and3A_380 = vector.broadcast %and3A_379 : i32 to vector<16xi32>
      %and3A_381 = arith.andi %shift_right_logical3A_378, %and3A_380 : vector<16xi32>
      %add3A_382 = arith.constant 32767 : i32
      %add3A_383 = vector.broadcast %add3A_382 : i32 to vector<16xi32>
      %add3A_384 = arith.addi %bitcast_convert_type3A_375, %add3A_383 : vector<16xi32>
      %add3A_385 = arith.addi %add3A_384, %and3A_381 : vector<16xi32>
      %and3A_386 = arith.constant -65536 : i32
      %and3A_387 = vector.broadcast %and3A_386 : i32 to vector<16xi32>
      %and3A_388 = arith.andi %add3A_385, %and3A_387 : vector<16xi32>
      %bitcast_convert_type3A_389 = tpu.bitcast %and3A_388 : vector<16xi32> -> vector<16xf32>
      %mul3A_390 = arith.mulf %bitcast_convert_type3A_389, %bitcast_convert_type3A_47 : vector<16xf32>
      %add3A_391 = arith.addf %add3A_87, %mul3A_390 : vector<16xf32>
      %gt3A_392 = arith.constant 0.000000e+00 : f32
      %gt3A_393 = vector.broadcast %gt3A_392 : f32 to vector<16xf32>
      %gt3A_394 = arith.cmpf ogt, %add3A_391, %gt3A_393 : vector<16xf32>
      %ne3A_395 = arith.xori %gt3A_394, %gt3A_89 : vector<16xi1>
      %select_n3A_396 = arith.select %ne3A_395, %shift_right_arithmetic3A_371, %select_n3A_366 : vector<16xi1>, vector<16xi32>
      %select_n3A_397 = arith.select %ne3A_395, %select_n3A_367, %shift_right_arithmetic3A_371 : vector<16xi1>, vector<16xi32>
      %add3A_398 = arith.addi %select_n3A_397, %select_n3A_396 : vector<16xi32>
      %shift_right_arithmetic3A_399 = arith.constant 1 : i32
      %shift_right_arithmetic3A_400 = vector.broadcast %shift_right_arithmetic3A_399 : i32 to vector<16xi32>
      %shift_right_arithmetic3A_401 = arith.shrsi %add3A_398, %shift_right_arithmetic3A_400 : vector<16xi32>
      %convert_element_type3A_402 = arith.sitofp %shift_right_arithmetic3A_401 : vector<16xi32> to vector<16xf32>
      %mul3A_403 = vector.broadcast %scan3A_54 : f32 to vector<16xf32>
      %mul3A_404 = arith.mulf %convert_element_type3A_402, %mul3A_403 : vector<16xf32>
      %bitcast_convert_type3A_405 = tpu.bitcast %mul3A_404 : vector<16xf32> -> vector<16xi32>
      %shift_right_logical3A_406 = arith.constant 16 : i32
      %shift_right_logical3A_407 = vector.broadcast %shift_right_logical3A_406 : i32 to vector<16xi32>
      %shift_right_logical3A_408 = arith.shrui %bitcast_convert_type3A_405, %shift_right_logical3A_407 : vector<16xi32>
      %and3A_409 = arith.constant 1 : i32
      %and3A_410 = vector.broadcast %and3A_409 : i32 to vector<16xi32>
      %and3A_411 = arith.andi %shift_right_logical3A_408, %and3A_410 : vector<16xi32>
      %add3A_412 = arith.constant 32767 : i32
      %add3A_413 = vector.broadcast %add3A_412 : i32 to vector<16xi32>
      %add3A_414 = arith.addi %bitcast_convert_type3A_405, %add3A_413 : vector<16xi32>
      %add3A_415 = arith.addi %add3A_414, %and3A_411 : vector<16xi32>
      %and3A_416 = arith.constant -65536 : i32
      %and3A_417 = vector.broadcast %and3A_416 : i32 to vector<16xi32>
      %and3A_418 = arith.andi %add3A_415, %and3A_417 : vector<16xi32>
      %bitcast_convert_type3A_419 = tpu.bitcast %and3A_418 : vector<16xi32> -> vector<16xf32>
      %mul3A_420 = arith.mulf %bitcast_convert_type3A_419, %bitcast_convert_type3A_47 : vector<16xf32>
      %add3A_421 = arith.addf %add3A_87, %mul3A_420 : vector<16xf32>
      %gt3A_422 = arith.constant 0.000000e+00 : f32
      %gt3A_423 = vector.broadcast %gt3A_422 : f32 to vector<16xf32>
      %gt3A_424 = arith.cmpf ogt, %add3A_421, %gt3A_423 : vector<16xf32>
      %ne3A_425 = arith.xori %gt3A_424, %gt3A_89 : vector<16xi1>
      %select_n3A_426 = arith.select %ne3A_425, %shift_right_arithmetic3A_401, %select_n3A_396 : vector<16xi1>, vector<16xi32>
      %select_n3A_427 = arith.select %ne3A_425, %select_n3A_397, %shift_right_arithmetic3A_401 : vector<16xi1>, vector<16xi32>
      %add3A_428 = arith.addi %select_n3A_427, %select_n3A_426 : vector<16xi32>
      %shift_right_arithmetic3A_429 = arith.constant 1 : i32
      %shift_right_arithmetic3A_430 = vector.broadcast %shift_right_arithmetic3A_429 : i32 to vector<16xi32>
      %shift_right_arithmetic3A_431 = arith.shrsi %add3A_428, %shift_right_arithmetic3A_430 : vector<16xi32>
      %convert_element_type3A_432 = arith.sitofp %shift_right_arithmetic3A_431 : vector<16xi32> to vector<16xf32>
      %mul3A_433 = vector.broadcast %scan3A_54 : f32 to vector<16xf32>
      %mul3A_434 = arith.mulf %convert_element_type3A_432, %mul3A_433 : vector<16xf32>
      %bitcast_convert_type3A_435 = tpu.bitcast %mul3A_434 : vector<16xf32> -> vector<16xi32>
      %shift_right_logical3A_436 = arith.constant 16 : i32
      %shift_right_logical3A_437 = vector.broadcast %shift_right_logical3A_436 : i32 to vector<16xi32>
      %shift_right_logical3A_438 = arith.shrui %bitcast_convert_type3A_435, %shift_right_logical3A_437 : vector<16xi32>
      %and3A_439 = arith.constant 1 : i32
      %and3A_440 = vector.broadcast %and3A_439 : i32 to vector<16xi32>
      %and3A_441 = arith.andi %shift_right_logical3A_438, %and3A_440 : vector<16xi32>
      %add3A_442 = arith.constant 32767 : i32
      %add3A_443 = vector.broadcast %add3A_442 : i32 to vector<16xi32>
      %add3A_444 = arith.addi %bitcast_convert_type3A_435, %add3A_443 : vector<16xi32>
      %add3A_445 = arith.addi %add3A_444, %and3A_441 : vector<16xi32>
      %and3A_446 = arith.constant -65536 : i32
      %and3A_447 = vector.broadcast %and3A_446 : i32 to vector<16xi32>
      %and3A_448 = arith.andi %add3A_445, %and3A_447 : vector<16xi32>
      %bitcast_convert_type3A_449 = tpu.bitcast %and3A_448 : vector<16xi32> -> vector<16xf32>
      %mul3A_450 = arith.mulf %bitcast_convert_type3A_449, %bitcast_convert_type3A_47 : vector<16xf32>
      %add3A_451 = arith.addf %add3A_87, %mul3A_450 : vector<16xf32>
      %gt3A_452 = arith.constant 0.000000e+00 : f32
      %gt3A_453 = vector.broadcast %gt3A_452 : f32 to vector<16xf32>
      %gt3A_454 = arith.cmpf ogt, %add3A_451, %gt3A_453 : vector<16xf32>
      %ne3A_455 = arith.xori %gt3A_454, %gt3A_89 : vector<16xi1>
      %select_n3A_456 = arith.select %ne3A_455, %shift_right_arithmetic3A_431, %select_n3A_426 : vector<16xi1>, vector<16xi32>
      %select_n3A_457 = arith.select %ne3A_455, %select_n3A_427, %shift_right_arithmetic3A_431 : vector<16xi1>, vector<16xi32>
      %masked_sort3A = arith.constant dense<true> : vector<16xi1>
      %masked_sort3A_458 = arith.constant -2147483648 : i32
      %masked_sort3A_459 = vector.broadcast %masked_sort3A_458 : i32 to vector<16xi32>
      %masked_sort3A_460 = arith.xori %select_n3A_456, %masked_sort3A_459 : vector<16xi32>
      %masked_sort3A_461, %masked_sort3A_462, %masked_sort3A_463 = tpu.sort %masked_sort3A_460, %select_n3A masked %masked_sort3A : (vector<16xi32>, vector<16xi32>, vector<16xi1>) -> (vector<16xi1>, vector<16xi32>, vector<16xi32>)
      %masked_sort3A_464 = arith.xori %masked_sort3A_462, %masked_sort3A_459 : vector<16xi32>
      %broadcast_in_dim3A_465 = arith.constant true
      %broadcast_in_dim3A_466 = vector.broadcast %broadcast_in_dim3A_465 : i1 to vector<16xi1>
      %masked_cumsum3A = tpu.scan <sum>, %masked_sort3A_463 masked %broadcast_in_dim3A_466 : vector<16xi32>, vector<16xi1> -> vector<16xi32>
      %sub3A = arith.subi %masked_cumsum3A, %masked_sort3A_463 : vector<16xi32>
      %xor3A = vector.broadcast %reduce_sum3A_95 : i32 to vector<16xi32>
      %xor3A_467 = arith.xori %xor3A, %sub3A : vector<16xi32>
      %gather3A = tpu.vector_load_idx %arg6[%xor3A_467] : memref<1024xf32, #tpu.memory_space<vmem>>[vector<16xi32>], vector<16xf32>,
      %mul3A_468 = arith.constant 16 : i32
      %mul3A_469 = arith.muli %scan3A_64, %mul3A_468 : i32
      %swap3A = arith.index_cast %mul3A_469 : i32 to index
      %swap3A_470 = tpu.vector_load %arg8[%swap3A] {strides = array<i32>} : memref<2048xi32, #tpu.memory_space<vmem>>, vector<16xi32>,
      tpu.vector_store %arg8[%swap3A], %masked_sort3A_464 {strides = array<i32>} : memref<2048xi32, #tpu.memory_space<vmem>>, vector<16xi32>,
      %mul3A_471 = arith.constant 16 : i32
      %mul3A_472 = arith.muli %scan3A_64, %mul3A_471 : i32
      %swap3A_473 = arith.index_cast %mul3A_472 : i32 to index
      %swap3A_474 = tpu.vector_load %arg9[%swap3A_473] {strides = array<i32>} : memref<2048xf32, #tpu.memory_space<vmem>>, vector<16xf32>,
      tpu.vector_store %arg9[%swap3A_473], %gather3A {strides = array<i32>} : memref<2048xf32, #tpu.memory_space<vmem>>, vector<16xf32>,
    }
    %scan3A_59 = arith.constant 128 : i32
    %mul3A_60 = arith.constant 2048 : i32
    %mul3A_61 = arith.muli %add3A, %mul3A_60 : i32
    "tpu.region"() ({
      %run_scoped3A = tpu.sem_alloc : memref<!tpu.dma_semaphore, #tpu.memory_space<semaphore_mem>>
      %dma_start3A = tpu.memref_slice %arg4[%mul3A_61] : memref<65536xi32, #tpu.memory_space<hbm>> -> memref<2048xi32, #tpu.memory_space<hbm>>
      %dma_start3A_64 = tpu.memref_slice %arg4[%mul3A_61] : memref<65536xi32, #tpu.memory_space<hbm>> -> memref<2048xi32, #tpu.memory_space<hbm>>
      tpu.enqueue_dma source(%arg8 : memref<2048xi32, #tpu.memory_space<vmem>>) target(%dma_start3A_64 : memref<2048xi32, #tpu.memory_space<hbm>>) target_semaphore(%run_scoped3A : memref<!tpu.dma_semaphore, #tpu.memory_space<semaphore_mem>>)
      %dma_wait3A = tpu.memref_slice %arg4[%mul3A_61] : memref<65536xi32, #tpu.memory_space<hbm>> -> memref<2048xi32, #tpu.memory_space<hbm>>
      %dma_wait3A_65 = tpu.memref_slice %arg4[%mul3A_61] : memref<65536xi32, #tpu.memory_space<hbm>> -> memref<2048xi32, #tpu.memory_space<hbm>>
      tpu.wait_dma2 semaphore(%run_scoped3A : memref<!tpu.dma_semaphore, #tpu.memory_space<semaphore_mem>>) src(%arg8 : memref<2048xi32, #tpu.memory_space<vmem>>) dst(%dma_wait3A_65 : memref<2048xi32, #tpu.memory_space<hbm>>)
      tpu.yield
    }) : () -> ()
    %mul3A_62 = arith.constant 2048 : i32
    %mul3A_63 = arith.muli %add3A, %mul3A_62 : i32
    "tpu.region"() ({
      %run_scoped3A = tpu.sem_alloc : memref<!tpu.dma_semaphore, #tpu.memory_space<semaphore_mem>>
      %dma_start3A = tpu.memref_slice %arg5[%mul3A_63] : memref<65536xf32, #tpu.memory_space<hbm>> -> memref<2048xf32, #tpu.memory_space<hbm>>
      %dma_start3A_64 = tpu.memref_slice %arg5[%mul3A_63] : memref<65536xf32, #tpu.memory_space<hbm>> -> memref<2048xf32, #tpu.memory_space<hbm>>
      tpu.enqueue_dma source(%arg9 : memref<2048xf32, #tpu.memory_space<vmem>>) target(%dma_start3A_64 : memref<2048xf32, #tpu.memory_space<hbm>>) target_semaphore(%run_scoped3A : memref<!tpu.dma_semaphore, #tpu.memory_space<semaphore_mem>>)
      %dma_wait3A = tpu.memref_slice %arg5[%mul3A_63] : memref<65536xf32, #tpu.memory_space<hbm>> -> memref<2048xf32, #tpu.memory_space<hbm>>
      %dma_wait3A_65 = tpu.memref_slice %arg5[%mul3A_63] : memref<65536xf32, #tpu.memory_space<hbm>> -> memref<2048xf32, #tpu.memory_space<hbm>>
      tpu.wait_dma2 semaphore(%run_scoped3A : memref<!tpu.dma_semaphore, #tpu.memory_space<semaphore_mem>>) src(%arg9 : memref<2048xf32, #tpu.memory_space<vmem>>) dst(%dma_wait3A_65 : memref<2048xf32, #tpu.memory_space<hbm>>)
      tpu.yield
    }) : () -> ()
    return
  }
}

module attributes {stable_mosaic.version = 14 : i64} {
  func.func @_tc_expand_body(%arg0: i32, %arg1: memref<128x16xi32, #tpu.memory_space<vmem>>, %arg2: memref<128x16xf32, #tpu.memory_space<vmem>>, %arg3: memref<128x4096xf32, #tpu.memory_space<vmem>>) attributes {dimension_semantics = [#tpu.dimension_semantics<arbitrary>], iteration_bounds = array<i64: 32>, scalar_prefetch = 0 : i64, scratch_operands = 0 : i64, tpu.core_type = #tpu.core_type<tc>, window_params = [{transform_indices = @transform_0, window_bounds = array<i64: 128, 16>}, {transform_indices = @transform_1, window_bounds = array<i64: 128, 16>}, {transform_indices = @transform_2, window_bounds = array<i64: 128, 4096>}]} {
    %iota3A = tpu.iota {dimensions = array<i32: 1>} : vector<1x4096xi32>
    %add3A = arith.constant 0 : i32
    %add3A_0 = vector.broadcast %add3A : i32 to vector<1x4096xi32>
    %add3A_1 = arith.addi %iota3A, %add3A_0 : vector<1x4096xi32>
    %get3A = arith.constant 0 : index
    %get3A_2 = arith.constant 0 : index
    %get3A_3 = vector.load %arg2[%get3A, %get3A_2] : memref<128x16xf32, #tpu.memory_space<vmem>>, vector<8x1xf32>
    %broadcast_in_dim3A = vector.shape_cast %get3A_3 : vector<8x1xf32> to vector<8x1xf32>
    %broadcast_in_dim3A_4 = vector.broadcast %broadcast_in_dim3A : vector<8x1xf32> to vector<8x4096xf32>
    %get3A_5 = arith.constant 0 : index
    %get3A_6 = arith.constant 0 : index
    %get3A_7 = vector.load %arg1[%get3A_5, %get3A_6] : memref<128x16xi32, #tpu.memory_space<vmem>>, vector<8x1xi32>
    %ge3A = vector.broadcast %add3A_1 : vector<1x4096xi32> to vector<8x4096xi32>
    %ge3A_8 = vector.broadcast %get3A_7 : vector<8x1xi32> to vector<8x4096xi32>
    %ge3A_9 = arith.cmpi sge, %ge3A, %ge3A_8 : vector<8x4096xi32>
    %get3A_10 = arith.constant 0 : index
    %get3A_11 = arith.constant 1 : index
    %get3A_12 = vector.load %arg2[%get3A_10, %get3A_11] : memref<128x16xf32, #tpu.memory_space<vmem>>, vector<8x1xf32>
    %broadcast_in_dim3A_13 = vector.shape_cast %get3A_12 : vector<8x1xf32> to vector<8x1xf32>
    %broadcast_in_dim3A_14 = vector.broadcast %broadcast_in_dim3A_13 : vector<8x1xf32> to vector<8x4096xf32>
    %select_n3A = arith.select %ge3A_9, %broadcast_in_dim3A_14, %broadcast_in_dim3A_4 : vector<8x4096xi1>, vector<8x4096xf32>
    %get3A_15 = arith.constant 0 : index
    %get3A_16 = arith.constant 1 : index
    %get3A_17 = vector.load %arg1[%get3A_15, %get3A_16] : memref<128x16xi32, #tpu.memory_space<vmem>>, vector<8x1xi32>
    %ge3A_18 = vector.broadcast %add3A_1 : vector<1x4096xi32> to vector<8x4096xi32>
    %ge3A_19 = vector.broadcast %get3A_17 : vector<8x1xi32> to vector<8x4096xi32>
    %ge3A_20 = arith.cmpi sge, %ge3A_18, %ge3A_19 : vector<8x4096xi32>
    %get3A_21 = arith.constant 0 : index
    %get3A_22 = arith.constant 2 : index
    %get3A_23 = vector.load %arg2[%get3A_21, %get3A_22] : memref<128x16xf32, #tpu.memory_space<vmem>>, vector<8x1xf32>
    %broadcast_in_dim3A_24 = vector.shape_cast %get3A_23 : vector<8x1xf32> to vector<8x1xf32>
    %broadcast_in_dim3A_25 = vector.broadcast %broadcast_in_dim3A_24 : vector<8x1xf32> to vector<8x4096xf32>
    %select_n3A_26 = arith.select %ge3A_20, %broadcast_in_dim3A_25, %select_n3A : vector<8x4096xi1>, vector<8x4096xf32>
    %get3A_27 = arith.constant 0 : index
    %get3A_28 = arith.constant 2 : index
    %get3A_29 = vector.load %arg1[%get3A_27, %get3A_28] : memref<128x16xi32, #tpu.memory_space<vmem>>, vector<8x1xi32>
    %ge3A_30 = vector.broadcast %add3A_1 : vector<1x4096xi32> to vector<8x4096xi32>
    %ge3A_31 = vector.broadcast %get3A_29 : vector<8x1xi32> to vector<8x4096xi32>
    %ge3A_32 = arith.cmpi sge, %ge3A_30, %ge3A_31 : vector<8x4096xi32>
    %get3A_33 = arith.constant 0 : index
    %get3A_34 = arith.constant 3 : index
    %get3A_35 = vector.load %arg2[%get3A_33, %get3A_34] : memref<128x16xf32, #tpu.memory_space<vmem>>, vector<8x1xf32>
    %broadcast_in_dim3A_36 = vector.shape_cast %get3A_35 : vector<8x1xf32> to vector<8x1xf32>
    %broadcast_in_dim3A_37 = vector.broadcast %broadcast_in_dim3A_36 : vector<8x1xf32> to vector<8x4096xf32>
    %select_n3A_38 = arith.select %ge3A_32, %broadcast_in_dim3A_37, %select_n3A_26 : vector<8x4096xi1>, vector<8x4096xf32>
    %get3A_39 = arith.constant 0 : index
    %get3A_40 = arith.constant 3 : index
    %get3A_41 = vector.load %arg1[%get3A_39, %get3A_40] : memref<128x16xi32, #tpu.memory_space<vmem>>, vector<8x1xi32>
    %ge3A_42 = vector.broadcast %add3A_1 : vector<1x4096xi32> to vector<8x4096xi32>
    %ge3A_43 = vector.broadcast %get3A_41 : vector<8x1xi32> to vector<8x4096xi32>
    %ge3A_44 = arith.cmpi sge, %ge3A_42, %ge3A_43 : vector<8x4096xi32>
    %get3A_45 = arith.constant 0 : index
    %get3A_46 = arith.constant 4 : index
    %get3A_47 = vector.load %arg2[%get3A_45, %get3A_46] : memref<128x16xf32, #tpu.memory_space<vmem>>, vector<8x1xf32>
    %broadcast_in_dim3A_48 = vector.shape_cast %get3A_47 : vector<8x1xf32> to vector<8x1xf32>
    %broadcast_in_dim3A_49 = vector.broadcast %broadcast_in_dim3A_48 : vector<8x1xf32> to vector<8x4096xf32>
    %select_n3A_50 = arith.select %ge3A_44, %broadcast_in_dim3A_49, %select_n3A_38 : vector<8x4096xi1>, vector<8x4096xf32>
    %get3A_51 = arith.constant 0 : index
    %get3A_52 = arith.constant 4 : index
    %get3A_53 = vector.load %arg1[%get3A_51, %get3A_52] : memref<128x16xi32, #tpu.memory_space<vmem>>, vector<8x1xi32>
    %ge3A_54 = vector.broadcast %add3A_1 : vector<1x4096xi32> to vector<8x4096xi32>
    %ge3A_55 = vector.broadcast %get3A_53 : vector<8x1xi32> to vector<8x4096xi32>
    %ge3A_56 = arith.cmpi sge, %ge3A_54, %ge3A_55 : vector<8x4096xi32>
    %get3A_57 = arith.constant 0 : index
    %get3A_58 = arith.constant 5 : index
    %get3A_59 = vector.load %arg2[%get3A_57, %get3A_58] : memref<128x16xf32, #tpu.memory_space<vmem>>, vector<8x1xf32>
    %broadcast_in_dim3A_60 = vector.shape_cast %get3A_59 : vector<8x1xf32> to vector<8x1xf32>
    %broadcast_in_dim3A_61 = vector.broadcast %broadcast_in_dim3A_60 : vector<8x1xf32> to vector<8x4096xf32>
    %select_n3A_62 = arith.select %ge3A_56, %broadcast_in_dim3A_61, %select_n3A_50 : vector<8x4096xi1>, vector<8x4096xf32>
    %get3A_63 = arith.constant 0 : index
    %get3A_64 = arith.constant 5 : index
    %get3A_65 = vector.load %arg1[%get3A_63, %get3A_64] : memref<128x16xi32, #tpu.memory_space<vmem>>, vector<8x1xi32>
    %ge3A_66 = vector.broadcast %add3A_1 : vector<1x4096xi32> to vector<8x4096xi32>
    %ge3A_67 = vector.broadcast %get3A_65 : vector<8x1xi32> to vector<8x4096xi32>
    %ge3A_68 = arith.cmpi sge, %ge3A_66, %ge3A_67 : vector<8x4096xi32>
    %get3A_69 = arith.constant 0 : index
    %get3A_70 = arith.constant 6 : index
    %get3A_71 = vector.load %arg2[%get3A_69, %get3A_70] : memref<128x16xf32, #tpu.memory_space<vmem>>, vector<8x1xf32>
    %broadcast_in_dim3A_72 = vector.shape_cast %get3A_71 : vector<8x1xf32> to vector<8x1xf32>
    %broadcast_in_dim3A_73 = vector.broadcast %broadcast_in_dim3A_72 : vector<8x1xf32> to vector<8x4096xf32>
    %select_n3A_74 = arith.select %ge3A_68, %broadcast_in_dim3A_73, %select_n3A_62 : vector<8x4096xi1>, vector<8x4096xf32>
    %get3A_75 = arith.constant 0 : index
    %get3A_76 = arith.constant 6 : index
    %get3A_77 = vector.load %arg1[%get3A_75, %get3A_76] : memref<128x16xi32, #tpu.memory_space<vmem>>, vector<8x1xi32>
    %ge3A_78 = vector.broadcast %add3A_1 : vector<1x4096xi32> to vector<8x4096xi32>
    %ge3A_79 = vector.broadcast %get3A_77 : vector<8x1xi32> to vector<8x4096xi32>
    %ge3A_80 = arith.cmpi sge, %ge3A_78, %ge3A_79 : vector<8x4096xi32>
    %get3A_81 = arith.constant 0 : index
    %get3A_82 = arith.constant 7 : index
    %get3A_83 = vector.load %arg2[%get3A_81, %get3A_82] : memref<128x16xf32, #tpu.memory_space<vmem>>, vector<8x1xf32>
    %broadcast_in_dim3A_84 = vector.shape_cast %get3A_83 : vector<8x1xf32> to vector<8x1xf32>
    %broadcast_in_dim3A_85 = vector.broadcast %broadcast_in_dim3A_84 : vector<8x1xf32> to vector<8x4096xf32>
    %select_n3A_86 = arith.select %ge3A_80, %broadcast_in_dim3A_85, %select_n3A_74 : vector<8x4096xi1>, vector<8x4096xf32>
    %get3A_87 = arith.constant 0 : index
    %get3A_88 = arith.constant 7 : index
    %get3A_89 = vector.load %arg1[%get3A_87, %get3A_88] : memref<128x16xi32, #tpu.memory_space<vmem>>, vector<8x1xi32>
    %ge3A_90 = vector.broadcast %add3A_1 : vector<1x4096xi32> to vector<8x4096xi32>
    %ge3A_91 = vector.broadcast %get3A_89 : vector<8x1xi32> to vector<8x4096xi32>
    %ge3A_92 = arith.cmpi sge, %ge3A_90, %ge3A_91 : vector<8x4096xi32>
    %get3A_93 = arith.constant 0 : index
    %get3A_94 = arith.constant 8 : index
    %get3A_95 = vector.load %arg2[%get3A_93, %get3A_94] : memref<128x16xf32, #tpu.memory_space<vmem>>, vector<8x1xf32>
    %broadcast_in_dim3A_96 = vector.shape_cast %get3A_95 : vector<8x1xf32> to vector<8x1xf32>
    %broadcast_in_dim3A_97 = vector.broadcast %broadcast_in_dim3A_96 : vector<8x1xf32> to vector<8x4096xf32>
    %select_n3A_98 = arith.select %ge3A_92, %broadcast_in_dim3A_97, %select_n3A_86 : vector<8x4096xi1>, vector<8x4096xf32>
    %get3A_99 = arith.constant 0 : index
    %get3A_100 = arith.constant 8 : index
    %get3A_101 = vector.load %arg1[%get3A_99, %get3A_100] : memref<128x16xi32, #tpu.memory_space<vmem>>, vector<8x1xi32>
    %ge3A_102 = vector.broadcast %add3A_1 : vector<1x4096xi32> to vector<8x4096xi32>
    %ge3A_103 = vector.broadcast %get3A_101 : vector<8x1xi32> to vector<8x4096xi32>
    %ge3A_104 = arith.cmpi sge, %ge3A_102, %ge3A_103 : vector<8x4096xi32>
    %get3A_105 = arith.constant 0 : index
    %get3A_106 = arith.constant 9 : index
    %get3A_107 = vector.load %arg2[%get3A_105, %get3A_106] : memref<128x16xf32, #tpu.memory_space<vmem>>, vector<8x1xf32>
    %broadcast_in_dim3A_108 = vector.shape_cast %get3A_107 : vector<8x1xf32> to vector<8x1xf32>
    %broadcast_in_dim3A_109 = vector.broadcast %broadcast_in_dim3A_108 : vector<8x1xf32> to vector<8x4096xf32>
    %select_n3A_110 = arith.select %ge3A_104, %broadcast_in_dim3A_109, %select_n3A_98 : vector<8x4096xi1>, vector<8x4096xf32>
    %get3A_111 = arith.constant 0 : index
    %get3A_112 = arith.constant 9 : index
    %get3A_113 = vector.load %arg1[%get3A_111, %get3A_112] : memref<128x16xi32, #tpu.memory_space<vmem>>, vector<8x1xi32>
    %ge3A_114 = vector.broadcast %add3A_1 : vector<1x4096xi32> to vector<8x4096xi32>
    %ge3A_115 = vector.broadcast %get3A_113 : vector<8x1xi32> to vector<8x4096xi32>
    %ge3A_116 = arith.cmpi sge, %ge3A_114, %ge3A_115 : vector<8x4096xi32>
    %get3A_117 = arith.constant 0 : index
    %get3A_118 = arith.constant 10 : index
    %get3A_119 = vector.load %arg2[%get3A_117, %get3A_118] : memref<128x16xf32, #tpu.memory_space<vmem>>, vector<8x1xf32>
    %broadcast_in_dim3A_120 = vector.shape_cast %get3A_119 : vector<8x1xf32> to vector<8x1xf32>
    %broadcast_in_dim3A_121 = vector.broadcast %broadcast_in_dim3A_120 : vector<8x1xf32> to vector<8x4096xf32>
    %select_n3A_122 = arith.select %ge3A_116, %broadcast_in_dim3A_121, %select_n3A_110 : vector<8x4096xi1>, vector<8x4096xf32>
    %swap3A = arith.constant 0 : index
    %swap3A_123 = arith.constant 0 : index
    %swap3A_124 = vector.load %arg3[%swap3A, %swap3A_123] : memref<128x4096xf32, #tpu.memory_space<vmem>>, vector<8x4096xf32>
    tpu.vector_store %arg3[%swap3A, %swap3A_123], %select_n3A_122 {strides = array<i32>} : memref<128x4096xf32, #tpu.memory_space<vmem>>, vector<8x4096xf32>,
    %iota3A_125 = tpu.iota {dimensions = array<i32: 1>} : vector<1x4096xi32>
    %add3A_126 = arith.constant 0 : i32
    %add3A_127 = vector.broadcast %add3A_126 : i32 to vector<1x4096xi32>
    %add3A_128 = arith.addi %iota3A_125, %add3A_127 : vector<1x4096xi32>
    %get3A_129 = arith.constant 8 : index
    %get3A_130 = arith.constant 0 : index
    %get3A_131 = vector.load %arg2[%get3A_129, %get3A_130] : memref<128x16xf32, #tpu.memory_space<vmem>>, vector<8x1xf32>
    %broadcast_in_dim3A_132 = vector.shape_cast %get3A_131 : vector<8x1xf32> to vector<8x1xf32>
    %broadcast_in_dim3A_133 = vector.broadcast %broadcast_in_dim3A_132 : vector<8x1xf32> to vector<8x4096xf32>
    %get3A_134 = arith.constant 8 : index
    %get3A_135 = arith.constant 0 : index
    %get3A_136 = vector.load %arg1[%get3A_134, %get3A_135] : memref<128x16xi32, #tpu.memory_space<vmem>>, vector<8x1xi32>
    %ge3A_137 = vector.broadcast %add3A_128 : vector<1x4096xi32> to vector<8x4096xi32>
    %ge3A_138 = vector.broadcast %get3A_136 : vector<8x1xi32> to vector<8x4096xi32>
    %ge3A_139 = arith.cmpi sge, %ge3A_137, %ge3A_138 : vector<8x4096xi32>
    %get3A_140 = arith.constant 8 : index
    %get3A_141 = arith.constant 1 : index
    %get3A_142 = vector.load %arg2[%get3A_140, %get3A_141] : memref<128x16xf32, #tpu.memory_space<vmem>>, vector<8x1xf32>
    %broadcast_in_dim3A_143 = vector.shape_cast %get3A_142 : vector<8x1xf32> to vector<8x1xf32>
    %broadcast_in_dim3A_144 = vector.broadcast %broadcast_in_dim3A_143 : vector<8x1xf32> to vector<8x4096xf32>
    %select_n3A_145 = arith.select %ge3A_139, %broadcast_in_dim3A_144, %broadcast_in_dim3A_133 : vector<8x4096xi1>, vector<8x4096xf32>
    %get3A_146 = arith.constant 8 : index
    %get3A_147 = arith.constant 1 : index
    %get3A_148 = vector.load %arg1[%get3A_146, %get3A_147] : memref<128x16xi32, #tpu.memory_space<vmem>>, vector<8x1xi32>
    %ge3A_149 = vector.broadcast %add3A_128 : vector<1x4096xi32> to vector<8x4096xi32>
    %ge3A_150 = vector.broadcast %get3A_148 : vector<8x1xi32> to vector<8x4096xi32>
    %ge3A_151 = arith.cmpi sge, %ge3A_149, %ge3A_150 : vector<8x4096xi32>
    %get3A_152 = arith.constant 8 : index
    %get3A_153 = arith.constant 2 : index
    %get3A_154 = vector.load %arg2[%get3A_152, %get3A_153] : memref<128x16xf32, #tpu.memory_space<vmem>>, vector<8x1xf32>
    %broadcast_in_dim3A_155 = vector.shape_cast %get3A_154 : vector<8x1xf32> to vector<8x1xf32>
    %broadcast_in_dim3A_156 = vector.broadcast %broadcast_in_dim3A_155 : vector<8x1xf32> to vector<8x4096xf32>
    %select_n3A_157 = arith.select %ge3A_151, %broadcast_in_dim3A_156, %select_n3A_145 : vector<8x4096xi1>, vector<8x4096xf32>
    %get3A_158 = arith.constant 8 : index
    %get3A_159 = arith.constant 2 : index
    %get3A_160 = vector.load %arg1[%get3A_158, %get3A_159] : memref<128x16xi32, #tpu.memory_space<vmem>>, vector<8x1xi32>
    %ge3A_161 = vector.broadcast %add3A_128 : vector<1x4096xi32> to vector<8x4096xi32>
    %ge3A_162 = vector.broadcast %get3A_160 : vector<8x1xi32> to vector<8x4096xi32>
    %ge3A_163 = arith.cmpi sge, %ge3A_161, %ge3A_162 : vector<8x4096xi32>
    %get3A_164 = arith.constant 8 : index
    %get3A_165 = arith.constant 3 : index
    %get3A_166 = vector.load %arg2[%get3A_164, %get3A_165] : memref<128x16xf32, #tpu.memory_space<vmem>>, vector<8x1xf32>
    %broadcast_in_dim3A_167 = vector.shape_cast %get3A_166 : vector<8x1xf32> to vector<8x1xf32>
    %broadcast_in_dim3A_168 = vector.broadcast %broadcast_in_dim3A_167 : vector<8x1xf32> to vector<8x4096xf32>
    %select_n3A_169 = arith.select %ge3A_163, %broadcast_in_dim3A_168, %select_n3A_157 : vector<8x4096xi1>, vector<8x4096xf32>
    %get3A_170 = arith.constant 8 : index
    %get3A_171 = arith.constant 3 : index
    %get3A_172 = vector.load %arg1[%get3A_170, %get3A_171] : memref<128x16xi32, #tpu.memory_space<vmem>>, vector<8x1xi32>
    %ge3A_173 = vector.broadcast %add3A_128 : vector<1x4096xi32> to vector<8x4096xi32>
    %ge3A_174 = vector.broadcast %get3A_172 : vector<8x1xi32> to vector<8x4096xi32>
    %ge3A_175 = arith.cmpi sge, %ge3A_173, %ge3A_174 : vector<8x4096xi32>
    %get3A_176 = arith.constant 8 : index
    %get3A_177 = arith.constant 4 : index
    %get3A_178 = vector.load %arg2[%get3A_176, %get3A_177] : memref<128x16xf32, #tpu.memory_space<vmem>>, vector<8x1xf32>
    %broadcast_in_dim3A_179 = vector.shape_cast %get3A_178 : vector<8x1xf32> to vector<8x1xf32>
    %broadcast_in_dim3A_180 = vector.broadcast %broadcast_in_dim3A_179 : vector<8x1xf32> to vector<8x4096xf32>
    %select_n3A_181 = arith.select %ge3A_175, %broadcast_in_dim3A_180, %select_n3A_169 : vector<8x4096xi1>, vector<8x4096xf32>
    %get3A_182 = arith.constant 8 : index
    %get3A_183 = arith.constant 4 : index
    %get3A_184 = vector.load %arg1[%get3A_182, %get3A_183] : memref<128x16xi32, #tpu.memory_space<vmem>>, vector<8x1xi32>
    %ge3A_185 = vector.broadcast %add3A_128 : vector<1x4096xi32> to vector<8x4096xi32>
    %ge3A_186 = vector.broadcast %get3A_184 : vector<8x1xi32> to vector<8x4096xi32>
    %ge3A_187 = arith.cmpi sge, %ge3A_185, %ge3A_186 : vector<8x4096xi32>
    %get3A_188 = arith.constant 8 : index
    %get3A_189 = arith.constant 5 : index
    %get3A_190 = vector.load %arg2[%get3A_188, %get3A_189] : memref<128x16xf32, #tpu.memory_space<vmem>>, vector<8x1xf32>
    %broadcast_in_dim3A_191 = vector.shape_cast %get3A_190 : vector<8x1xf32> to vector<8x1xf32>
    %broadcast_in_dim3A_192 = vector.broadcast %broadcast_in_dim3A_191 : vector<8x1xf32> to vector<8x4096xf32>
    %select_n3A_193 = arith.select %ge3A_187, %broadcast_in_dim3A_192, %select_n3A_181 : vector<8x4096xi1>, vector<8x4096xf32>
    %get3A_194 = arith.constant 8 : index
    %get3A_195 = arith.constant 5 : index
    %get3A_196 = vector.load %arg1[%get3A_194, %get3A_195] : memref<128x16xi32, #tpu.memory_space<vmem>>, vector<8x1xi32>
    %ge3A_197 = vector.broadcast %add3A_128 : vector<1x4096xi32> to vector<8x4096xi32>
    %ge3A_198 = vector.broadcast %get3A_196 : vector<8x1xi32> to vector<8x4096xi32>
    %ge3A_199 = arith.cmpi sge, %ge3A_197, %ge3A_198 : vector<8x4096xi32>
    %get3A_200 = arith.constant 8 : index
    %get3A_201 = arith.constant 6 : index
    %get3A_202 = vector.load %arg2[%get3A_200, %get3A_201] : memref<128x16xf32, #tpu.memory_space<vmem>>, vector<8x1xf32>
    %broadcast_in_dim3A_203 = vector.shape_cast %get3A_202 : vector<8x1xf32> to vector<8x1xf32>
    %broadcast_in_dim3A_204 = vector.broadcast %broadcast_in_dim3A_203 : vector<8x1xf32> to vector<8x4096xf32>
    %select_n3A_205 = arith.select %ge3A_199, %broadcast_in_dim3A_204, %select_n3A_193 : vector<8x4096xi1>, vector<8x4096xf32>
    %get3A_206 = arith.constant 8 : index
    %get3A_207 = arith.constant 6 : index
    %get3A_208 = vector.load %arg1[%get3A_206, %get3A_207] : memref<128x16xi32, #tpu.memory_space<vmem>>, vector<8x1xi32>
    %ge3A_209 = vector.broadcast %add3A_128 : vector<1x4096xi32> to vector<8x4096xi32>
    %ge3A_210 = vector.broadcast %get3A_208 : vector<8x1xi32> to vector<8x4096xi32>
    %ge3A_211 = arith.cmpi sge, %ge3A_209, %ge3A_210 : vector<8x4096xi32>
    %get3A_212 = arith.constant 8 : index
    %get3A_213 = arith.constant 7 : index
    %get3A_214 = vector.load %arg2[%get3A_212, %get3A_213] : memref<128x16xf32, #tpu.memory_space<vmem>>, vector<8x1xf32>
    %broadcast_in_dim3A_215 = vector.shape_cast %get3A_214 : vector<8x1xf32> to vector<8x1xf32>
    %broadcast_in_dim3A_216 = vector.broadcast %broadcast_in_dim3A_215 : vector<8x1xf32> to vector<8x4096xf32>
    %select_n3A_217 = arith.select %ge3A_211, %broadcast_in_dim3A_216, %select_n3A_205 : vector<8x4096xi1>, vector<8x4096xf32>
    %get3A_218 = arith.constant 8 : index
    %get3A_219 = arith.constant 7 : index
    %get3A_220 = vector.load %arg1[%get3A_218, %get3A_219] : memref<128x16xi32, #tpu.memory_space<vmem>>, vector<8x1xi32>
    %ge3A_221 = vector.broadcast %add3A_128 : vector<1x4096xi32> to vector<8x4096xi32>
    %ge3A_222 = vector.broadcast %get3A_220 : vector<8x1xi32> to vector<8x4096xi32>
    %ge3A_223 = arith.cmpi sge, %ge3A_221, %ge3A_222 : vector<8x4096xi32>
    %get3A_224 = arith.constant 8 : index
    %get3A_225 = arith.constant 8 : index
    %get3A_226 = vector.load %arg2[%get3A_224, %get3A_225] : memref<128x16xf32, #tpu.memory_space<vmem>>, vector<8x1xf32>
    %broadcast_in_dim3A_227 = vector.shape_cast %get3A_226 : vector<8x1xf32> to vector<8x1xf32>
    %broadcast_in_dim3A_228 = vector.broadcast %broadcast_in_dim3A_227 : vector<8x1xf32> to vector<8x4096xf32>
    %select_n3A_229 = arith.select %ge3A_223, %broadcast_in_dim3A_228, %select_n3A_217 : vector<8x4096xi1>, vector<8x4096xf32>
    %get3A_230 = arith.constant 8 : index
    %get3A_231 = arith.constant 8 : index
    %get3A_232 = vector.load %arg1[%get3A_230, %get3A_231] : memref<128x16xi32, #tpu.memory_space<vmem>>, vector<8x1xi32>
    %ge3A_233 = vector.broadcast %add3A_128 : vector<1x4096xi32> to vector<8x4096xi32>
    %ge3A_234 = vector.broadcast %get3A_232 : vector<8x1xi32> to vector<8x4096xi32>
    %ge3A_235 = arith.cmpi sge, %ge3A_233, %ge3A_234 : vector<8x4096xi32>
    %get3A_236 = arith.constant 8 : index
    %get3A_237 = arith.constant 9 : index
    %get3A_238 = vector.load %arg2[%get3A_236, %get3A_237] : memref<128x16xf32, #tpu.memory_space<vmem>>, vector<8x1xf32>
    %broadcast_in_dim3A_239 = vector.shape_cast %get3A_238 : vector<8x1xf32> to vector<8x1xf32>
    %broadcast_in_dim3A_240 = vector.broadcast %broadcast_in_dim3A_239 : vector<8x1xf32> to vector<8x4096xf32>
    %select_n3A_241 = arith.select %ge3A_235, %broadcast_in_dim3A_240, %select_n3A_229 : vector<8x4096xi1>, vector<8x4096xf32>
    %get3A_242 = arith.constant 8 : index
    %get3A_243 = arith.constant 9 : index
    %get3A_244 = vector.load %arg1[%get3A_242, %get3A_243] : memref<128x16xi32, #tpu.memory_space<vmem>>, vector<8x1xi32>
    %ge3A_245 = vector.broadcast %add3A_128 : vector<1x4096xi32> to vector<8x4096xi32>
    %ge3A_246 = vector.broadcast %get3A_244 : vector<8x1xi32> to vector<8x4096xi32>
    %ge3A_247 = arith.cmpi sge, %ge3A_245, %ge3A_246 : vector<8x4096xi32>
    %get3A_248 = arith.constant 8 : index
    %get3A_249 = arith.constant 10 : index
    %get3A_250 = vector.load %arg2[%get3A_248, %get3A_249] : memref<128x16xf32, #tpu.memory_space<vmem>>, vector<8x1xf32>
    %broadcast_in_dim3A_251 = vector.shape_cast %get3A_250 : vector<8x1xf32> to vector<8x1xf32>
    %broadcast_in_dim3A_252 = vector.broadcast %broadcast_in_dim3A_251 : vector<8x1xf32> to vector<8x4096xf32>
    %select_n3A_253 = arith.select %ge3A_247, %broadcast_in_dim3A_252, %select_n3A_241 : vector<8x4096xi1>, vector<8x4096xf32>
    %swap3A_254 = arith.constant 8 : index
    %swap3A_255 = arith.constant 0 : index
    %swap3A_256 = vector.load %arg3[%swap3A_254, %swap3A_255] : memref<128x4096xf32, #tpu.memory_space<vmem>>, vector<8x4096xf32>
    tpu.vector_store %arg3[%swap3A_254, %swap3A_255], %select_n3A_253 {strides = array<i32>} : memref<128x4096xf32, #tpu.memory_space<vmem>>, vector<8x4096xf32>,
    %iota3A_257 = tpu.iota {dimensions = array<i32: 1>} : vector<1x4096xi32>
    %add3A_258 = arith.constant 0 : i32
    %add3A_259 = vector.broadcast %add3A_258 : i32 to vector<1x4096xi32>
    %add3A_260 = arith.addi %iota3A_257, %add3A_259 : vector<1x4096xi32>
    %get3A_261 = arith.constant 16 : index
    %get3A_262 = arith.constant 0 : index
    %get3A_263 = vector.load %arg2[%get3A_261, %get3A_262] : memref<128x16xf32, #tpu.memory_space<vmem>>, vector<8x1xf32>
    %broadcast_in_dim3A_264 = vector.shape_cast %get3A_263 : vector<8x1xf32> to vector<8x1xf32>
    %broadcast_in_dim3A_265 = vector.broadcast %broadcast_in_dim3A_264 : vector<8x1xf32> to vector<8x4096xf32>
    %get3A_266 = arith.constant 16 : index
    %get3A_267 = arith.constant 0 : index
    %get3A_268 = vector.load %arg1[%get3A_266, %get3A_267] : memref<128x16xi32, #tpu.memory_space<vmem>>, vector<8x1xi32>
    %ge3A_269 = vector.broadcast %add3A_260 : vector<1x4096xi32> to vector<8x4096xi32>
    %ge3A_270 = vector.broadcast %get3A_268 : vector<8x1xi32> to vector<8x4096xi32>
    %ge3A_271 = arith.cmpi sge, %ge3A_269, %ge3A_270 : vector<8x4096xi32>
    %get3A_272 = arith.constant 16 : index
    %get3A_273 = arith.constant 1 : index
    %get3A_274 = vector.load %arg2[%get3A_272, %get3A_273] : memref<128x16xf32, #tpu.memory_space<vmem>>, vector<8x1xf32>
    %broadcast_in_dim3A_275 = vector.shape_cast %get3A_274 : vector<8x1xf32> to vector<8x1xf32>
    %broadcast_in_dim3A_276 = vector.broadcast %broadcast_in_dim3A_275 : vector<8x1xf32> to vector<8x4096xf32>
    %select_n3A_277 = arith.select %ge3A_271, %broadcast_in_dim3A_276, %broadcast_in_dim3A_265 : vector<8x4096xi1>, vector<8x4096xf32>
    %get3A_278 = arith.constant 16 : index
    %get3A_279 = arith.constant 1 : index
    %get3A_280 = vector.load %arg1[%get3A_278, %get3A_279] : memref<128x16xi32, #tpu.memory_space<vmem>>, vector<8x1xi32>
    %ge3A_281 = vector.broadcast %add3A_260 : vector<1x4096xi32> to vector<8x4096xi32>
    %ge3A_282 = vector.broadcast %get3A_280 : vector<8x1xi32> to vector<8x4096xi32>
    %ge3A_283 = arith.cmpi sge, %ge3A_281, %ge3A_282 : vector<8x4096xi32>
    %get3A_284 = arith.constant 16 : index
    %get3A_285 = arith.constant 2 : index
    %get3A_286 = vector.load %arg2[%get3A_284, %get3A_285] : memref<128x16xf32, #tpu.memory_space<vmem>>, vector<8x1xf32>
    %broadcast_in_dim3A_287 = vector.shape_cast %get3A_286 : vector<8x1xf32> to vector<8x1xf32>
    %broadcast_in_dim3A_288 = vector.broadcast %broadcast_in_dim3A_287 : vector<8x1xf32> to vector<8x4096xf32>
    %select_n3A_289 = arith.select %ge3A_283, %broadcast_in_dim3A_288, %select_n3A_277 : vector<8x4096xi1>, vector<8x4096xf32>
    %get3A_290 = arith.constant 16 : index
    %get3A_291 = arith.constant 2 : index
    %get3A_292 = vector.load %arg1[%get3A_290, %get3A_291] : memref<128x16xi32, #tpu.memory_space<vmem>>, vector<8x1xi32>
    %ge3A_293 = vector.broadcast %add3A_260 : vector<1x4096xi32> to vector<8x4096xi32>
    %ge3A_294 = vector.broadcast %get3A_292 : vector<8x1xi32> to vector<8x4096xi32>
    %ge3A_295 = arith.cmpi sge, %ge3A_293, %ge3A_294 : vector<8x4096xi32>
    %get3A_296 = arith.constant 16 : index
    %get3A_297 = arith.constant 3 : index
    %get3A_298 = vector.load %arg2[%get3A_296, %get3A_297] : memref<128x16xf32, #tpu.memory_space<vmem>>, vector<8x1xf32>
    %broadcast_in_dim3A_299 = vector.shape_cast %get3A_298 : vector<8x1xf32> to vector<8x1xf32>
    %broadcast_in_dim3A_300 = vector.broadcast %broadcast_in_dim3A_299 : vector<8x1xf32> to vector<8x4096xf32>
    %select_n3A_301 = arith.select %ge3A_295, %broadcast_in_dim3A_300, %select_n3A_289 : vector<8x4096xi1>, vector<8x4096xf32>
    %get3A_302 = arith.constant 16 : index
    %get3A_303 = arith.constant 3 : index
    %get3A_304 = vector.load %arg1[%get3A_302, %get3A_303] : memref<128x16xi32, #tpu.memory_space<vmem>>, vector<8x1xi32>
    %ge3A_305 = vector.broadcast %add3A_260 : vector<1x4096xi32> to vector<8x4096xi32>
    %ge3A_306 = vector.broadcast %get3A_304 : vector<8x1xi32> to vector<8x4096xi32>
    %ge3A_307 = arith.cmpi sge, %ge3A_305, %ge3A_306 : vector<8x4096xi32>
    %get3A_308 = arith.constant 16 : index
    %get3A_309 = arith.constant 4 : index
    %get3A_310 = vector.load %arg2[%get3A_308, %get3A_309] : memref<128x16xf32, #tpu.memory_space<vmem>>, vector<8x1xf32>
    %broadcast_in_dim3A_311 = vector.shape_cast %get3A_310 : vector<8x1xf32> to vector<8x1xf32>
    %broadcast_in_dim3A_312 = vector.broadcast %broadcast_in_dim3A_311 : vector<8x1xf32> to vector<8x4096xf32>
    %select_n3A_313 = arith.select %ge3A_307, %broadcast_in_dim3A_312, %select_n3A_301 : vector<8x4096xi1>, vector<8x4096xf32>
    %get3A_314 = arith.constant 16 : index
    %get3A_315 = arith.constant 4 : index
    %get3A_316 = vector.load %arg1[%get3A_314, %get3A_315] : memref<128x16xi32, #tpu.memory_space<vmem>>, vector<8x1xi32>
    %ge3A_317 = vector.broadcast %add3A_260 : vector<1x4096xi32> to vector<8x4096xi32>
    %ge3A_318 = vector.broadcast %get3A_316 : vector<8x1xi32> to vector<8x4096xi32>
    %ge3A_319 = arith.cmpi sge, %ge3A_317, %ge3A_318 : vector<8x4096xi32>
    %get3A_320 = arith.constant 16 : index
    %get3A_321 = arith.constant 5 : index
    %get3A_322 = vector.load %arg2[%get3A_320, %get3A_321] : memref<128x16xf32, #tpu.memory_space<vmem>>, vector<8x1xf32>
    %broadcast_in_dim3A_323 = vector.shape_cast %get3A_322 : vector<8x1xf32> to vector<8x1xf32>
    %broadcast_in_dim3A_324 = vector.broadcast %broadcast_in_dim3A_323 : vector<8x1xf32> to vector<8x4096xf32>
    %select_n3A_325 = arith.select %ge3A_319, %broadcast_in_dim3A_324, %select_n3A_313 : vector<8x4096xi1>, vector<8x4096xf32>
    %get3A_326 = arith.constant 16 : index
    %get3A_327 = arith.constant 5 : index
    %get3A_328 = vector.load %arg1[%get3A_326, %get3A_327] : memref<128x16xi32, #tpu.memory_space<vmem>>, vector<8x1xi32>
    %ge3A_329 = vector.broadcast %add3A_260 : vector<1x4096xi32> to vector<8x4096xi32>
    %ge3A_330 = vector.broadcast %get3A_328 : vector<8x1xi32> to vector<8x4096xi32>
    %ge3A_331 = arith.cmpi sge, %ge3A_329, %ge3A_330 : vector<8x4096xi32>
    %get3A_332 = arith.constant 16 : index
    %get3A_333 = arith.constant 6 : index
    %get3A_334 = vector.load %arg2[%get3A_332, %get3A_333] : memref<128x16xf32, #tpu.memory_space<vmem>>, vector<8x1xf32>
    %broadcast_in_dim3A_335 = vector.shape_cast %get3A_334 : vector<8x1xf32> to vector<8x1xf32>
    %broadcast_in_dim3A_336 = vector.broadcast %broadcast_in_dim3A_335 : vector<8x1xf32> to vector<8x4096xf32>
    %select_n3A_337 = arith.select %ge3A_331, %broadcast_in_dim3A_336, %select_n3A_325 : vector<8x4096xi1>, vector<8x4096xf32>
    %get3A_338 = arith.constant 16 : index
    %get3A_339 = arith.constant 6 : index
    %get3A_340 = vector.load %arg1[%get3A_338, %get3A_339] : memref<128x16xi32, #tpu.memory_space<vmem>>, vector<8x1xi32>
    %ge3A_341 = vector.broadcast %add3A_260 : vector<1x4096xi32> to vector<8x4096xi32>
    %ge3A_342 = vector.broadcast %get3A_340 : vector<8x1xi32> to vector<8x4096xi32>
    %ge3A_343 = arith.cmpi sge, %ge3A_341, %ge3A_342 : vector<8x4096xi32>
    %get3A_344 = arith.constant 16 : index
    %get3A_345 = arith.constant 7 : index
    %get3A_346 = vector.load %arg2[%get3A_344, %get3A_345] : memref<128x16xf32, #tpu.memory_space<vmem>>, vector<8x1xf32>
    %broadcast_in_dim3A_347 = vector.shape_cast %get3A_346 : vector<8x1xf32> to vector<8x1xf32>
    %broadcast_in_dim3A_348 = vector.broadcast %broadcast_in_dim3A_347 : vector<8x1xf32> to vector<8x4096xf32>
    %select_n3A_349 = arith.select %ge3A_343, %broadcast_in_dim3A_348, %select_n3A_337 : vector<8x4096xi1>, vector<8x4096xf32>
    %get3A_350 = arith.constant 16 : index
    %get3A_351 = arith.constant 7 : index
    %get3A_352 = vector.load %arg1[%get3A_350, %get3A_351] : memref<128x16xi32, #tpu.memory_space<vmem>>, vector<8x1xi32>
    %ge3A_353 = vector.broadcast %add3A_260 : vector<1x4096xi32> to vector<8x4096xi32>
    %ge3A_354 = vector.broadcast %get3A_352 : vector<8x1xi32> to vector<8x4096xi32>
    %ge3A_355 = arith.cmpi sge, %ge3A_353, %ge3A_354 : vector<8x4096xi32>
    %get3A_356 = arith.constant 16 : index
    %get3A_357 = arith.constant 8 : index
    %get3A_358 = vector.load %arg2[%get3A_356, %get3A_357] : memref<128x16xf32, #tpu.memory_space<vmem>>, vector<8x1xf32>
    %broadcast_in_dim3A_359 = vector.shape_cast %get3A_358 : vector<8x1xf32> to vector<8x1xf32>
    %broadcast_in_dim3A_360 = vector.broadcast %broadcast_in_dim3A_359 : vector<8x1xf32> to vector<8x4096xf32>
    %select_n3A_361 = arith.select %ge3A_355, %broadcast_in_dim3A_360, %select_n3A_349 : vector<8x4096xi1>, vector<8x4096xf32>
    %get3A_362 = arith.constant 16 : index
    %get3A_363 = arith.constant 8 : index
    %get3A_364 = vector.load %arg1[%get3A_362, %get3A_363] : memref<128x16xi32, #tpu.memory_space<vmem>>, vector<8x1xi32>
    %ge3A_365 = vector.broadcast %add3A_260 : vector<1x4096xi32> to vector<8x4096xi32>
    %ge3A_366 = vector.broadcast %get3A_364 : vector<8x1xi32> to vector<8x4096xi32>
    %ge3A_367 = arith.cmpi sge, %ge3A_365, %ge3A_366 : vector<8x4096xi32>
    %get3A_368 = arith.constant 16 : index
    %get3A_369 = arith.constant 9 : index
    %get3A_370 = vector.load %arg2[%get3A_368, %get3A_369] : memref<128x16xf32, #tpu.memory_space<vmem>>, vector<8x1xf32>
    %broadcast_in_dim3A_371 = vector.shape_cast %get3A_370 : vector<8x1xf32> to vector<8x1xf32>
    %broadcast_in_dim3A_372 = vector.broadcast %broadcast_in_dim3A_371 : vector<8x1xf32> to vector<8x4096xf32>
    %select_n3A_373 = arith.select %ge3A_367, %broadcast_in_dim3A_372, %select_n3A_361 : vector<8x4096xi1>, vector<8x4096xf32>
    %get3A_374 = arith.constant 16 : index
    %get3A_375 = arith.constant 9 : index
    %get3A_376 = vector.load %arg1[%get3A_374, %get3A_375] : memref<128x16xi32, #tpu.memory_space<vmem>>, vector<8x1xi32>
    %ge3A_377 = vector.broadcast %add3A_260 : vector<1x4096xi32> to vector<8x4096xi32>
    %ge3A_378 = vector.broadcast %get3A_376 : vector<8x1xi32> to vector<8x4096xi32>
    %ge3A_379 = arith.cmpi sge, %ge3A_377, %ge3A_378 : vector<8x4096xi32>
    %get3A_380 = arith.constant 16 : index
    %get3A_381 = arith.constant 10 : index
    %get3A_382 = vector.load %arg2[%get3A_380, %get3A_381] : memref<128x16xf32, #tpu.memory_space<vmem>>, vector<8x1xf32>
    %broadcast_in_dim3A_383 = vector.shape_cast %get3A_382 : vector<8x1xf32> to vector<8x1xf32>
    %broadcast_in_dim3A_384 = vector.broadcast %broadcast_in_dim3A_383 : vector<8x1xf32> to vector<8x4096xf32>
    %select_n3A_385 = arith.select %ge3A_379, %broadcast_in_dim3A_384, %select_n3A_373 : vector<8x4096xi1>, vector<8x4096xf32>
    %swap3A_386 = arith.constant 16 : index
    %swap3A_387 = arith.constant 0 : index
    %swap3A_388 = vector.load %arg3[%swap3A_386, %swap3A_387] : memref<128x4096xf32, #tpu.memory_space<vmem>>, vector<8x4096xf32>
    tpu.vector_store %arg3[%swap3A_386, %swap3A_387], %select_n3A_385 {strides = array<i32>} : memref<128x4096xf32, #tpu.memory_space<vmem>>, vector<8x4096xf32>,
    %iota3A_389 = tpu.iota {dimensions = array<i32: 1>} : vector<1x4096xi32>
    %add3A_390 = arith.constant 0 : i32
    %add3A_391 = vector.broadcast %add3A_390 : i32 to vector<1x4096xi32>
    %add3A_392 = arith.addi %iota3A_389, %add3A_391 : vector<1x4096xi32>
    %get3A_393 = arith.constant 24 : index
    %get3A_394 = arith.constant 0 : index
    %get3A_395 = vector.load %arg2[%get3A_393, %get3A_394] : memref<128x16xf32, #tpu.memory_space<vmem>>, vector<8x1xf32>
    %broadcast_in_dim3A_396 = vector.shape_cast %get3A_395 : vector<8x1xf32> to vector<8x1xf32>
    %broadcast_in_dim3A_397 = vector.broadcast %broadcast_in_dim3A_396 : vector<8x1xf32> to vector<8x4096xf32>
    %get3A_398 = arith.constant 24 : index
    %get3A_399 = arith.constant 0 : index
    %get3A_400 = vector.load %arg1[%get3A_398, %get3A_399] : memref<128x16xi32, #tpu.memory_space<vmem>>, vector<8x1xi32>
    %ge3A_401 = vector.broadcast %add3A_392 : vector<1x4096xi32> to vector<8x4096xi32>
    %ge3A_402 = vector.broadcast %get3A_400 : vector<8x1xi32> to vector<8x4096xi32>
    %ge3A_403 = arith.cmpi sge, %ge3A_401, %ge3A_402 : vector<8x4096xi32>
    %get3A_404 = arith.constant 24 : index
    %get3A_405 = arith.constant 1 : index
    %get3A_406 = vector.load %arg2[%get3A_404, %get3A_405] : memref<128x16xf32, #tpu.memory_space<vmem>>, vector<8x1xf32>
    %broadcast_in_dim3A_407 = vector.shape_cast %get3A_406 : vector<8x1xf32> to vector<8x1xf32>
    %broadcast_in_dim3A_408 = vector.broadcast %broadcast_in_dim3A_407 : vector<8x1xf32> to vector<8x4096xf32>
    %select_n3A_409 = arith.select %ge3A_403, %broadcast_in_dim3A_408, %broadcast_in_dim3A_397 : vector<8x4096xi1>, vector<8x4096xf32>
    %get3A_410 = arith.constant 24 : index
    %get3A_411 = arith.constant 1 : index
    %get3A_412 = vector.load %arg1[%get3A_410, %get3A_411] : memref<128x16xi32, #tpu.memory_space<vmem>>, vector<8x1xi32>
    %ge3A_413 = vector.broadcast %add3A_392 : vector<1x4096xi32> to vector<8x4096xi32>
    %ge3A_414 = vector.broadcast %get3A_412 : vector<8x1xi32> to vector<8x4096xi32>
    %ge3A_415 = arith.cmpi sge, %ge3A_413, %ge3A_414 : vector<8x4096xi32>
    %get3A_416 = arith.constant 24 : index
    %get3A_417 = arith.constant 2 : index
    %get3A_418 = vector.load %arg2[%get3A_416, %get3A_417] : memref<128x16xf32, #tpu.memory_space<vmem>>, vector<8x1xf32>
    %broadcast_in_dim3A_419 = vector.shape_cast %get3A_418 : vector<8x1xf32> to vector<8x1xf32>
    %broadcast_in_dim3A_420 = vector.broadcast %broadcast_in_dim3A_419 : vector<8x1xf32> to vector<8x4096xf32>
    %select_n3A_421 = arith.select %ge3A_415, %broadcast_in_dim3A_420, %select_n3A_409 : vector<8x4096xi1>, vector<8x4096xf32>
    %get3A_422 = arith.constant 24 : index
    %get3A_423 = arith.constant 2 : index
    %get3A_424 = vector.load %arg1[%get3A_422, %get3A_423] : memref<128x16xi32, #tpu.memory_space<vmem>>, vector<8x1xi32>
    %ge3A_425 = vector.broadcast %add3A_392 : vector<1x4096xi32> to vector<8x4096xi32>
    %ge3A_426 = vector.broadcast %get3A_424 : vector<8x1xi32> to vector<8x4096xi32>
    %ge3A_427 = arith.cmpi sge, %ge3A_425, %ge3A_426 : vector<8x4096xi32>
    %get3A_428 = arith.constant 24 : index
    %get3A_429 = arith.constant 3 : index
    %get3A_430 = vector.load %arg2[%get3A_428, %get3A_429] : memref<128x16xf32, #tpu.memory_space<vmem>>, vector<8x1xf32>
    %broadcast_in_dim3A_431 = vector.shape_cast %get3A_430 : vector<8x1xf32> to vector<8x1xf32>
    %broadcast_in_dim3A_432 = vector.broadcast %broadcast_in_dim3A_431 : vector<8x1xf32> to vector<8x4096xf32>
    %select_n3A_433 = arith.select %ge3A_427, %broadcast_in_dim3A_432, %select_n3A_421 : vector<8x4096xi1>, vector<8x4096xf32>
    %get3A_434 = arith.constant 24 : index
    %get3A_435 = arith.constant 3 : index
    %get3A_436 = vector.load %arg1[%get3A_434, %get3A_435] : memref<128x16xi32, #tpu.memory_space<vmem>>, vector<8x1xi32>
    %ge3A_437 = vector.broadcast %add3A_392 : vector<1x4096xi32> to vector<8x4096xi32>
    %ge3A_438 = vector.broadcast %get3A_436 : vector<8x1xi32> to vector<8x4096xi32>
    %ge3A_439 = arith.cmpi sge, %ge3A_437, %ge3A_438 : vector<8x4096xi32>
    %get3A_440 = arith.constant 24 : index
    %get3A_441 = arith.constant 4 : index
    %get3A_442 = vector.load %arg2[%get3A_440, %get3A_441] : memref<128x16xf32, #tpu.memory_space<vmem>>, vector<8x1xf32>
    %broadcast_in_dim3A_443 = vector.shape_cast %get3A_442 : vector<8x1xf32> to vector<8x1xf32>
    %broadcast_in_dim3A_444 = vector.broadcast %broadcast_in_dim3A_443 : vector<8x1xf32> to vector<8x4096xf32>
    %select_n3A_445 = arith.select %ge3A_439, %broadcast_in_dim3A_444, %select_n3A_433 : vector<8x4096xi1>, vector<8x4096xf32>
    %get3A_446 = arith.constant 24 : index
    %get3A_447 = arith.constant 4 : index
    %get3A_448 = vector.load %arg1[%get3A_446, %get3A_447] : memref<128x16xi32, #tpu.memory_space<vmem>>, vector<8x1xi32>
    %ge3A_449 = vector.broadcast %add3A_392 : vector<1x4096xi32> to vector<8x4096xi32>
    %ge3A_450 = vector.broadcast %get3A_448 : vector<8x1xi32> to vector<8x4096xi32>
    %ge3A_451 = arith.cmpi sge, %ge3A_449, %ge3A_450 : vector<8x4096xi32>
    %get3A_452 = arith.constant 24 : index
    %get3A_453 = arith.constant 5 : index
    %get3A_454 = vector.load %arg2[%get3A_452, %get3A_453] : memref<128x16xf32, #tpu.memory_space<vmem>>, vector<8x1xf32>
    %broadcast_in_dim3A_455 = vector.shape_cast %get3A_454 : vector<8x1xf32> to vector<8x1xf32>
    %broadcast_in_dim3A_456 = vector.broadcast %broadcast_in_dim3A_455 : vector<8x1xf32> to vector<8x4096xf32>
    %select_n3A_457 = arith.select %ge3A_451, %broadcast_in_dim3A_456, %select_n3A_445 : vector<8x4096xi1>, vector<8x4096xf32>
    %get3A_458 = arith.constant 24 : index
    %get3A_459 = arith.constant 5 : index
    %get3A_460 = vector.load %arg1[%get3A_458, %get3A_459] : memref<128x16xi32, #tpu.memory_space<vmem>>, vector<8x1xi32>
    %ge3A_461 = vector.broadcast %add3A_392 : vector<1x4096xi32> to vector<8x4096xi32>
    %ge3A_462 = vector.broadcast %get3A_460 : vector<8x1xi32> to vector<8x4096xi32>
    %ge3A_463 = arith.cmpi sge, %ge3A_461, %ge3A_462 : vector<8x4096xi32>
    %get3A_464 = arith.constant 24 : index
    %get3A_465 = arith.constant 6 : index
    %get3A_466 = vector.load %arg2[%get3A_464, %get3A_465] : memref<128x16xf32, #tpu.memory_space<vmem>>, vector<8x1xf32>
    %broadcast_in_dim3A_467 = vector.shape_cast %get3A_466 : vector<8x1xf32> to vector<8x1xf32>
    %broadcast_in_dim3A_468 = vector.broadcast %broadcast_in_dim3A_467 : vector<8x1xf32> to vector<8x4096xf32>
    %select_n3A_469 = arith.select %ge3A_463, %broadcast_in_dim3A_468, %select_n3A_457 : vector<8x4096xi1>, vector<8x4096xf32>
    %get3A_470 = arith.constant 24 : index
    %get3A_471 = arith.constant 6 : index
    %get3A_472 = vector.load %arg1[%get3A_470, %get3A_471] : memref<128x16xi32, #tpu.memory_space<vmem>>, vector<8x1xi32>
    %ge3A_473 = vector.broadcast %add3A_392 : vector<1x4096xi32> to vector<8x4096xi32>
    %ge3A_474 = vector.broadcast %get3A_472 : vector<8x1xi32> to vector<8x4096xi32>
    %ge3A_475 = arith.cmpi sge, %ge3A_473, %ge3A_474 : vector<8x4096xi32>
    %get3A_476 = arith.constant 24 : index
    %get3A_477 = arith.constant 7 : index
    %get3A_478 = vector.load %arg2[%get3A_476, %get3A_477] : memref<128x16xf32, #tpu.memory_space<vmem>>, vector<8x1xf32>
    %broadcast_in_dim3A_479 = vector.shape_cast %get3A_478 : vector<8x1xf32> to vector<8x1xf32>
    %broadcast_in_dim3A_480 = vector.broadcast %broadcast_in_dim3A_479 : vector<8x1xf32> to vector<8x4096xf32>
    %select_n3A_481 = arith.select %ge3A_475, %broadcast_in_dim3A_480, %select_n3A_469 : vector<8x4096xi1>, vector<8x4096xf32>
    %get3A_482 = arith.constant 24 : index
    %get3A_483 = arith.constant 7 : index
    %get3A_484 = vector.load %arg1[%get3A_482, %get3A_483] : memref<128x16xi32, #tpu.memory_space<vmem>>, vector<8x1xi32>
    %ge3A_485 = vector.broadcast %add3A_392 : vector<1x4096xi32> to vector<8x4096xi32>
    %ge3A_486 = vector.broadcast %get3A_484 : vector<8x1xi32> to vector<8x4096xi32>
    %ge3A_487 = arith.cmpi sge, %ge3A_485, %ge3A_486 : vector<8x4096xi32>
    %get3A_488 = arith.constant 24 : index
    %get3A_489 = arith.constant 8 : index
    %get3A_490 = vector.load %arg2[%get3A_488, %get3A_489] : memref<128x16xf32, #tpu.memory_space<vmem>>, vector<8x1xf32>
    %broadcast_in_dim3A_491 = vector.shape_cast %get3A_490 : vector<8x1xf32> to vector<8x1xf32>
    %broadcast_in_dim3A_492 = vector.broadcast %broadcast_in_dim3A_491 : vector<8x1xf32> to vector<8x4096xf32>
    %select_n3A_493 = arith.select %ge3A_487, %broadcast_in_dim3A_492, %select_n3A_481 : vector<8x4096xi1>, vector<8x4096xf32>
    %get3A_494 = arith.constant 24 : index
    %get3A_495 = arith.constant 8 : index
    %get3A_496 = vector.load %arg1[%get3A_494, %get3A_495] : memref<128x16xi32, #tpu.memory_space<vmem>>, vector<8x1xi32>
    %ge3A_497 = vector.broadcast %add3A_392 : vector<1x4096xi32> to vector<8x4096xi32>
    %ge3A_498 = vector.broadcast %get3A_496 : vector<8x1xi32> to vector<8x4096xi32>
    %ge3A_499 = arith.cmpi sge, %ge3A_497, %ge3A_498 : vector<8x4096xi32>
    %get3A_500 = arith.constant 24 : index
    %get3A_501 = arith.constant 9 : index
    %get3A_502 = vector.load %arg2[%get3A_500, %get3A_501] : memref<128x16xf32, #tpu.memory_space<vmem>>, vector<8x1xf32>
    %broadcast_in_dim3A_503 = vector.shape_cast %get3A_502 : vector<8x1xf32> to vector<8x1xf32>
    %broadcast_in_dim3A_504 = vector.broadcast %broadcast_in_dim3A_503 : vector<8x1xf32> to vector<8x4096xf32>
    %select_n3A_505 = arith.select %ge3A_499, %broadcast_in_dim3A_504, %select_n3A_493 : vector<8x4096xi1>, vector<8x4096xf32>
    %get3A_506 = arith.constant 24 : index
    %get3A_507 = arith.constant 9 : index
    %get3A_508 = vector.load %arg1[%get3A_506, %get3A_507] : memref<128x16xi32, #tpu.memory_space<vmem>>, vector<8x1xi32>
    %ge3A_509 = vector.broadcast %add3A_392 : vector<1x4096xi32> to vector<8x4096xi32>
    %ge3A_510 = vector.broadcast %get3A_508 : vector<8x1xi32> to vector<8x4096xi32>
    %ge3A_511 = arith.cmpi sge, %ge3A_509, %ge3A_510 : vector<8x4096xi32>
    %get3A_512 = arith.constant 24 : index
    %get3A_513 = arith.constant 10 : index
    %get3A_514 = vector.load %arg2[%get3A_512, %get3A_513] : memref<128x16xf32, #tpu.memory_space<vmem>>, vector<8x1xf32>
    %broadcast_in_dim3A_515 = vector.shape_cast %get3A_514 : vector<8x1xf32> to vector<8x1xf32>
    %broadcast_in_dim3A_516 = vector.broadcast %broadcast_in_dim3A_515 : vector<8x1xf32> to vector<8x4096xf32>
    %select_n3A_517 = arith.select %ge3A_511, %broadcast_in_dim3A_516, %select_n3A_505 : vector<8x4096xi1>, vector<8x4096xf32>
    %swap3A_518 = arith.constant 24 : index
    %swap3A_519 = arith.constant 0 : index
    %swap3A_520 = vector.load %arg3[%swap3A_518, %swap3A_519] : memref<128x4096xf32, #tpu.memory_space<vmem>>, vector<8x4096xf32>
    tpu.vector_store %arg3[%swap3A_518, %swap3A_519], %select_n3A_517 {strides = array<i32>} : memref<128x4096xf32, #tpu.memory_space<vmem>>, vector<8x4096xf32>,
    %iota3A_521 = tpu.iota {dimensions = array<i32: 1>} : vector<1x4096xi32>
    %add3A_522 = arith.constant 0 : i32
    %add3A_523 = vector.broadcast %add3A_522 : i32 to vector<1x4096xi32>
    %add3A_524 = arith.addi %iota3A_521, %add3A_523 : vector<1x4096xi32>
    %get3A_525 = arith.constant 32 : index
    %get3A_526 = arith.constant 0 : index
    %get3A_527 = vector.load %arg2[%get3A_525, %get3A_526] : memref<128x16xf32, #tpu.memory_space<vmem>>, vector<8x1xf32>
    %broadcast_in_dim3A_528 = vector.shape_cast %get3A_527 : vector<8x1xf32> to vector<8x1xf32>
    %broadcast_in_dim3A_529 = vector.broadcast %broadcast_in_dim3A_528 : vector<8x1xf32> to vector<8x4096xf32>
    %get3A_530 = arith.constant 32 : index
    %get3A_531 = arith.constant 0 : index
    %get3A_532 = vector.load %arg1[%get3A_530, %get3A_531] : memref<128x16xi32, #tpu.memory_space<vmem>>, vector<8x1xi32>
    %ge3A_533 = vector.broadcast %add3A_524 : vector<1x4096xi32> to vector<8x4096xi32>
    %ge3A_534 = vector.broadcast %get3A_532 : vector<8x1xi32> to vector<8x4096xi32>
    %ge3A_535 = arith.cmpi sge, %ge3A_533, %ge3A_534 : vector<8x4096xi32>
    %get3A_536 = arith.constant 32 : index
    %get3A_537 = arith.constant 1 : index
    %get3A_538 = vector.load %arg2[%get3A_536, %get3A_537] : memref<128x16xf32, #tpu.memory_space<vmem>>, vector<8x1xf32>
    %broadcast_in_dim3A_539 = vector.shape_cast %get3A_538 : vector<8x1xf32> to vector<8x1xf32>
    %broadcast_in_dim3A_540 = vector.broadcast %broadcast_in_dim3A_539 : vector<8x1xf32> to vector<8x4096xf32>
    %select_n3A_541 = arith.select %ge3A_535, %broadcast_in_dim3A_540, %broadcast_in_dim3A_529 : vector<8x4096xi1>, vector<8x4096xf32>
    %get3A_542 = arith.constant 32 : index
    %get3A_543 = arith.constant 1 : index
    %get3A_544 = vector.load %arg1[%get3A_542, %get3A_543] : memref<128x16xi32, #tpu.memory_space<vmem>>, vector<8x1xi32>
    %ge3A_545 = vector.broadcast %add3A_524 : vector<1x4096xi32> to vector<8x4096xi32>
    %ge3A_546 = vector.broadcast %get3A_544 : vector<8x1xi32> to vector<8x4096xi32>
    %ge3A_547 = arith.cmpi sge, %ge3A_545, %ge3A_546 : vector<8x4096xi32>
    %get3A_548 = arith.constant 32 : index
    %get3A_549 = arith.constant 2 : index
    %get3A_550 = vector.load %arg2[%get3A_548, %get3A_549] : memref<128x16xf32, #tpu.memory_space<vmem>>, vector<8x1xf32>
    %broadcast_in_dim3A_551 = vector.shape_cast %get3A_550 : vector<8x1xf32> to vector<8x1xf32>
    %broadcast_in_dim3A_552 = vector.broadcast %broadcast_in_dim3A_551 : vector<8x1xf32> to vector<8x4096xf32>
    %select_n3A_553 = arith.select %ge3A_547, %broadcast_in_dim3A_552, %select_n3A_541 : vector<8x4096xi1>, vector<8x4096xf32>
    %get3A_554 = arith.constant 32 : index
    %get3A_555 = arith.constant 2 : index
    %get3A_556 = vector.load %arg1[%get3A_554, %get3A_555] : memref<128x16xi32, #tpu.memory_space<vmem>>, vector<8x1xi32>
    %ge3A_557 = vector.broadcast %add3A_524 : vector<1x4096xi32> to vector<8x4096xi32>
    %ge3A_558 = vector.broadcast %get3A_556 : vector<8x1xi32> to vector<8x4096xi32>
    %ge3A_559 = arith.cmpi sge, %ge3A_557, %ge3A_558 : vector<8x4096xi32>
    %get3A_560 = arith.constant 32 : index
    %get3A_561 = arith.constant 3 : index
    %get3A_562 = vector.load %arg2[%get3A_560, %get3A_561] : memref<128x16xf32, #tpu.memory_space<vmem>>, vector<8x1xf32>
    %broadcast_in_dim3A_563 = vector.shape_cast %get3A_562 : vector<8x1xf32> to vector<8x1xf32>
    %broadcast_in_dim3A_564 = vector.broadcast %broadcast_in_dim3A_563 : vector<8x1xf32> to vector<8x4096xf32>
    %select_n3A_565 = arith.select %ge3A_559, %broadcast_in_dim3A_564, %select_n3A_553 : vector<8x4096xi1>, vector<8x4096xf32>
    %get3A_566 = arith.constant 32 : index
    %get3A_567 = arith.constant 3 : index
    %get3A_568 = vector.load %arg1[%get3A_566, %get3A_567] : memref<128x16xi32, #tpu.memory_space<vmem>>, vector<8x1xi32>
    %ge3A_569 = vector.broadcast %add3A_524 : vector<1x4096xi32> to vector<8x4096xi32>
    %ge3A_570 = vector.broadcast %get3A_568 : vector<8x1xi32> to vector<8x4096xi32>
    %ge3A_571 = arith.cmpi sge, %ge3A_569, %ge3A_570 : vector<8x4096xi32>
    %get3A_572 = arith.constant 32 : index
    %get3A_573 = arith.constant 4 : index
    %get3A_574 = vector.load %arg2[%get3A_572, %get3A_573] : memref<128x16xf32, #tpu.memory_space<vmem>>, vector<8x1xf32>
    %broadcast_in_dim3A_575 = vector.shape_cast %get3A_574 : vector<8x1xf32> to vector<8x1xf32>
    %broadcast_in_dim3A_576 = vector.broadcast %broadcast_in_dim3A_575 : vector<8x1xf32> to vector<8x4096xf32>
    %select_n3A_577 = arith.select %ge3A_571, %broadcast_in_dim3A_576, %select_n3A_565 : vector<8x4096xi1>, vector<8x4096xf32>
    %get3A_578 = arith.constant 32 : index
    %get3A_579 = arith.constant 4 : index
    %get3A_580 = vector.load %arg1[%get3A_578, %get3A_579] : memref<128x16xi32, #tpu.memory_space<vmem>>, vector<8x1xi32>
    %ge3A_581 = vector.broadcast %add3A_524 : vector<1x4096xi32> to vector<8x4096xi32>
    %ge3A_582 = vector.broadcast %get3A_580 : vector<8x1xi32> to vector<8x4096xi32>
    %ge3A_583 = arith.cmpi sge, %ge3A_581, %ge3A_582 : vector<8x4096xi32>
    %get3A_584 = arith.constant 32 : index
    %get3A_585 = arith.constant 5 : index
    %get3A_586 = vector.load %arg2[%get3A_584, %get3A_585] : memref<128x16xf32, #tpu.memory_space<vmem>>, vector<8x1xf32>
    %broadcast_in_dim3A_587 = vector.shape_cast %get3A_586 : vector<8x1xf32> to vector<8x1xf32>
    %broadcast_in_dim3A_588 = vector.broadcast %broadcast_in_dim3A_587 : vector<8x1xf32> to vector<8x4096xf32>
    %select_n3A_589 = arith.select %ge3A_583, %broadcast_in_dim3A_588, %select_n3A_577 : vector<8x4096xi1>, vector<8x4096xf32>
    %get3A_590 = arith.constant 32 : index
    %get3A_591 = arith.constant 5 : index
    %get3A_592 = vector.load %arg1[%get3A_590, %get3A_591] : memref<128x16xi32, #tpu.memory_space<vmem>>, vector<8x1xi32>
    %ge3A_593 = vector.broadcast %add3A_524 : vector<1x4096xi32> to vector<8x4096xi32>
    %ge3A_594 = vector.broadcast %get3A_592 : vector<8x1xi32> to vector<8x4096xi32>
    %ge3A_595 = arith.cmpi sge, %ge3A_593, %ge3A_594 : vector<8x4096xi32>
    %get3A_596 = arith.constant 32 : index
    %get3A_597 = arith.constant 6 : index
    %get3A_598 = vector.load %arg2[%get3A_596, %get3A_597] : memref<128x16xf32, #tpu.memory_space<vmem>>, vector<8x1xf32>
    %broadcast_in_dim3A_599 = vector.shape_cast %get3A_598 : vector<8x1xf32> to vector<8x1xf32>
    %broadcast_in_dim3A_600 = vector.broadcast %broadcast_in_dim3A_599 : vector<8x1xf32> to vector<8x4096xf32>
    %select_n3A_601 = arith.select %ge3A_595, %broadcast_in_dim3A_600, %select_n3A_589 : vector<8x4096xi1>, vector<8x4096xf32>
    %get3A_602 = arith.constant 32 : index
    %get3A_603 = arith.constant 6 : index
    %get3A_604 = vector.load %arg1[%get3A_602, %get3A_603] : memref<128x16xi32, #tpu.memory_space<vmem>>, vector<8x1xi32>
    %ge3A_605 = vector.broadcast %add3A_524 : vector<1x4096xi32> to vector<8x4096xi32>
    %ge3A_606 = vector.broadcast %get3A_604 : vector<8x1xi32> to vector<8x4096xi32>
    %ge3A_607 = arith.cmpi sge, %ge3A_605, %ge3A_606 : vector<8x4096xi32>
    %get3A_608 = arith.constant 32 : index
    %get3A_609 = arith.constant 7 : index
    %get3A_610 = vector.load %arg2[%get3A_608, %get3A_609] : memref<128x16xf32, #tpu.memory_space<vmem>>, vector<8x1xf32>
    %broadcast_in_dim3A_611 = vector.shape_cast %get3A_610 : vector<8x1xf32> to vector<8x1xf32>
    %broadcast_in_dim3A_612 = vector.broadcast %broadcast_in_dim3A_611 : vector<8x1xf32> to vector<8x4096xf32>
    %select_n3A_613 = arith.select %ge3A_607, %broadcast_in_dim3A_612, %select_n3A_601 : vector<8x4096xi1>, vector<8x4096xf32>
    %get3A_614 = arith.constant 32 : index
    %get3A_615 = arith.constant 7 : index
    %get3A_616 = vector.load %arg1[%get3A_614, %get3A_615] : memref<128x16xi32, #tpu.memory_space<vmem>>, vector<8x1xi32>
    %ge3A_617 = vector.broadcast %add3A_524 : vector<1x4096xi32> to vector<8x4096xi32>
    %ge3A_618 = vector.broadcast %get3A_616 : vector<8x1xi32> to vector<8x4096xi32>
    %ge3A_619 = arith.cmpi sge, %ge3A_617, %ge3A_618 : vector<8x4096xi32>
    %get3A_620 = arith.constant 32 : index
    %get3A_621 = arith.constant 8 : index
    %get3A_622 = vector.load %arg2[%get3A_620, %get3A_621] : memref<128x16xf32, #tpu.memory_space<vmem>>, vector<8x1xf32>
    %broadcast_in_dim3A_623 = vector.shape_cast %get3A_622 : vector<8x1xf32> to vector<8x1xf32>
    %broadcast_in_dim3A_624 = vector.broadcast %broadcast_in_dim3A_623 : vector<8x1xf32> to vector<8x4096xf32>
    %select_n3A_625 = arith.select %ge3A_619, %broadcast_in_dim3A_624, %select_n3A_613 : vector<8x4096xi1>, vector<8x4096xf32>
    %get3A_626 = arith.constant 32 : index
    %get3A_627 = arith.constant 8 : index
    %get3A_628 = vector.load %arg1[%get3A_626, %get3A_627] : memref<128x16xi32, #tpu.memory_space<vmem>>, vector<8x1xi32>
    %ge3A_629 = vector.broadcast %add3A_524 : vector<1x4096xi32> to vector<8x4096xi32>
    %ge3A_630 = vector.broadcast %get3A_628 : vector<8x1xi32> to vector<8x4096xi32>
    %ge3A_631 = arith.cmpi sge, %ge3A_629, %ge3A_630 : vector<8x4096xi32>
    %get3A_632 = arith.constant 32 : index
    %get3A_633 = arith.constant 9 : index
    %get3A_634 = vector.load %arg2[%get3A_632, %get3A_633] : memref<128x16xf32, #tpu.memory_space<vmem>>, vector<8x1xf32>
    %broadcast_in_dim3A_635 = vector.shape_cast %get3A_634 : vector<8x1xf32> to vector<8x1xf32>
    %broadcast_in_dim3A_636 = vector.broadcast %broadcast_in_dim3A_635 : vector<8x1xf32> to vector<8x4096xf32>
    %select_n3A_637 = arith.select %ge3A_631, %broadcast_in_dim3A_636, %select_n3A_625 : vector<8x4096xi1>, vector<8x4096xf32>
    %get3A_638 = arith.constant 32 : index
    %get3A_639 = arith.constant 9 : index
    %get3A_640 = vector.load %arg1[%get3A_638, %get3A_639] : memref<128x16xi32, #tpu.memory_space<vmem>>, vector<8x1xi32>
    %ge3A_641 = vector.broadcast %add3A_524 : vector<1x4096xi32> to vector<8x4096xi32>
    %ge3A_642 = vector.broadcast %get3A_640 : vector<8x1xi32> to vector<8x4096xi32>
    %ge3A_643 = arith.cmpi sge, %ge3A_641, %ge3A_642 : vector<8x4096xi32>
    %get3A_644 = arith.constant 32 : index
    %get3A_645 = arith.constant 10 : index
    %get3A_646 = vector.load %arg2[%get3A_644, %get3A_645] : memref<128x16xf32, #tpu.memory_space<vmem>>, vector<8x1xf32>
    %broadcast_in_dim3A_647 = vector.shape_cast %get3A_646 : vector<8x1xf32> to vector<8x1xf32>
    %broadcast_in_dim3A_648 = vector.broadcast %broadcast_in_dim3A_647 : vector<8x1xf32> to vector<8x4096xf32>
    %select_n3A_649 = arith.select %ge3A_643, %broadcast_in_dim3A_648, %select_n3A_637 : vector<8x4096xi1>, vector<8x4096xf32>
    %swap3A_650 = arith.constant 32 : index
    %swap3A_651 = arith.constant 0 : index
    %swap3A_652 = vector.load %arg3[%swap3A_650, %swap3A_651] : memref<128x4096xf32, #tpu.memory_space<vmem>>, vector<8x4096xf32>
    tpu.vector_store %arg3[%swap3A_650, %swap3A_651], %select_n3A_649 {strides = array<i32>} : memref<128x4096xf32, #tpu.memory_space<vmem>>, vector<8x4096xf32>,
    %iota3A_653 = tpu.iota {dimensions = array<i32: 1>} : vector<1x4096xi32>
    %add3A_654 = arith.constant 0 : i32
    %add3A_655 = vector.broadcast %add3A_654 : i32 to vector<1x4096xi32>
    %add3A_656 = arith.addi %iota3A_653, %add3A_655 : vector<1x4096xi32>
    %get3A_657 = arith.constant 40 : index
    %get3A_658 = arith.constant 0 : index
    %get3A_659 = vector.load %arg2[%get3A_657, %get3A_658] : memref<128x16xf32, #tpu.memory_space<vmem>>, vector<8x1xf32>
    %broadcast_in_dim3A_660 = vector.shape_cast %get3A_659 : vector<8x1xf32> to vector<8x1xf32>
    %broadcast_in_dim3A_661 = vector.broadcast %broadcast_in_dim3A_660 : vector<8x1xf32> to vector<8x4096xf32>
    %get3A_662 = arith.constant 40 : index
    %get3A_663 = arith.constant 0 : index
    %get3A_664 = vector.load %arg1[%get3A_662, %get3A_663] : memref<128x16xi32, #tpu.memory_space<vmem>>, vector<8x1xi32>
    %ge3A_665 = vector.broadcast %add3A_656 : vector<1x4096xi32> to vector<8x4096xi32>
    %ge3A_666 = vector.broadcast %get3A_664 : vector<8x1xi32> to vector<8x4096xi32>
    %ge3A_667 = arith.cmpi sge, %ge3A_665, %ge3A_666 : vector<8x4096xi32>
    %get3A_668 = arith.constant 40 : index
    %get3A_669 = arith.constant 1 : index
    %get3A_670 = vector.load %arg2[%get3A_668, %get3A_669] : memref<128x16xf32, #tpu.memory_space<vmem>>, vector<8x1xf32>
    %broadcast_in_dim3A_671 = vector.shape_cast %get3A_670 : vector<8x1xf32> to vector<8x1xf32>
    %broadcast_in_dim3A_672 = vector.broadcast %broadcast_in_dim3A_671 : vector<8x1xf32> to vector<8x4096xf32>
    %select_n3A_673 = arith.select %ge3A_667, %broadcast_in_dim3A_672, %broadcast_in_dim3A_661 : vector<8x4096xi1>, vector<8x4096xf32>
    %get3A_674 = arith.constant 40 : index
    %get3A_675 = arith.constant 1 : index
    %get3A_676 = vector.load %arg1[%get3A_674, %get3A_675] : memref<128x16xi32, #tpu.memory_space<vmem>>, vector<8x1xi32>
    %ge3A_677 = vector.broadcast %add3A_656 : vector<1x4096xi32> to vector<8x4096xi32>
    %ge3A_678 = vector.broadcast %get3A_676 : vector<8x1xi32> to vector<8x4096xi32>
    %ge3A_679 = arith.cmpi sge, %ge3A_677, %ge3A_678 : vector<8x4096xi32>
    %get3A_680 = arith.constant 40 : index
    %get3A_681 = arith.constant 2 : index
    %get3A_682 = vector.load %arg2[%get3A_680, %get3A_681] : memref<128x16xf32, #tpu.memory_space<vmem>>, vector<8x1xf32>
    %broadcast_in_dim3A_683 = vector.shape_cast %get3A_682 : vector<8x1xf32> to vector<8x1xf32>
    %broadcast_in_dim3A_684 = vector.broadcast %broadcast_in_dim3A_683 : vector<8x1xf32> to vector<8x4096xf32>
    %select_n3A_685 = arith.select %ge3A_679, %broadcast_in_dim3A_684, %select_n3A_673 : vector<8x4096xi1>, vector<8x4096xf32>
    %get3A_686 = arith.constant 40 : index
    %get3A_687 = arith.constant 2 : index
    %get3A_688 = vector.load %arg1[%get3A_686, %get3A_687] : memref<128x16xi32, #tpu.memory_space<vmem>>, vector<8x1xi32>
    %ge3A_689 = vector.broadcast %add3A_656 : vector<1x4096xi32> to vector<8x4096xi32>
    %ge3A_690 = vector.broadcast %get3A_688 : vector<8x1xi32> to vector<8x4096xi32>
    %ge3A_691 = arith.cmpi sge, %ge3A_689, %ge3A_690 : vector<8x4096xi32>
    %get3A_692 = arith.constant 40 : index
    %get3A_693 = arith.constant 3 : index
    %get3A_694 = vector.load %arg2[%get3A_692, %get3A_693] : memref<128x16xf32, #tpu.memory_space<vmem>>, vector<8x1xf32>
    %broadcast_in_dim3A_695 = vector.shape_cast %get3A_694 : vector<8x1xf32> to vector<8x1xf32>
    %broadcast_in_dim3A_696 = vector.broadcast %broadcast_in_dim3A_695 : vector<8x1xf32> to vector<8x4096xf32>
    %select_n3A_697 = arith.select %ge3A_691, %broadcast_in_dim3A_696, %select_n3A_685 : vector<8x4096xi1>, vector<8x4096xf32>
    %get3A_698 = arith.constant 40 : index
    %get3A_699 = arith.constant 3 : index
    %get3A_700 = vector.load %arg1[%get3A_698, %get3A_699] : memref<128x16xi32, #tpu.memory_space<vmem>>, vector<8x1xi32>
    %ge3A_701 = vector.broadcast %add3A_656 : vector<1x4096xi32> to vector<8x4096xi32>
    %ge3A_702 = vector.broadcast %get3A_700 : vector<8x1xi32> to vector<8x4096xi32>
    %ge3A_703 = arith.cmpi sge, %ge3A_701, %ge3A_702 : vector<8x4096xi32>
    %get3A_704 = arith.constant 40 : index
    %get3A_705 = arith.constant 4 : index
    %get3A_706 = vector.load %arg2[%get3A_704, %get3A_705] : memref<128x16xf32, #tpu.memory_space<vmem>>, vector<8x1xf32>
    %broadcast_in_dim3A_707 = vector.shape_cast %get3A_706 : vector<8x1xf32> to vector<8x1xf32>
    %broadcast_in_dim3A_708 = vector.broadcast %broadcast_in_dim3A_707 : vector<8x1xf32> to vector<8x4096xf32>
    %select_n3A_709 = arith.select %ge3A_703, %broadcast_in_dim3A_708, %select_n3A_697 : vector<8x4096xi1>, vector<8x4096xf32>
    %get3A_710 = arith.constant 40 : index
    %get3A_711 = arith.constant 4 : index
    %get3A_712 = vector.load %arg1[%get3A_710, %get3A_711] : memref<128x16xi32, #tpu.memory_space<vmem>>, vector<8x1xi32>
    %ge3A_713 = vector.broadcast %add3A_656 : vector<1x4096xi32> to vector<8x4096xi32>
    %ge3A_714 = vector.broadcast %get3A_712 : vector<8x1xi32> to vector<8x4096xi32>
    %ge3A_715 = arith.cmpi sge, %ge3A_713, %ge3A_714 : vector<8x4096xi32>
    %get3A_716 = arith.constant 40 : index
    %get3A_717 = arith.constant 5 : index
    %get3A_718 = vector.load %arg2[%get3A_716, %get3A_717] : memref<128x16xf32, #tpu.memory_space<vmem>>, vector<8x1xf32>
    %broadcast_in_dim3A_719 = vector.shape_cast %get3A_718 : vector<8x1xf32> to vector<8x1xf32>
    %broadcast_in_dim3A_720 = vector.broadcast %broadcast_in_dim3A_719 : vector<8x1xf32> to vector<8x4096xf32>
    %select_n3A_721 = arith.select %ge3A_715, %broadcast_in_dim3A_720, %select_n3A_709 : vector<8x4096xi1>, vector<8x4096xf32>
    %get3A_722 = arith.constant 40 : index
    %get3A_723 = arith.constant 5 : index
    %get3A_724 = vector.load %arg1[%get3A_722, %get3A_723] : memref<128x16xi32, #tpu.memory_space<vmem>>, vector<8x1xi32>
    %ge3A_725 = vector.broadcast %add3A_656 : vector<1x4096xi32> to vector<8x4096xi32>
    %ge3A_726 = vector.broadcast %get3A_724 : vector<8x1xi32> to vector<8x4096xi32>
    %ge3A_727 = arith.cmpi sge, %ge3A_725, %ge3A_726 : vector<8x4096xi32>
    %get3A_728 = arith.constant 40 : index
    %get3A_729 = arith.constant 6 : index
    %get3A_730 = vector.load %arg2[%get3A_728, %get3A_729] : memref<128x16xf32, #tpu.memory_space<vmem>>, vector<8x1xf32>
    %broadcast_in_dim3A_731 = vector.shape_cast %get3A_730 : vector<8x1xf32> to vector<8x1xf32>
    %broadcast_in_dim3A_732 = vector.broadcast %broadcast_in_dim3A_731 : vector<8x1xf32> to vector<8x4096xf32>
    %select_n3A_733 = arith.select %ge3A_727, %broadcast_in_dim3A_732, %select_n3A_721 : vector<8x4096xi1>, vector<8x4096xf32>
    %get3A_734 = arith.constant 40 : index
    %get3A_735 = arith.constant 6 : index
    %get3A_736 = vector.load %arg1[%get3A_734, %get3A_735] : memref<128x16xi32, #tpu.memory_space<vmem>>, vector<8x1xi32>
    %ge3A_737 = vector.broadcast %add3A_656 : vector<1x4096xi32> to vector<8x4096xi32>
    %ge3A_738 = vector.broadcast %get3A_736 : vector<8x1xi32> to vector<8x4096xi32>
    %ge3A_739 = arith.cmpi sge, %ge3A_737, %ge3A_738 : vector<8x4096xi32>
    %get3A_740 = arith.constant 40 : index
    %get3A_741 = arith.constant 7 : index
    %get3A_742 = vector.load %arg2[%get3A_740, %get3A_741] : memref<128x16xf32, #tpu.memory_space<vmem>>, vector<8x1xf32>
    %broadcast_in_dim3A_743 = vector.shape_cast %get3A_742 : vector<8x1xf32> to vector<8x1xf32>
    %broadcast_in_dim3A_744 = vector.broadcast %broadcast_in_dim3A_743 : vector<8x1xf32> to vector<8x4096xf32>
    %select_n3A_745 = arith.select %ge3A_739, %broadcast_in_dim3A_744, %select_n3A_733 : vector<8x4096xi1>, vector<8x4096xf32>
    %get3A_746 = arith.constant 40 : index
    %get3A_747 = arith.constant 7 : index
    %get3A_748 = vector.load %arg1[%get3A_746, %get3A_747] : memref<128x16xi32, #tpu.memory_space<vmem>>, vector<8x1xi32>
    %ge3A_749 = vector.broadcast %add3A_656 : vector<1x4096xi32> to vector<8x4096xi32>
    %ge3A_750 = vector.broadcast %get3A_748 : vector<8x1xi32> to vector<8x4096xi32>
    %ge3A_751 = arith.cmpi sge, %ge3A_749, %ge3A_750 : vector<8x4096xi32>
    %get3A_752 = arith.constant 40 : index
    %get3A_753 = arith.constant 8 : index
    %get3A_754 = vector.load %arg2[%get3A_752, %get3A_753] : memref<128x16xf32, #tpu.memory_space<vmem>>, vector<8x1xf32>
    %broadcast_in_dim3A_755 = vector.shape_cast %get3A_754 : vector<8x1xf32> to vector<8x1xf32>
    %broadcast_in_dim3A_756 = vector.broadcast %broadcast_in_dim3A_755 : vector<8x1xf32> to vector<8x4096xf32>
    %select_n3A_757 = arith.select %ge3A_751, %broadcast_in_dim3A_756, %select_n3A_745 : vector<8x4096xi1>, vector<8x4096xf32>
    %get3A_758 = arith.constant 40 : index
    %get3A_759 = arith.constant 8 : index
    %get3A_760 = vector.load %arg1[%get3A_758, %get3A_759] : memref<128x16xi32, #tpu.memory_space<vmem>>, vector<8x1xi32>
    %ge3A_761 = vector.broadcast %add3A_656 : vector<1x4096xi32> to vector<8x4096xi32>
    %ge3A_762 = vector.broadcast %get3A_760 : vector<8x1xi32> to vector<8x4096xi32>
    %ge3A_763 = arith.cmpi sge, %ge3A_761, %ge3A_762 : vector<8x4096xi32>
    %get3A_764 = arith.constant 40 : index
    %get3A_765 = arith.constant 9 : index
    %get3A_766 = vector.load %arg2[%get3A_764, %get3A_765] : memref<128x16xf32, #tpu.memory_space<vmem>>, vector<8x1xf32>
    %broadcast_in_dim3A_767 = vector.shape_cast %get3A_766 : vector<8x1xf32> to vector<8x1xf32>
    %broadcast_in_dim3A_768 = vector.broadcast %broadcast_in_dim3A_767 : vector<8x1xf32> to vector<8x4096xf32>
    %select_n3A_769 = arith.select %ge3A_763, %broadcast_in_dim3A_768, %select_n3A_757 : vector<8x4096xi1>, vector<8x4096xf32>
    %get3A_770 = arith.constant 40 : index
    %get3A_771 = arith.constant 9 : index
    %get3A_772 = vector.load %arg1[%get3A_770, %get3A_771] : memref<128x16xi32, #tpu.memory_space<vmem>>, vector<8x1xi32>
    %ge3A_773 = vector.broadcast %add3A_656 : vector<1x4096xi32> to vector<8x4096xi32>
    %ge3A_774 = vector.broadcast %get3A_772 : vector<8x1xi32> to vector<8x4096xi32>
    %ge3A_775 = arith.cmpi sge, %ge3A_773, %ge3A_774 : vector<8x4096xi32>
    %get3A_776 = arith.constant 40 : index
    %get3A_777 = arith.constant 10 : index
    %get3A_778 = vector.load %arg2[%get3A_776, %get3A_777] : memref<128x16xf32, #tpu.memory_space<vmem>>, vector<8x1xf32>
    %broadcast_in_dim3A_779 = vector.shape_cast %get3A_778 : vector<8x1xf32> to vector<8x1xf32>
    %broadcast_in_dim3A_780 = vector.broadcast %broadcast_in_dim3A_779 : vector<8x1xf32> to vector<8x4096xf32>
    %select_n3A_781 = arith.select %ge3A_775, %broadcast_in_dim3A_780, %select_n3A_769 : vector<8x4096xi1>, vector<8x4096xf32>
    %swap3A_782 = arith.constant 40 : index
    %swap3A_783 = arith.constant 0 : index
    %swap3A_784 = vector.load %arg3[%swap3A_782, %swap3A_783] : memref<128x4096xf32, #tpu.memory_space<vmem>>, vector<8x4096xf32>
    tpu.vector_store %arg3[%swap3A_782, %swap3A_783], %select_n3A_781 {strides = array<i32>} : memref<128x4096xf32, #tpu.memory_space<vmem>>, vector<8x4096xf32>,
    %iota3A_785 = tpu.iota {dimensions = array<i32: 1>} : vector<1x4096xi32>
    %add3A_786 = arith.constant 0 : i32
    %add3A_787 = vector.broadcast %add3A_786 : i32 to vector<1x4096xi32>
    %add3A_788 = arith.addi %iota3A_785, %add3A_787 : vector<1x4096xi32>
    %get3A_789 = arith.constant 48 : index
    %get3A_790 = arith.constant 0 : index
    %get3A_791 = vector.load %arg2[%get3A_789, %get3A_790] : memref<128x16xf32, #tpu.memory_space<vmem>>, vector<8x1xf32>
    %broadcast_in_dim3A_792 = vector.shape_cast %get3A_791 : vector<8x1xf32> to vector<8x1xf32>
    %broadcast_in_dim3A_793 = vector.broadcast %broadcast_in_dim3A_792 : vector<8x1xf32> to vector<8x4096xf32>
    %get3A_794 = arith.constant 48 : index
    %get3A_795 = arith.constant 0 : index
    %get3A_796 = vector.load %arg1[%get3A_794, %get3A_795] : memref<128x16xi32, #tpu.memory_space<vmem>>, vector<8x1xi32>
    %ge3A_797 = vector.broadcast %add3A_788 : vector<1x4096xi32> to vector<8x4096xi32>
    %ge3A_798 = vector.broadcast %get3A_796 : vector<8x1xi32> to vector<8x4096xi32>
    %ge3A_799 = arith.cmpi sge, %ge3A_797, %ge3A_798 : vector<8x4096xi32>
    %get3A_800 = arith.constant 48 : index
    %get3A_801 = arith.constant 1 : index
    %get3A_802 = vector.load %arg2[%get3A_800, %get3A_801] : memref<128x16xf32, #tpu.memory_space<vmem>>, vector<8x1xf32>
    %broadcast_in_dim3A_803 = vector.shape_cast %get3A_802 : vector<8x1xf32> to vector<8x1xf32>
    %broadcast_in_dim3A_804 = vector.broadcast %broadcast_in_dim3A_803 : vector<8x1xf32> to vector<8x4096xf32>
    %select_n3A_805 = arith.select %ge3A_799, %broadcast_in_dim3A_804, %broadcast_in_dim3A_793 : vector<8x4096xi1>, vector<8x4096xf32>
    %get3A_806 = arith.constant 48 : index
    %get3A_807 = arith.constant 1 : index
    %get3A_808 = vector.load %arg1[%get3A_806, %get3A_807] : memref<128x16xi32, #tpu.memory_space<vmem>>, vector<8x1xi32>
    %ge3A_809 = vector.broadcast %add3A_788 : vector<1x4096xi32> to vector<8x4096xi32>
    %ge3A_810 = vector.broadcast %get3A_808 : vector<8x1xi32> to vector<8x4096xi32>
    %ge3A_811 = arith.cmpi sge, %ge3A_809, %ge3A_810 : vector<8x4096xi32>
    %get3A_812 = arith.constant 48 : index
    %get3A_813 = arith.constant 2 : index
    %get3A_814 = vector.load %arg2[%get3A_812, %get3A_813] : memref<128x16xf32, #tpu.memory_space<vmem>>, vector<8x1xf32>
    %broadcast_in_dim3A_815 = vector.shape_cast %get3A_814 : vector<8x1xf32> to vector<8x1xf32>
    %broadcast_in_dim3A_816 = vector.broadcast %broadcast_in_dim3A_815 : vector<8x1xf32> to vector<8x4096xf32>
    %select_n3A_817 = arith.select %ge3A_811, %broadcast_in_dim3A_816, %select_n3A_805 : vector<8x4096xi1>, vector<8x4096xf32>
    %get3A_818 = arith.constant 48 : index
    %get3A_819 = arith.constant 2 : index
    %get3A_820 = vector.load %arg1[%get3A_818, %get3A_819] : memref<128x16xi32, #tpu.memory_space<vmem>>, vector<8x1xi32>
    %ge3A_821 = vector.broadcast %add3A_788 : vector<1x4096xi32> to vector<8x4096xi32>
    %ge3A_822 = vector.broadcast %get3A_820 : vector<8x1xi32> to vector<8x4096xi32>
    %ge3A_823 = arith.cmpi sge, %ge3A_821, %ge3A_822 : vector<8x4096xi32>
    %get3A_824 = arith.constant 48 : index
    %get3A_825 = arith.constant 3 : index
    %get3A_826 = vector.load %arg2[%get3A_824, %get3A_825] : memref<128x16xf32, #tpu.memory_space<vmem>>, vector<8x1xf32>
    %broadcast_in_dim3A_827 = vector.shape_cast %get3A_826 : vector<8x1xf32> to vector<8x1xf32>
    %broadcast_in_dim3A_828 = vector.broadcast %broadcast_in_dim3A_827 : vector<8x1xf32> to vector<8x4096xf32>
    %select_n3A_829 = arith.select %ge3A_823, %broadcast_in_dim3A_828, %select_n3A_817 : vector<8x4096xi1>, vector<8x4096xf32>
    %get3A_830 = arith.constant 48 : index
    %get3A_831 = arith.constant 3 : index
    %get3A_832 = vector.load %arg1[%get3A_830, %get3A_831] : memref<128x16xi32, #tpu.memory_space<vmem>>, vector<8x1xi32>
    %ge3A_833 = vector.broadcast %add3A_788 : vector<1x4096xi32> to vector<8x4096xi32>
    %ge3A_834 = vector.broadcast %get3A_832 : vector<8x1xi32> to vector<8x4096xi32>
    %ge3A_835 = arith.cmpi sge, %ge3A_833, %ge3A_834 : vector<8x4096xi32>
    %get3A_836 = arith.constant 48 : index
    %get3A_837 = arith.constant 4 : index
    %get3A_838 = vector.load %arg2[%get3A_836, %get3A_837] : memref<128x16xf32, #tpu.memory_space<vmem>>, vector<8x1xf32>
    %broadcast_in_dim3A_839 = vector.shape_cast %get3A_838 : vector<8x1xf32> to vector<8x1xf32>
    %broadcast_in_dim3A_840 = vector.broadcast %broadcast_in_dim3A_839 : vector<8x1xf32> to vector<8x4096xf32>
    %select_n3A_841 = arith.select %ge3A_835, %broadcast_in_dim3A_840, %select_n3A_829 : vector<8x4096xi1>, vector<8x4096xf32>
    %get3A_842 = arith.constant 48 : index
    %get3A_843 = arith.constant 4 : index
    %get3A_844 = vector.load %arg1[%get3A_842, %get3A_843] : memref<128x16xi32, #tpu.memory_space<vmem>>, vector<8x1xi32>
    %ge3A_845 = vector.broadcast %add3A_788 : vector<1x4096xi32> to vector<8x4096xi32>
    %ge3A_846 = vector.broadcast %get3A_844 : vector<8x1xi32> to vector<8x4096xi32>
    %ge3A_847 = arith.cmpi sge, %ge3A_845, %ge3A_846 : vector<8x4096xi32>
    %get3A_848 = arith.constant 48 : index
    %get3A_849 = arith.constant 5 : index
    %get3A_850 = vector.load %arg2[%get3A_848, %get3A_849] : memref<128x16xf32, #tpu.memory_space<vmem>>, vector<8x1xf32>
    %broadcast_in_dim3A_851 = vector.shape_cast %get3A_850 : vector<8x1xf32> to vector<8x1xf32>
    %broadcast_in_dim3A_852 = vector.broadcast %broadcast_in_dim3A_851 : vector<8x1xf32> to vector<8x4096xf32>
    %select_n3A_853 = arith.select %ge3A_847, %broadcast_in_dim3A_852, %select_n3A_841 : vector<8x4096xi1>, vector<8x4096xf32>
    %get3A_854 = arith.constant 48 : index
    %get3A_855 = arith.constant 5 : index
    %get3A_856 = vector.load %arg1[%get3A_854, %get3A_855] : memref<128x16xi32, #tpu.memory_space<vmem>>, vector<8x1xi32>
    %ge3A_857 = vector.broadcast %add3A_788 : vector<1x4096xi32> to vector<8x4096xi32>
    %ge3A_858 = vector.broadcast %get3A_856 : vector<8x1xi32> to vector<8x4096xi32>
    %ge3A_859 = arith.cmpi sge, %ge3A_857, %ge3A_858 : vector<8x4096xi32>
    %get3A_860 = arith.constant 48 : index
    %get3A_861 = arith.constant 6 : index
    %get3A_862 = vector.load %arg2[%get3A_860, %get3A_861] : memref<128x16xf32, #tpu.memory_space<vmem>>, vector<8x1xf32>
    %broadcast_in_dim3A_863 = vector.shape_cast %get3A_862 : vector<8x1xf32> to vector<8x1xf32>
    %broadcast_in_dim3A_864 = vector.broadcast %broadcast_in_dim3A_863 : vector<8x1xf32> to vector<8x4096xf32>
    %select_n3A_865 = arith.select %ge3A_859, %broadcast_in_dim3A_864, %select_n3A_853 : vector<8x4096xi1>, vector<8x4096xf32>
    %get3A_866 = arith.constant 48 : index
    %get3A_867 = arith.constant 6 : index
    %get3A_868 = vector.load %arg1[%get3A_866, %get3A_867] : memref<128x16xi32, #tpu.memory_space<vmem>>, vector<8x1xi32>
    %ge3A_869 = vector.broadcast %add3A_788 : vector<1x4096xi32> to vector<8x4096xi32>
    %ge3A_870 = vector.broadcast %get3A_868 : vector<8x1xi32> to vector<8x4096xi32>
    %ge3A_871 = arith.cmpi sge, %ge3A_869, %ge3A_870 : vector<8x4096xi32>
    %get3A_872 = arith.constant 48 : index
    %get3A_873 = arith.constant 7 : index
    %get3A_874 = vector.load %arg2[%get3A_872, %get3A_873] : memref<128x16xf32, #tpu.memory_space<vmem>>, vector<8x1xf32>
    %broadcast_in_dim3A_875 = vector.shape_cast %get3A_874 : vector<8x1xf32> to vector<8x1xf32>
    %broadcast_in_dim3A_876 = vector.broadcast %broadcast_in_dim3A_875 : vector<8x1xf32> to vector<8x4096xf32>
    %select_n3A_877 = arith.select %ge3A_871, %broadcast_in_dim3A_876, %select_n3A_865 : vector<8x4096xi1>, vector<8x4096xf32>
    %get3A_878 = arith.constant 48 : index
    %get3A_879 = arith.constant 7 : index
    %get3A_880 = vector.load %arg1[%get3A_878, %get3A_879] : memref<128x16xi32, #tpu.memory_space<vmem>>, vector<8x1xi32>
    %ge3A_881 = vector.broadcast %add3A_788 : vector<1x4096xi32> to vector<8x4096xi32>
    %ge3A_882 = vector.broadcast %get3A_880 : vector<8x1xi32> to vector<8x4096xi32>
    %ge3A_883 = arith.cmpi sge, %ge3A_881, %ge3A_882 : vector<8x4096xi32>
    %get3A_884 = arith.constant 48 : index
    %get3A_885 = arith.constant 8 : index
    %get3A_886 = vector.load %arg2[%get3A_884, %get3A_885] : memref<128x16xf32, #tpu.memory_space<vmem>>, vector<8x1xf32>
    %broadcast_in_dim3A_887 = vector.shape_cast %get3A_886 : vector<8x1xf32> to vector<8x1xf32>
    %broadcast_in_dim3A_888 = vector.broadcast %broadcast_in_dim3A_887 : vector<8x1xf32> to vector<8x4096xf32>
    %select_n3A_889 = arith.select %ge3A_883, %broadcast_in_dim3A_888, %select_n3A_877 : vector<8x4096xi1>, vector<8x4096xf32>
    %get3A_890 = arith.constant 48 : index
    %get3A_891 = arith.constant 8 : index
    %get3A_892 = vector.load %arg1[%get3A_890, %get3A_891] : memref<128x16xi32, #tpu.memory_space<vmem>>, vector<8x1xi32>
    %ge3A_893 = vector.broadcast %add3A_788 : vector<1x4096xi32> to vector<8x4096xi32>
    %ge3A_894 = vector.broadcast %get3A_892 : vector<8x1xi32> to vector<8x4096xi32>
    %ge3A_895 = arith.cmpi sge, %ge3A_893, %ge3A_894 : vector<8x4096xi32>
    %get3A_896 = arith.constant 48 : index
    %get3A_897 = arith.constant 9 : index
    %get3A_898 = vector.load %arg2[%get3A_896, %get3A_897] : memref<128x16xf32, #tpu.memory_space<vmem>>, vector<8x1xf32>
    %broadcast_in_dim3A_899 = vector.shape_cast %get3A_898 : vector<8x1xf32> to vector<8x1xf32>
    %broadcast_in_dim3A_900 = vector.broadcast %broadcast_in_dim3A_899 : vector<8x1xf32> to vector<8x4096xf32>
    %select_n3A_901 = arith.select %ge3A_895, %broadcast_in_dim3A_900, %select_n3A_889 : vector<8x4096xi1>, vector<8x4096xf32>
    %get3A_902 = arith.constant 48 : index
    %get3A_903 = arith.constant 9 : index
    %get3A_904 = vector.load %arg1[%get3A_902, %get3A_903] : memref<128x16xi32, #tpu.memory_space<vmem>>, vector<8x1xi32>
    %ge3A_905 = vector.broadcast %add3A_788 : vector<1x4096xi32> to vector<8x4096xi32>
    %ge3A_906 = vector.broadcast %get3A_904 : vector<8x1xi32> to vector<8x4096xi32>
    %ge3A_907 = arith.cmpi sge, %ge3A_905, %ge3A_906 : vector<8x4096xi32>
    %get3A_908 = arith.constant 48 : index
    %get3A_909 = arith.constant 10 : index
    %get3A_910 = vector.load %arg2[%get3A_908, %get3A_909] : memref<128x16xf32, #tpu.memory_space<vmem>>, vector<8x1xf32>
    %broadcast_in_dim3A_911 = vector.shape_cast %get3A_910 : vector<8x1xf32> to vector<8x1xf32>
    %broadcast_in_dim3A_912 = vector.broadcast %broadcast_in_dim3A_911 : vector<8x1xf32> to vector<8x4096xf32>
    %select_n3A_913 = arith.select %ge3A_907, %broadcast_in_dim3A_912, %select_n3A_901 : vector<8x4096xi1>, vector<8x4096xf32>
    %swap3A_914 = arith.constant 48 : index
    %swap3A_915 = arith.constant 0 : index
    %swap3A_916 = vector.load %arg3[%swap3A_914, %swap3A_915] : memref<128x4096xf32, #tpu.memory_space<vmem>>, vector<8x4096xf32>
    tpu.vector_store %arg3[%swap3A_914, %swap3A_915], %select_n3A_913 {strides = array<i32>} : memref<128x4096xf32, #tpu.memory_space<vmem>>, vector<8x4096xf32>,
    %iota3A_917 = tpu.iota {dimensions = array<i32: 1>} : vector<1x4096xi32>
    %add3A_918 = arith.constant 0 : i32
    %add3A_919 = vector.broadcast %add3A_918 : i32 to vector<1x4096xi32>
    %add3A_920 = arith.addi %iota3A_917, %add3A_919 : vector<1x4096xi32>
    %get3A_921 = arith.constant 56 : index
    %get3A_922 = arith.constant 0 : index
    %get3A_923 = vector.load %arg2[%get3A_921, %get3A_922] : memref<128x16xf32, #tpu.memory_space<vmem>>, vector<8x1xf32>
    %broadcast_in_dim3A_924 = vector.shape_cast %get3A_923 : vector<8x1xf32> to vector<8x1xf32>
    %broadcast_in_dim3A_925 = vector.broadcast %broadcast_in_dim3A_924 : vector<8x1xf32> to vector<8x4096xf32>
    %get3A_926 = arith.constant 56 : index
    %get3A_927 = arith.constant 0 : index
    %get3A_928 = vector.load %arg1[%get3A_926, %get3A_927] : memref<128x16xi32, #tpu.memory_space<vmem>>, vector<8x1xi32>
    %ge3A_929 = vector.broadcast %add3A_920 : vector<1x4096xi32> to vector<8x4096xi32>
    %ge3A_930 = vector.broadcast %get3A_928 : vector<8x1xi32> to vector<8x4096xi32>
    %ge3A_931 = arith.cmpi sge, %ge3A_929, %ge3A_930 : vector<8x4096xi32>
    %get3A_932 = arith.constant 56 : index
    %get3A_933 = arith.constant 1 : index
    %get3A_934 = vector.load %arg2[%get3A_932, %get3A_933] : memref<128x16xf32, #tpu.memory_space<vmem>>, vector<8x1xf32>
    %broadcast_in_dim3A_935 = vector.shape_cast %get3A_934 : vector<8x1xf32> to vector<8x1xf32>
    %broadcast_in_dim3A_936 = vector.broadcast %broadcast_in_dim3A_935 : vector<8x1xf32> to vector<8x4096xf32>
    %select_n3A_937 = arith.select %ge3A_931, %broadcast_in_dim3A_936, %broadcast_in_dim3A_925 : vector<8x4096xi1>, vector<8x4096xf32>
    %get3A_938 = arith.constant 56 : index
    %get3A_939 = arith.constant 1 : index
    %get3A_940 = vector.load %arg1[%get3A_938, %get3A_939] : memref<128x16xi32, #tpu.memory_space<vmem>>, vector<8x1xi32>
    %ge3A_941 = vector.broadcast %add3A_920 : vector<1x4096xi32> to vector<8x4096xi32>
    %ge3A_942 = vector.broadcast %get3A_940 : vector<8x1xi32> to vector<8x4096xi32>
    %ge3A_943 = arith.cmpi sge, %ge3A_941, %ge3A_942 : vector<8x4096xi32>
    %get3A_944 = arith.constant 56 : index
    %get3A_945 = arith.constant 2 : index
    %get3A_946 = vector.load %arg2[%get3A_944, %get3A_945] : memref<128x16xf32, #tpu.memory_space<vmem>>, vector<8x1xf32>
    %broadcast_in_dim3A_947 = vector.shape_cast %get3A_946 : vector<8x1xf32> to vector<8x1xf32>
    %broadcast_in_dim3A_948 = vector.broadcast %broadcast_in_dim3A_947 : vector<8x1xf32> to vector<8x4096xf32>
    %select_n3A_949 = arith.select %ge3A_943, %broadcast_in_dim3A_948, %select_n3A_937 : vector<8x4096xi1>, vector<8x4096xf32>
    %get3A_950 = arith.constant 56 : index
    %get3A_951 = arith.constant 2 : index
    %get3A_952 = vector.load %arg1[%get3A_950, %get3A_951] : memref<128x16xi32, #tpu.memory_space<vmem>>, vector<8x1xi32>
    %ge3A_953 = vector.broadcast %add3A_920 : vector<1x4096xi32> to vector<8x4096xi32>
    %ge3A_954 = vector.broadcast %get3A_952 : vector<8x1xi32> to vector<8x4096xi32>
    %ge3A_955 = arith.cmpi sge, %ge3A_953, %ge3A_954 : vector<8x4096xi32>
    %get3A_956 = arith.constant 56 : index
    %get3A_957 = arith.constant 3 : index
    %get3A_958 = vector.load %arg2[%get3A_956, %get3A_957] : memref<128x16xf32, #tpu.memory_space<vmem>>, vector<8x1xf32>
    %broadcast_in_dim3A_959 = vector.shape_cast %get3A_958 : vector<8x1xf32> to vector<8x1xf32>
    %broadcast_in_dim3A_960 = vector.broadcast %broadcast_in_dim3A_959 : vector<8x1xf32> to vector<8x4096xf32>
    %select_n3A_961 = arith.select %ge3A_955, %broadcast_in_dim3A_960, %select_n3A_949 : vector<8x4096xi1>, vector<8x4096xf32>
    %get3A_962 = arith.constant 56 : index
    %get3A_963 = arith.constant 3 : index
    %get3A_964 = vector.load %arg1[%get3A_962, %get3A_963] : memref<128x16xi32, #tpu.memory_space<vmem>>, vector<8x1xi32>
    %ge3A_965 = vector.broadcast %add3A_920 : vector<1x4096xi32> to vector<8x4096xi32>
    %ge3A_966 = vector.broadcast %get3A_964 : vector<8x1xi32> to vector<8x4096xi32>
    %ge3A_967 = arith.cmpi sge, %ge3A_965, %ge3A_966 : vector<8x4096xi32>
    %get3A_968 = arith.constant 56 : index
    %get3A_969 = arith.constant 4 : index
    %get3A_970 = vector.load %arg2[%get3A_968, %get3A_969] : memref<128x16xf32, #tpu.memory_space<vmem>>, vector<8x1xf32>
    %broadcast_in_dim3A_971 = vector.shape_cast %get3A_970 : vector<8x1xf32> to vector<8x1xf32>
    %broadcast_in_dim3A_972 = vector.broadcast %broadcast_in_dim3A_971 : vector<8x1xf32> to vector<8x4096xf32>
    %select_n3A_973 = arith.select %ge3A_967, %broadcast_in_dim3A_972, %select_n3A_961 : vector<8x4096xi1>, vector<8x4096xf32>
    %get3A_974 = arith.constant 56 : index
    %get3A_975 = arith.constant 4 : index
    %get3A_976 = vector.load %arg1[%get3A_974, %get3A_975] : memref<128x16xi32, #tpu.memory_space<vmem>>, vector<8x1xi32>
    %ge3A_977 = vector.broadcast %add3A_920 : vector<1x4096xi32> to vector<8x4096xi32>
    %ge3A_978 = vector.broadcast %get3A_976 : vector<8x1xi32> to vector<8x4096xi32>
    %ge3A_979 = arith.cmpi sge, %ge3A_977, %ge3A_978 : vector<8x4096xi32>
    %get3A_980 = arith.constant 56 : index
    %get3A_981 = arith.constant 5 : index
    %get3A_982 = vector.load %arg2[%get3A_980, %get3A_981] : memref<128x16xf32, #tpu.memory_space<vmem>>, vector<8x1xf32>
    %broadcast_in_dim3A_983 = vector.shape_cast %get3A_982 : vector<8x1xf32> to vector<8x1xf32>
    %broadcast_in_dim3A_984 = vector.broadcast %broadcast_in_dim3A_983 : vector<8x1xf32> to vector<8x4096xf32>
    %select_n3A_985 = arith.select %ge3A_979, %broadcast_in_dim3A_984, %select_n3A_973 : vector<8x4096xi1>, vector<8x4096xf32>
    %get3A_986 = arith.constant 56 : index
    %get3A_987 = arith.constant 5 : index
    %get3A_988 = vector.load %arg1[%get3A_986, %get3A_987] : memref<128x16xi32, #tpu.memory_space<vmem>>, vector<8x1xi32>
    %ge3A_989 = vector.broadcast %add3A_920 : vector<1x4096xi32> to vector<8x4096xi32>
    %ge3A_990 = vector.broadcast %get3A_988 : vector<8x1xi32> to vector<8x4096xi32>
    %ge3A_991 = arith.cmpi sge, %ge3A_989, %ge3A_990 : vector<8x4096xi32>
    %get3A_992 = arith.constant 56 : index
    %get3A_993 = arith.constant 6 : index
    %get3A_994 = vector.load %arg2[%get3A_992, %get3A_993] : memref<128x16xf32, #tpu.memory_space<vmem>>, vector<8x1xf32>
    %broadcast_in_dim3A_995 = vector.shape_cast %get3A_994 : vector<8x1xf32> to vector<8x1xf32>
    %broadcast_in_dim3A_996 = vector.broadcast %broadcast_in_dim3A_995 : vector<8x1xf32> to vector<8x4096xf32>
    %select_n3A_997 = arith.select %ge3A_991, %broadcast_in_dim3A_996, %select_n3A_985 : vector<8x4096xi1>, vector<8x4096xf32>
    %get3A_998 = arith.constant 56 : index
    %get3A_999 = arith.constant 6 : index
    %get3A_1000 = vector.load %arg1[%get3A_998, %get3A_999] : memref<128x16xi32, #tpu.memory_space<vmem>>, vector<8x1xi32>
    %ge3A_1001 = vector.broadcast %add3A_920 : vector<1x4096xi32> to vector<8x4096xi32>
    %ge3A_1002 = vector.broadcast %get3A_1000 : vector<8x1xi32> to vector<8x4096xi32>
    %ge3A_1003 = arith.cmpi sge, %ge3A_1001, %ge3A_1002 : vector<8x4096xi32>
    %get3A_1004 = arith.constant 56 : index
    %get3A_1005 = arith.constant 7 : index
    %get3A_1006 = vector.load %arg2[%get3A_1004, %get3A_1005] : memref<128x16xf32, #tpu.memory_space<vmem>>, vector<8x1xf32>
    %broadcast_in_dim3A_1007 = vector.shape_cast %get3A_1006 : vector<8x1xf32> to vector<8x1xf32>
    %broadcast_in_dim3A_1008 = vector.broadcast %broadcast_in_dim3A_1007 : vector<8x1xf32> to vector<8x4096xf32>
    %select_n3A_1009 = arith.select %ge3A_1003, %broadcast_in_dim3A_1008, %select_n3A_997 : vector<8x4096xi1>, vector<8x4096xf32>
    %get3A_1010 = arith.constant 56 : index
    %get3A_1011 = arith.constant 7 : index
    %get3A_1012 = vector.load %arg1[%get3A_1010, %get3A_1011] : memref<128x16xi32, #tpu.memory_space<vmem>>, vector<8x1xi32>
    %ge3A_1013 = vector.broadcast %add3A_920 : vector<1x4096xi32> to vector<8x4096xi32>
    %ge3A_1014 = vector.broadcast %get3A_1012 : vector<8x1xi32> to vector<8x4096xi32>
    %ge3A_1015 = arith.cmpi sge, %ge3A_1013, %ge3A_1014 : vector<8x4096xi32>
    %get3A_1016 = arith.constant 56 : index
    %get3A_1017 = arith.constant 8 : index
    %get3A_1018 = vector.load %arg2[%get3A_1016, %get3A_1017] : memref<128x16xf32, #tpu.memory_space<vmem>>, vector<8x1xf32>
    %broadcast_in_dim3A_1019 = vector.shape_cast %get3A_1018 : vector<8x1xf32> to vector<8x1xf32>
    %broadcast_in_dim3A_1020 = vector.broadcast %broadcast_in_dim3A_1019 : vector<8x1xf32> to vector<8x4096xf32>
    %select_n3A_1021 = arith.select %ge3A_1015, %broadcast_in_dim3A_1020, %select_n3A_1009 : vector<8x4096xi1>, vector<8x4096xf32>
    %get3A_1022 = arith.constant 56 : index
    %get3A_1023 = arith.constant 8 : index
    %get3A_1024 = vector.load %arg1[%get3A_1022, %get3A_1023] : memref<128x16xi32, #tpu.memory_space<vmem>>, vector<8x1xi32>
    %ge3A_1025 = vector.broadcast %add3A_920 : vector<1x4096xi32> to vector<8x4096xi32>
    %ge3A_1026 = vector.broadcast %get3A_1024 : vector<8x1xi32> to vector<8x4096xi32>
    %ge3A_1027 = arith.cmpi sge, %ge3A_1025, %ge3A_1026 : vector<8x4096xi32>
    %get3A_1028 = arith.constant 56 : index
    %get3A_1029 = arith.constant 9 : index
    %get3A_1030 = vector.load %arg2[%get3A_1028, %get3A_1029] : memref<128x16xf32, #tpu.memory_space<vmem>>, vector<8x1xf32>
    %broadcast_in_dim3A_1031 = vector.shape_cast %get3A_1030 : vector<8x1xf32> to vector<8x1xf32>
    %broadcast_in_dim3A_1032 = vector.broadcast %broadcast_in_dim3A_1031 : vector<8x1xf32> to vector<8x4096xf32>
    %select_n3A_1033 = arith.select %ge3A_1027, %broadcast_in_dim3A_1032, %select_n3A_1021 : vector<8x4096xi1>, vector<8x4096xf32>
    %get3A_1034 = arith.constant 56 : index
    %get3A_1035 = arith.constant 9 : index
    %get3A_1036 = vector.load %arg1[%get3A_1034, %get3A_1035] : memref<128x16xi32, #tpu.memory_space<vmem>>, vector<8x1xi32>
    %ge3A_1037 = vector.broadcast %add3A_920 : vector<1x4096xi32> to vector<8x4096xi32>
    %ge3A_1038 = vector.broadcast %get3A_1036 : vector<8x1xi32> to vector<8x4096xi32>
    %ge3A_1039 = arith.cmpi sge, %ge3A_1037, %ge3A_1038 : vector<8x4096xi32>
    %get3A_1040 = arith.constant 56 : index
    %get3A_1041 = arith.constant 10 : index
    %get3A_1042 = vector.load %arg2[%get3A_1040, %get3A_1041] : memref<128x16xf32, #tpu.memory_space<vmem>>, vector<8x1xf32>
    %broadcast_in_dim3A_1043 = vector.shape_cast %get3A_1042 : vector<8x1xf32> to vector<8x1xf32>
    %broadcast_in_dim3A_1044 = vector.broadcast %broadcast_in_dim3A_1043 : vector<8x1xf32> to vector<8x4096xf32>
    %select_n3A_1045 = arith.select %ge3A_1039, %broadcast_in_dim3A_1044, %select_n3A_1033 : vector<8x4096xi1>, vector<8x4096xf32>
    %swap3A_1046 = arith.constant 56 : index
    %swap3A_1047 = arith.constant 0 : index
    %swap3A_1048 = vector.load %arg3[%swap3A_1046, %swap3A_1047] : memref<128x4096xf32, #tpu.memory_space<vmem>>, vector<8x4096xf32>
    tpu.vector_store %arg3[%swap3A_1046, %swap3A_1047], %select_n3A_1045 {strides = array<i32>} : memref<128x4096xf32, #tpu.memory_space<vmem>>, vector<8x4096xf32>,
    %iota3A_1049 = tpu.iota {dimensions = array<i32: 1>} : vector<1x4096xi32>
    %add3A_1050 = arith.constant 0 : i32
    %add3A_1051 = vector.broadcast %add3A_1050 : i32 to vector<1x4096xi32>
    %add3A_1052 = arith.addi %iota3A_1049, %add3A_1051 : vector<1x4096xi32>
    %get3A_1053 = arith.constant 64 : index
    %get3A_1054 = arith.constant 0 : index
    %get3A_1055 = vector.load %arg2[%get3A_1053, %get3A_1054] : memref<128x16xf32, #tpu.memory_space<vmem>>, vector<8x1xf32>
    %broadcast_in_dim3A_1056 = vector.shape_cast %get3A_1055 : vector<8x1xf32> to vector<8x1xf32>
    %broadcast_in_dim3A_1057 = vector.broadcast %broadcast_in_dim3A_1056 : vector<8x1xf32> to vector<8x4096xf32>
    %get3A_1058 = arith.constant 64 : index
    %get3A_1059 = arith.constant 0 : index
    %get3A_1060 = vector.load %arg1[%get3A_1058, %get3A_1059] : memref<128x16xi32, #tpu.memory_space<vmem>>, vector<8x1xi32>
    %ge3A_1061 = vector.broadcast %add3A_1052 : vector<1x4096xi32> to vector<8x4096xi32>
    %ge3A_1062 = vector.broadcast %get3A_1060 : vector<8x1xi32> to vector<8x4096xi32>
    %ge3A_1063 = arith.cmpi sge, %ge3A_1061, %ge3A_1062 : vector<8x4096xi32>
    %get3A_1064 = arith.constant 64 : index
    %get3A_1065 = arith.constant 1 : index
    %get3A_1066 = vector.load %arg2[%get3A_1064, %get3A_1065] : memref<128x16xf32, #tpu.memory_space<vmem>>, vector<8x1xf32>
    %broadcast_in_dim3A_1067 = vector.shape_cast %get3A_1066 : vector<8x1xf32> to vector<8x1xf32>
    %broadcast_in_dim3A_1068 = vector.broadcast %broadcast_in_dim3A_1067 : vector<8x1xf32> to vector<8x4096xf32>
    %select_n3A_1069 = arith.select %ge3A_1063, %broadcast_in_dim3A_1068, %broadcast_in_dim3A_1057 : vector<8x4096xi1>, vector<8x4096xf32>
    %get3A_1070 = arith.constant 64 : index
    %get3A_1071 = arith.constant 1 : index
    %get3A_1072 = vector.load %arg1[%get3A_1070, %get3A_1071] : memref<128x16xi32, #tpu.memory_space<vmem>>, vector<8x1xi32>
    %ge3A_1073 = vector.broadcast %add3A_1052 : vector<1x4096xi32> to vector<8x4096xi32>
    %ge3A_1074 = vector.broadcast %get3A_1072 : vector<8x1xi32> to vector<8x4096xi32>
    %ge3A_1075 = arith.cmpi sge, %ge3A_1073, %ge3A_1074 : vector<8x4096xi32>
    %get3A_1076 = arith.constant 64 : index
    %get3A_1077 = arith.constant 2 : index
    %get3A_1078 = vector.load %arg2[%get3A_1076, %get3A_1077] : memref<128x16xf32, #tpu.memory_space<vmem>>, vector<8x1xf32>
    %broadcast_in_dim3A_1079 = vector.shape_cast %get3A_1078 : vector<8x1xf32> to vector<8x1xf32>
    %broadcast_in_dim3A_1080 = vector.broadcast %broadcast_in_dim3A_1079 : vector<8x1xf32> to vector<8x4096xf32>
    %select_n3A_1081 = arith.select %ge3A_1075, %broadcast_in_dim3A_1080, %select_n3A_1069 : vector<8x4096xi1>, vector<8x4096xf32>
    %get3A_1082 = arith.constant 64 : index
    %get3A_1083 = arith.constant 2 : index
    %get3A_1084 = vector.load %arg1[%get3A_1082, %get3A_1083] : memref<128x16xi32, #tpu.memory_space<vmem>>, vector<8x1xi32>
    %ge3A_1085 = vector.broadcast %add3A_1052 : vector<1x4096xi32> to vector<8x4096xi32>
    %ge3A_1086 = vector.broadcast %get3A_1084 : vector<8x1xi32> to vector<8x4096xi32>
    %ge3A_1087 = arith.cmpi sge, %ge3A_1085, %ge3A_1086 : vector<8x4096xi32>
    %get3A_1088 = arith.constant 64 : index
    %get3A_1089 = arith.constant 3 : index
    %get3A_1090 = vector.load %arg2[%get3A_1088, %get3A_1089] : memref<128x16xf32, #tpu.memory_space<vmem>>, vector<8x1xf32>
    %broadcast_in_dim3A_1091 = vector.shape_cast %get3A_1090 : vector<8x1xf32> to vector<8x1xf32>
    %broadcast_in_dim3A_1092 = vector.broadcast %broadcast_in_dim3A_1091 : vector<8x1xf32> to vector<8x4096xf32>
    %select_n3A_1093 = arith.select %ge3A_1087, %broadcast_in_dim3A_1092, %select_n3A_1081 : vector<8x4096xi1>, vector<8x4096xf32>
    %get3A_1094 = arith.constant 64 : index
    %get3A_1095 = arith.constant 3 : index
    %get3A_1096 = vector.load %arg1[%get3A_1094, %get3A_1095] : memref<128x16xi32, #tpu.memory_space<vmem>>, vector<8x1xi32>
    %ge3A_1097 = vector.broadcast %add3A_1052 : vector<1x4096xi32> to vector<8x4096xi32>
    %ge3A_1098 = vector.broadcast %get3A_1096 : vector<8x1xi32> to vector<8x4096xi32>
    %ge3A_1099 = arith.cmpi sge, %ge3A_1097, %ge3A_1098 : vector<8x4096xi32>
    %get3A_1100 = arith.constant 64 : index
    %get3A_1101 = arith.constant 4 : index
    %get3A_1102 = vector.load %arg2[%get3A_1100, %get3A_1101] : memref<128x16xf32, #tpu.memory_space<vmem>>, vector<8x1xf32>
    %broadcast_in_dim3A_1103 = vector.shape_cast %get3A_1102 : vector<8x1xf32> to vector<8x1xf32>
    %broadcast_in_dim3A_1104 = vector.broadcast %broadcast_in_dim3A_1103 : vector<8x1xf32> to vector<8x4096xf32>
    %select_n3A_1105 = arith.select %ge3A_1099, %broadcast_in_dim3A_1104, %select_n3A_1093 : vector<8x4096xi1>, vector<8x4096xf32>
    %get3A_1106 = arith.constant 64 : index
    %get3A_1107 = arith.constant 4 : index
    %get3A_1108 = vector.load %arg1[%get3A_1106, %get3A_1107] : memref<128x16xi32, #tpu.memory_space<vmem>>, vector<8x1xi32>
    %ge3A_1109 = vector.broadcast %add3A_1052 : vector<1x4096xi32> to vector<8x4096xi32>
    %ge3A_1110 = vector.broadcast %get3A_1108 : vector<8x1xi32> to vector<8x4096xi32>
    %ge3A_1111 = arith.cmpi sge, %ge3A_1109, %ge3A_1110 : vector<8x4096xi32>
    %get3A_1112 = arith.constant 64 : index
    %get3A_1113 = arith.constant 5 : index
    %get3A_1114 = vector.load %arg2[%get3A_1112, %get3A_1113] : memref<128x16xf32, #tpu.memory_space<vmem>>, vector<8x1xf32>
    %broadcast_in_dim3A_1115 = vector.shape_cast %get3A_1114 : vector<8x1xf32> to vector<8x1xf32>
    %broadcast_in_dim3A_1116 = vector.broadcast %broadcast_in_dim3A_1115 : vector<8x1xf32> to vector<8x4096xf32>
    %select_n3A_1117 = arith.select %ge3A_1111, %broadcast_in_dim3A_1116, %select_n3A_1105 : vector<8x4096xi1>, vector<8x4096xf32>
    %get3A_1118 = arith.constant 64 : index
    %get3A_1119 = arith.constant 5 : index
    %get3A_1120 = vector.load %arg1[%get3A_1118, %get3A_1119] : memref<128x16xi32, #tpu.memory_space<vmem>>, vector<8x1xi32>
    %ge3A_1121 = vector.broadcast %add3A_1052 : vector<1x4096xi32> to vector<8x4096xi32>
    %ge3A_1122 = vector.broadcast %get3A_1120 : vector<8x1xi32> to vector<8x4096xi32>
    %ge3A_1123 = arith.cmpi sge, %ge3A_1121, %ge3A_1122 : vector<8x4096xi32>
    %get3A_1124 = arith.constant 64 : index
    %get3A_1125 = arith.constant 6 : index
    %get3A_1126 = vector.load %arg2[%get3A_1124, %get3A_1125] : memref<128x16xf32, #tpu.memory_space<vmem>>, vector<8x1xf32>
    %broadcast_in_dim3A_1127 = vector.shape_cast %get3A_1126 : vector<8x1xf32> to vector<8x1xf32>
    %broadcast_in_dim3A_1128 = vector.broadcast %broadcast_in_dim3A_1127 : vector<8x1xf32> to vector<8x4096xf32>
    %select_n3A_1129 = arith.select %ge3A_1123, %broadcast_in_dim3A_1128, %select_n3A_1117 : vector<8x4096xi1>, vector<8x4096xf32>
    %get3A_1130 = arith.constant 64 : index
    %get3A_1131 = arith.constant 6 : index
    %get3A_1132 = vector.load %arg1[%get3A_1130, %get3A_1131] : memref<128x16xi32, #tpu.memory_space<vmem>>, vector<8x1xi32>
    %ge3A_1133 = vector.broadcast %add3A_1052 : vector<1x4096xi32> to vector<8x4096xi32>
    %ge3A_1134 = vector.broadcast %get3A_1132 : vector<8x1xi32> to vector<8x4096xi32>
    %ge3A_1135 = arith.cmpi sge, %ge3A_1133, %ge3A_1134 : vector<8x4096xi32>
    %get3A_1136 = arith.constant 64 : index
    %get3A_1137 = arith.constant 7 : index
    %get3A_1138 = vector.load %arg2[%get3A_1136, %get3A_1137] : memref<128x16xf32, #tpu.memory_space<vmem>>, vector<8x1xf32>
    %broadcast_in_dim3A_1139 = vector.shape_cast %get3A_1138 : vector<8x1xf32> to vector<8x1xf32>
    %broadcast_in_dim3A_1140 = vector.broadcast %broadcast_in_dim3A_1139 : vector<8x1xf32> to vector<8x4096xf32>
    %select_n3A_1141 = arith.select %ge3A_1135, %broadcast_in_dim3A_1140, %select_n3A_1129 : vector<8x4096xi1>, vector<8x4096xf32>
    %get3A_1142 = arith.constant 64 : index
    %get3A_1143 = arith.constant 7 : index
    %get3A_1144 = vector.load %arg1[%get3A_1142, %get3A_1143] : memref<128x16xi32, #tpu.memory_space<vmem>>, vector<8x1xi32>
    %ge3A_1145 = vector.broadcast %add3A_1052 : vector<1x4096xi32> to vector<8x4096xi32>
    %ge3A_1146 = vector.broadcast %get3A_1144 : vector<8x1xi32> to vector<8x4096xi32>
    %ge3A_1147 = arith.cmpi sge, %ge3A_1145, %ge3A_1146 : vector<8x4096xi32>
    %get3A_1148 = arith.constant 64 : index
    %get3A_1149 = arith.constant 8 : index
    %get3A_1150 = vector.load %arg2[%get3A_1148, %get3A_1149] : memref<128x16xf32, #tpu.memory_space<vmem>>, vector<8x1xf32>
    %broadcast_in_dim3A_1151 = vector.shape_cast %get3A_1150 : vector<8x1xf32> to vector<8x1xf32>
    %broadcast_in_dim3A_1152 = vector.broadcast %broadcast_in_dim3A_1151 : vector<8x1xf32> to vector<8x4096xf32>
    %select_n3A_1153 = arith.select %ge3A_1147, %broadcast_in_dim3A_1152, %select_n3A_1141 : vector<8x4096xi1>, vector<8x4096xf32>
    %get3A_1154 = arith.constant 64 : index
    %get3A_1155 = arith.constant 8 : index
    %get3A_1156 = vector.load %arg1[%get3A_1154, %get3A_1155] : memref<128x16xi32, #tpu.memory_space<vmem>>, vector<8x1xi32>
    %ge3A_1157 = vector.broadcast %add3A_1052 : vector<1x4096xi32> to vector<8x4096xi32>
    %ge3A_1158 = vector.broadcast %get3A_1156 : vector<8x1xi32> to vector<8x4096xi32>
    %ge3A_1159 = arith.cmpi sge, %ge3A_1157, %ge3A_1158 : vector<8x4096xi32>
    %get3A_1160 = arith.constant 64 : index
    %get3A_1161 = arith.constant 9 : index
    %get3A_1162 = vector.load %arg2[%get3A_1160, %get3A_1161] : memref<128x16xf32, #tpu.memory_space<vmem>>, vector<8x1xf32>
    %broadcast_in_dim3A_1163 = vector.shape_cast %get3A_1162 : vector<8x1xf32> to vector<8x1xf32>
    %broadcast_in_dim3A_1164 = vector.broadcast %broadcast_in_dim3A_1163 : vector<8x1xf32> to vector<8x4096xf32>
    %select_n3A_1165 = arith.select %ge3A_1159, %broadcast_in_dim3A_1164, %select_n3A_1153 : vector<8x4096xi1>, vector<8x4096xf32>
    %get3A_1166 = arith.constant 64 : index
    %get3A_1167 = arith.constant 9 : index
    %get3A_1168 = vector.load %arg1[%get3A_1166, %get3A_1167] : memref<128x16xi32, #tpu.memory_space<vmem>>, vector<8x1xi32>
    %ge3A_1169 = vector.broadcast %add3A_1052 : vector<1x4096xi32> to vector<8x4096xi32>
    %ge3A_1170 = vector.broadcast %get3A_1168 : vector<8x1xi32> to vector<8x4096xi32>
    %ge3A_1171 = arith.cmpi sge, %ge3A_1169, %ge3A_1170 : vector<8x4096xi32>
    %get3A_1172 = arith.constant 64 : index
    %get3A_1173 = arith.constant 10 : index
    %get3A_1174 = vector.load %arg2[%get3A_1172, %get3A_1173] : memref<128x16xf32, #tpu.memory_space<vmem>>, vector<8x1xf32>
    %broadcast_in_dim3A_1175 = vector.shape_cast %get3A_1174 : vector<8x1xf32> to vector<8x1xf32>
    %broadcast_in_dim3A_1176 = vector.broadcast %broadcast_in_dim3A_1175 : vector<8x1xf32> to vector<8x4096xf32>
    %select_n3A_1177 = arith.select %ge3A_1171, %broadcast_in_dim3A_1176, %select_n3A_1165 : vector<8x4096xi1>, vector<8x4096xf32>
    %swap3A_1178 = arith.constant 64 : index
    %swap3A_1179 = arith.constant 0 : index
    %swap3A_1180 = vector.load %arg3[%swap3A_1178, %swap3A_1179] : memref<128x4096xf32, #tpu.memory_space<vmem>>, vector<8x4096xf32>
    tpu.vector_store %arg3[%swap3A_1178, %swap3A_1179], %select_n3A_1177 {strides = array<i32>} : memref<128x4096xf32, #tpu.memory_space<vmem>>, vector<8x4096xf32>,
    %iota3A_1181 = tpu.iota {dimensions = array<i32: 1>} : vector<1x4096xi32>
    %add3A_1182 = arith.constant 0 : i32
    %add3A_1183 = vector.broadcast %add3A_1182 : i32 to vector<1x4096xi32>
    %add3A_1184 = arith.addi %iota3A_1181, %add3A_1183 : vector<1x4096xi32>
    %get3A_1185 = arith.constant 72 : index
    %get3A_1186 = arith.constant 0 : index
    %get3A_1187 = vector.load %arg2[%get3A_1185, %get3A_1186] : memref<128x16xf32, #tpu.memory_space<vmem>>, vector<8x1xf32>
    %broadcast_in_dim3A_1188 = vector.shape_cast %get3A_1187 : vector<8x1xf32> to vector<8x1xf32>
    %broadcast_in_dim3A_1189 = vector.broadcast %broadcast_in_dim3A_1188 : vector<8x1xf32> to vector<8x4096xf32>
    %get3A_1190 = arith.constant 72 : index
    %get3A_1191 = arith.constant 0 : index
    %get3A_1192 = vector.load %arg1[%get3A_1190, %get3A_1191] : memref<128x16xi32, #tpu.memory_space<vmem>>, vector<8x1xi32>
    %ge3A_1193 = vector.broadcast %add3A_1184 : vector<1x4096xi32> to vector<8x4096xi32>
    %ge3A_1194 = vector.broadcast %get3A_1192 : vector<8x1xi32> to vector<8x4096xi32>
    %ge3A_1195 = arith.cmpi sge, %ge3A_1193, %ge3A_1194 : vector<8x4096xi32>
    %get3A_1196 = arith.constant 72 : index
    %get3A_1197 = arith.constant 1 : index
    %get3A_1198 = vector.load %arg2[%get3A_1196, %get3A_1197] : memref<128x16xf32, #tpu.memory_space<vmem>>, vector<8x1xf32>
    %broadcast_in_dim3A_1199 = vector.shape_cast %get3A_1198 : vector<8x1xf32> to vector<8x1xf32>
    %broadcast_in_dim3A_1200 = vector.broadcast %broadcast_in_dim3A_1199 : vector<8x1xf32> to vector<8x4096xf32>
    %select_n3A_1201 = arith.select %ge3A_1195, %broadcast_in_dim3A_1200, %broadcast_in_dim3A_1189 : vector<8x4096xi1>, vector<8x4096xf32>
    %get3A_1202 = arith.constant 72 : index
    %get3A_1203 = arith.constant 1 : index
    %get3A_1204 = vector.load %arg1[%get3A_1202, %get3A_1203] : memref<128x16xi32, #tpu.memory_space<vmem>>, vector<8x1xi32>
    %ge3A_1205 = vector.broadcast %add3A_1184 : vector<1x4096xi32> to vector<8x4096xi32>
    %ge3A_1206 = vector.broadcast %get3A_1204 : vector<8x1xi32> to vector<8x4096xi32>
    %ge3A_1207 = arith.cmpi sge, %ge3A_1205, %ge3A_1206 : vector<8x4096xi32>
    %get3A_1208 = arith.constant 72 : index
    %get3A_1209 = arith.constant 2 : index
    %get3A_1210 = vector.load %arg2[%get3A_1208, %get3A_1209] : memref<128x16xf32, #tpu.memory_space<vmem>>, vector<8x1xf32>
    %broadcast_in_dim3A_1211 = vector.shape_cast %get3A_1210 : vector<8x1xf32> to vector<8x1xf32>
    %broadcast_in_dim3A_1212 = vector.broadcast %broadcast_in_dim3A_1211 : vector<8x1xf32> to vector<8x4096xf32>
    %select_n3A_1213 = arith.select %ge3A_1207, %broadcast_in_dim3A_1212, %select_n3A_1201 : vector<8x4096xi1>, vector<8x4096xf32>
    %get3A_1214 = arith.constant 72 : index
    %get3A_1215 = arith.constant 2 : index
    %get3A_1216 = vector.load %arg1[%get3A_1214, %get3A_1215] : memref<128x16xi32, #tpu.memory_space<vmem>>, vector<8x1xi32>
    %ge3A_1217 = vector.broadcast %add3A_1184 : vector<1x4096xi32> to vector<8x4096xi32>
    %ge3A_1218 = vector.broadcast %get3A_1216 : vector<8x1xi32> to vector<8x4096xi32>
    %ge3A_1219 = arith.cmpi sge, %ge3A_1217, %ge3A_1218 : vector<8x4096xi32>
    %get3A_1220 = arith.constant 72 : index
    %get3A_1221 = arith.constant 3 : index
    %get3A_1222 = vector.load %arg2[%get3A_1220, %get3A_1221] : memref<128x16xf32, #tpu.memory_space<vmem>>, vector<8x1xf32>
    %broadcast_in_dim3A_1223 = vector.shape_cast %get3A_1222 : vector<8x1xf32> to vector<8x1xf32>
    %broadcast_in_dim3A_1224 = vector.broadcast %broadcast_in_dim3A_1223 : vector<8x1xf32> to vector<8x4096xf32>
    %select_n3A_1225 = arith.select %ge3A_1219, %broadcast_in_dim3A_1224, %select_n3A_1213 : vector<8x4096xi1>, vector<8x4096xf32>
    %get3A_1226 = arith.constant 72 : index
    %get3A_1227 = arith.constant 3 : index
    %get3A_1228 = vector.load %arg1[%get3A_1226, %get3A_1227] : memref<128x16xi32, #tpu.memory_space<vmem>>, vector<8x1xi32>
    %ge3A_1229 = vector.broadcast %add3A_1184 : vector<1x4096xi32> to vector<8x4096xi32>
    %ge3A_1230 = vector.broadcast %get3A_1228 : vector<8x1xi32> to vector<8x4096xi32>
    %ge3A_1231 = arith.cmpi sge, %ge3A_1229, %ge3A_1230 : vector<8x4096xi32>
    %get3A_1232 = arith.constant 72 : index
    %get3A_1233 = arith.constant 4 : index
    %get3A_1234 = vector.load %arg2[%get3A_1232, %get3A_1233] : memref<128x16xf32, #tpu.memory_space<vmem>>, vector<8x1xf32>
    %broadcast_in_dim3A_1235 = vector.shape_cast %get3A_1234 : vector<8x1xf32> to vector<8x1xf32>
    %broadcast_in_dim3A_1236 = vector.broadcast %broadcast_in_dim3A_1235 : vector<8x1xf32> to vector<8x4096xf32>
    %select_n3A_1237 = arith.select %ge3A_1231, %broadcast_in_dim3A_1236, %select_n3A_1225 : vector<8x4096xi1>, vector<8x4096xf32>
    %get3A_1238 = arith.constant 72 : index
    %get3A_1239 = arith.constant 4 : index
    %get3A_1240 = vector.load %arg1[%get3A_1238, %get3A_1239] : memref<128x16xi32, #tpu.memory_space<vmem>>, vector<8x1xi32>
    %ge3A_1241 = vector.broadcast %add3A_1184 : vector<1x4096xi32> to vector<8x4096xi32>
    %ge3A_1242 = vector.broadcast %get3A_1240 : vector<8x1xi32> to vector<8x4096xi32>
    %ge3A_1243 = arith.cmpi sge, %ge3A_1241, %ge3A_1242 : vector<8x4096xi32>
    %get3A_1244 = arith.constant 72 : index
    %get3A_1245 = arith.constant 5 : index
    %get3A_1246 = vector.load %arg2[%get3A_1244, %get3A_1245] : memref<128x16xf32, #tpu.memory_space<vmem>>, vector<8x1xf32>
    %broadcast_in_dim3A_1247 = vector.shape_cast %get3A_1246 : vector<8x1xf32> to vector<8x1xf32>
    %broadcast_in_dim3A_1248 = vector.broadcast %broadcast_in_dim3A_1247 : vector<8x1xf32> to vector<8x4096xf32>
    %select_n3A_1249 = arith.select %ge3A_1243, %broadcast_in_dim3A_1248, %select_n3A_1237 : vector<8x4096xi1>, vector<8x4096xf32>
    %get3A_1250 = arith.constant 72 : index
    %get3A_1251 = arith.constant 5 : index
    %get3A_1252 = vector.load %arg1[%get3A_1250, %get3A_1251] : memref<128x16xi32, #tpu.memory_space<vmem>>, vector<8x1xi32>
    %ge3A_1253 = vector.broadcast %add3A_1184 : vector<1x4096xi32> to vector<8x4096xi32>
    %ge3A_1254 = vector.broadcast %get3A_1252 : vector<8x1xi32> to vector<8x4096xi32>
    %ge3A_1255 = arith.cmpi sge, %ge3A_1253, %ge3A_1254 : vector<8x4096xi32>
    %get3A_1256 = arith.constant 72 : index
    %get3A_1257 = arith.constant 6 : index
    %get3A_1258 = vector.load %arg2[%get3A_1256, %get3A_1257] : memref<128x16xf32, #tpu.memory_space<vmem>>, vector<8x1xf32>
    %broadcast_in_dim3A_1259 = vector.shape_cast %get3A_1258 : vector<8x1xf32> to vector<8x1xf32>
    %broadcast_in_dim3A_1260 = vector.broadcast %broadcast_in_dim3A_1259 : vector<8x1xf32> to vector<8x4096xf32>
    %select_n3A_1261 = arith.select %ge3A_1255, %broadcast_in_dim3A_1260, %select_n3A_1249 : vector<8x4096xi1>, vector<8x4096xf32>
    %get3A_1262 = arith.constant 72 : index
    %get3A_1263 = arith.constant 6 : index
    %get3A_1264 = vector.load %arg1[%get3A_1262, %get3A_1263] : memref<128x16xi32, #tpu.memory_space<vmem>>, vector<8x1xi32>
    %ge3A_1265 = vector.broadcast %add3A_1184 : vector<1x4096xi32> to vector<8x4096xi32>
    %ge3A_1266 = vector.broadcast %get3A_1264 : vector<8x1xi32> to vector<8x4096xi32>
    %ge3A_1267 = arith.cmpi sge, %ge3A_1265, %ge3A_1266 : vector<8x4096xi32>
    %get3A_1268 = arith.constant 72 : index
    %get3A_1269 = arith.constant 7 : index
    %get3A_1270 = vector.load %arg2[%get3A_1268, %get3A_1269] : memref<128x16xf32, #tpu.memory_space<vmem>>, vector<8x1xf32>
    %broadcast_in_dim3A_1271 = vector.shape_cast %get3A_1270 : vector<8x1xf32> to vector<8x1xf32>
    %broadcast_in_dim3A_1272 = vector.broadcast %broadcast_in_dim3A_1271 : vector<8x1xf32> to vector<8x4096xf32>
    %select_n3A_1273 = arith.select %ge3A_1267, %broadcast_in_dim3A_1272, %select_n3A_1261 : vector<8x4096xi1>, vector<8x4096xf32>
    %get3A_1274 = arith.constant 72 : index
    %get3A_1275 = arith.constant 7 : index
    %get3A_1276 = vector.load %arg1[%get3A_1274, %get3A_1275] : memref<128x16xi32, #tpu.memory_space<vmem>>, vector<8x1xi32>
    %ge3A_1277 = vector.broadcast %add3A_1184 : vector<1x4096xi32> to vector<8x4096xi32>
    %ge3A_1278 = vector.broadcast %get3A_1276 : vector<8x1xi32> to vector<8x4096xi32>
    %ge3A_1279 = arith.cmpi sge, %ge3A_1277, %ge3A_1278 : vector<8x4096xi32>
    %get3A_1280 = arith.constant 72 : index
    %get3A_1281 = arith.constant 8 : index
    %get3A_1282 = vector.load %arg2[%get3A_1280, %get3A_1281] : memref<128x16xf32, #tpu.memory_space<vmem>>, vector<8x1xf32>
    %broadcast_in_dim3A_1283 = vector.shape_cast %get3A_1282 : vector<8x1xf32> to vector<8x1xf32>
    %broadcast_in_dim3A_1284 = vector.broadcast %broadcast_in_dim3A_1283 : vector<8x1xf32> to vector<8x4096xf32>
    %select_n3A_1285 = arith.select %ge3A_1279, %broadcast_in_dim3A_1284, %select_n3A_1273 : vector<8x4096xi1>, vector<8x4096xf32>
    %get3A_1286 = arith.constant 72 : index
    %get3A_1287 = arith.constant 8 : index
    %get3A_1288 = vector.load %arg1[%get3A_1286, %get3A_1287] : memref<128x16xi32, #tpu.memory_space<vmem>>, vector<8x1xi32>
    %ge3A_1289 = vector.broadcast %add3A_1184 : vector<1x4096xi32> to vector<8x4096xi32>
    %ge3A_1290 = vector.broadcast %get3A_1288 : vector<8x1xi32> to vector<8x4096xi32>
    %ge3A_1291 = arith.cmpi sge, %ge3A_1289, %ge3A_1290 : vector<8x4096xi32>
    %get3A_1292 = arith.constant 72 : index
    %get3A_1293 = arith.constant 9 : index
    %get3A_1294 = vector.load %arg2[%get3A_1292, %get3A_1293] : memref<128x16xf32, #tpu.memory_space<vmem>>, vector<8x1xf32>
    %broadcast_in_dim3A_1295 = vector.shape_cast %get3A_1294 : vector<8x1xf32> to vector<8x1xf32>
    %broadcast_in_dim3A_1296 = vector.broadcast %broadcast_in_dim3A_1295 : vector<8x1xf32> to vector<8x4096xf32>
    %select_n3A_1297 = arith.select %ge3A_1291, %broadcast_in_dim3A_1296, %select_n3A_1285 : vector<8x4096xi1>, vector<8x4096xf32>
    %get3A_1298 = arith.constant 72 : index
    %get3A_1299 = arith.constant 9 : index
    %get3A_1300 = vector.load %arg1[%get3A_1298, %get3A_1299] : memref<128x16xi32, #tpu.memory_space<vmem>>, vector<8x1xi32>
    %ge3A_1301 = vector.broadcast %add3A_1184 : vector<1x4096xi32> to vector<8x4096xi32>
    %ge3A_1302 = vector.broadcast %get3A_1300 : vector<8x1xi32> to vector<8x4096xi32>
    %ge3A_1303 = arith.cmpi sge, %ge3A_1301, %ge3A_1302 : vector<8x4096xi32>
    %get3A_1304 = arith.constant 72 : index
    %get3A_1305 = arith.constant 10 : index
    %get3A_1306 = vector.load %arg2[%get3A_1304, %get3A_1305] : memref<128x16xf32, #tpu.memory_space<vmem>>, vector<8x1xf32>
    %broadcast_in_dim3A_1307 = vector.shape_cast %get3A_1306 : vector<8x1xf32> to vector<8x1xf32>
    %broadcast_in_dim3A_1308 = vector.broadcast %broadcast_in_dim3A_1307 : vector<8x1xf32> to vector<8x4096xf32>
    %select_n3A_1309 = arith.select %ge3A_1303, %broadcast_in_dim3A_1308, %select_n3A_1297 : vector<8x4096xi1>, vector<8x4096xf32>
    %swap3A_1310 = arith.constant 72 : index
    %swap3A_1311 = arith.constant 0 : index
    %swap3A_1312 = vector.load %arg3[%swap3A_1310, %swap3A_1311] : memref<128x4096xf32, #tpu.memory_space<vmem>>, vector<8x4096xf32>
    tpu.vector_store %arg3[%swap3A_1310, %swap3A_1311], %select_n3A_1309 {strides = array<i32>} : memref<128x4096xf32, #tpu.memory_space<vmem>>, vector<8x4096xf32>,
    %iota3A_1313 = tpu.iota {dimensions = array<i32: 1>} : vector<1x4096xi32>
    %add3A_1314 = arith.constant 0 : i32
    %add3A_1315 = vector.broadcast %add3A_1314 : i32 to vector<1x4096xi32>
    %add3A_1316 = arith.addi %iota3A_1313, %add3A_1315 : vector<1x4096xi32>
    %get3A_1317 = arith.constant 80 : index
    %get3A_1318 = arith.constant 0 : index
    %get3A_1319 = vector.load %arg2[%get3A_1317, %get3A_1318] : memref<128x16xf32, #tpu.memory_space<vmem>>, vector<8x1xf32>
    %broadcast_in_dim3A_1320 = vector.shape_cast %get3A_1319 : vector<8x1xf32> to vector<8x1xf32>
    %broadcast_in_dim3A_1321 = vector.broadcast %broadcast_in_dim3A_1320 : vector<8x1xf32> to vector<8x4096xf32>
    %get3A_1322 = arith.constant 80 : index
    %get3A_1323 = arith.constant 0 : index
    %get3A_1324 = vector.load %arg1[%get3A_1322, %get3A_1323] : memref<128x16xi32, #tpu.memory_space<vmem>>, vector<8x1xi32>
    %ge3A_1325 = vector.broadcast %add3A_1316 : vector<1x4096xi32> to vector<8x4096xi32>
    %ge3A_1326 = vector.broadcast %get3A_1324 : vector<8x1xi32> to vector<8x4096xi32>
    %ge3A_1327 = arith.cmpi sge, %ge3A_1325, %ge3A_1326 : vector<8x4096xi32>
    %get3A_1328 = arith.constant 80 : index
    %get3A_1329 = arith.constant 1 : index
    %get3A_1330 = vector.load %arg2[%get3A_1328, %get3A_1329] : memref<128x16xf32, #tpu.memory_space<vmem>>, vector<8x1xf32>
    %broadcast_in_dim3A_1331 = vector.shape_cast %get3A_1330 : vector<8x1xf32> to vector<8x1xf32>
    %broadcast_in_dim3A_1332 = vector.broadcast %broadcast_in_dim3A_1331 : vector<8x1xf32> to vector<8x4096xf32>
    %select_n3A_1333 = arith.select %ge3A_1327, %broadcast_in_dim3A_1332, %broadcast_in_dim3A_1321 : vector<8x4096xi1>, vector<8x4096xf32>
    %get3A_1334 = arith.constant 80 : index
    %get3A_1335 = arith.constant 1 : index
    %get3A_1336 = vector.load %arg1[%get3A_1334, %get3A_1335] : memref<128x16xi32, #tpu.memory_space<vmem>>, vector<8x1xi32>
    %ge3A_1337 = vector.broadcast %add3A_1316 : vector<1x4096xi32> to vector<8x4096xi32>
    %ge3A_1338 = vector.broadcast %get3A_1336 : vector<8x1xi32> to vector<8x4096xi32>
    %ge3A_1339 = arith.cmpi sge, %ge3A_1337, %ge3A_1338 : vector<8x4096xi32>
    %get3A_1340 = arith.constant 80 : index
    %get3A_1341 = arith.constant 2 : index
    %get3A_1342 = vector.load %arg2[%get3A_1340, %get3A_1341] : memref<128x16xf32, #tpu.memory_space<vmem>>, vector<8x1xf32>
    %broadcast_in_dim3A_1343 = vector.shape_cast %get3A_1342 : vector<8x1xf32> to vector<8x1xf32>
    %broadcast_in_dim3A_1344 = vector.broadcast %broadcast_in_dim3A_1343 : vector<8x1xf32> to vector<8x4096xf32>
    %select_n3A_1345 = arith.select %ge3A_1339, %broadcast_in_dim3A_1344, %select_n3A_1333 : vector<8x4096xi1>, vector<8x4096xf32>
    %get3A_1346 = arith.constant 80 : index
    %get3A_1347 = arith.constant 2 : index
    %get3A_1348 = vector.load %arg1[%get3A_1346, %get3A_1347] : memref<128x16xi32, #tpu.memory_space<vmem>>, vector<8x1xi32>
    %ge3A_1349 = vector.broadcast %add3A_1316 : vector<1x4096xi32> to vector<8x4096xi32>
    %ge3A_1350 = vector.broadcast %get3A_1348 : vector<8x1xi32> to vector<8x4096xi32>
    %ge3A_1351 = arith.cmpi sge, %ge3A_1349, %ge3A_1350 : vector<8x4096xi32>
    %get3A_1352 = arith.constant 80 : index
    %get3A_1353 = arith.constant 3 : index
    %get3A_1354 = vector.load %arg2[%get3A_1352, %get3A_1353] : memref<128x16xf32, #tpu.memory_space<vmem>>, vector<8x1xf32>
    %broadcast_in_dim3A_1355 = vector.shape_cast %get3A_1354 : vector<8x1xf32> to vector<8x1xf32>
    %broadcast_in_dim3A_1356 = vector.broadcast %broadcast_in_dim3A_1355 : vector<8x1xf32> to vector<8x4096xf32>
    %select_n3A_1357 = arith.select %ge3A_1351, %broadcast_in_dim3A_1356, %select_n3A_1345 : vector<8x4096xi1>, vector<8x4096xf32>
    %get3A_1358 = arith.constant 80 : index
    %get3A_1359 = arith.constant 3 : index
    %get3A_1360 = vector.load %arg1[%get3A_1358, %get3A_1359] : memref<128x16xi32, #tpu.memory_space<vmem>>, vector<8x1xi32>
    %ge3A_1361 = vector.broadcast %add3A_1316 : vector<1x4096xi32> to vector<8x4096xi32>
    %ge3A_1362 = vector.broadcast %get3A_1360 : vector<8x1xi32> to vector<8x4096xi32>
    %ge3A_1363 = arith.cmpi sge, %ge3A_1361, %ge3A_1362 : vector<8x4096xi32>
    %get3A_1364 = arith.constant 80 : index
    %get3A_1365 = arith.constant 4 : index
    %get3A_1366 = vector.load %arg2[%get3A_1364, %get3A_1365] : memref<128x16xf32, #tpu.memory_space<vmem>>, vector<8x1xf32>
    %broadcast_in_dim3A_1367 = vector.shape_cast %get3A_1366 : vector<8x1xf32> to vector<8x1xf32>
    %broadcast_in_dim3A_1368 = vector.broadcast %broadcast_in_dim3A_1367 : vector<8x1xf32> to vector<8x4096xf32>
    %select_n3A_1369 = arith.select %ge3A_1363, %broadcast_in_dim3A_1368, %select_n3A_1357 : vector<8x4096xi1>, vector<8x4096xf32>
    %get3A_1370 = arith.constant 80 : index
    %get3A_1371 = arith.constant 4 : index
    %get3A_1372 = vector.load %arg1[%get3A_1370, %get3A_1371] : memref<128x16xi32, #tpu.memory_space<vmem>>, vector<8x1xi32>
    %ge3A_1373 = vector.broadcast %add3A_1316 : vector<1x4096xi32> to vector<8x4096xi32>
    %ge3A_1374 = vector.broadcast %get3A_1372 : vector<8x1xi32> to vector<8x4096xi32>
    %ge3A_1375 = arith.cmpi sge, %ge3A_1373, %ge3A_1374 : vector<8x4096xi32>
    %get3A_1376 = arith.constant 80 : index
    %get3A_1377 = arith.constant 5 : index
    %get3A_1378 = vector.load %arg2[%get3A_1376, %get3A_1377] : memref<128x16xf32, #tpu.memory_space<vmem>>, vector<8x1xf32>
    %broadcast_in_dim3A_1379 = vector.shape_cast %get3A_1378 : vector<8x1xf32> to vector<8x1xf32>
    %broadcast_in_dim3A_1380 = vector.broadcast %broadcast_in_dim3A_1379 : vector<8x1xf32> to vector<8x4096xf32>
    %select_n3A_1381 = arith.select %ge3A_1375, %broadcast_in_dim3A_1380, %select_n3A_1369 : vector<8x4096xi1>, vector<8x4096xf32>
    %get3A_1382 = arith.constant 80 : index
    %get3A_1383 = arith.constant 5 : index
    %get3A_1384 = vector.load %arg1[%get3A_1382, %get3A_1383] : memref<128x16xi32, #tpu.memory_space<vmem>>, vector<8x1xi32>
    %ge3A_1385 = vector.broadcast %add3A_1316 : vector<1x4096xi32> to vector<8x4096xi32>
    %ge3A_1386 = vector.broadcast %get3A_1384 : vector<8x1xi32> to vector<8x4096xi32>
    %ge3A_1387 = arith.cmpi sge, %ge3A_1385, %ge3A_1386 : vector<8x4096xi32>
    %get3A_1388 = arith.constant 80 : index
    %get3A_1389 = arith.constant 6 : index
    %get3A_1390 = vector.load %arg2[%get3A_1388, %get3A_1389] : memref<128x16xf32, #tpu.memory_space<vmem>>, vector<8x1xf32>
    %broadcast_in_dim3A_1391 = vector.shape_cast %get3A_1390 : vector<8x1xf32> to vector<8x1xf32>
    %broadcast_in_dim3A_1392 = vector.broadcast %broadcast_in_dim3A_1391 : vector<8x1xf32> to vector<8x4096xf32>
    %select_n3A_1393 = arith.select %ge3A_1387, %broadcast_in_dim3A_1392, %select_n3A_1381 : vector<8x4096xi1>, vector<8x4096xf32>
    %get3A_1394 = arith.constant 80 : index
    %get3A_1395 = arith.constant 6 : index
    %get3A_1396 = vector.load %arg1[%get3A_1394, %get3A_1395] : memref<128x16xi32, #tpu.memory_space<vmem>>, vector<8x1xi32>
    %ge3A_1397 = vector.broadcast %add3A_1316 : vector<1x4096xi32> to vector<8x4096xi32>
    %ge3A_1398 = vector.broadcast %get3A_1396 : vector<8x1xi32> to vector<8x4096xi32>
    %ge3A_1399 = arith.cmpi sge, %ge3A_1397, %ge3A_1398 : vector<8x4096xi32>
    %get3A_1400 = arith.constant 80 : index
    %get3A_1401 = arith.constant 7 : index
    %get3A_1402 = vector.load %arg2[%get3A_1400, %get3A_1401] : memref<128x16xf32, #tpu.memory_space<vmem>>, vector<8x1xf32>
    %broadcast_in_dim3A_1403 = vector.shape_cast %get3A_1402 : vector<8x1xf32> to vector<8x1xf32>
    %broadcast_in_dim3A_1404 = vector.broadcast %broadcast_in_dim3A_1403 : vector<8x1xf32> to vector<8x4096xf32>
    %select_n3A_1405 = arith.select %ge3A_1399, %broadcast_in_dim3A_1404, %select_n3A_1393 : vector<8x4096xi1>, vector<8x4096xf32>
    %get3A_1406 = arith.constant 80 : index
    %get3A_1407 = arith.constant 7 : index
    %get3A_1408 = vector.load %arg1[%get3A_1406, %get3A_1407] : memref<128x16xi32, #tpu.memory_space<vmem>>, vector<8x1xi32>
    %ge3A_1409 = vector.broadcast %add3A_1316 : vector<1x4096xi32> to vector<8x4096xi32>
    %ge3A_1410 = vector.broadcast %get3A_1408 : vector<8x1xi32> to vector<8x4096xi32>
    %ge3A_1411 = arith.cmpi sge, %ge3A_1409, %ge3A_1410 : vector<8x4096xi32>
    %get3A_1412 = arith.constant 80 : index
    %get3A_1413 = arith.constant 8 : index
    %get3A_1414 = vector.load %arg2[%get3A_1412, %get3A_1413] : memref<128x16xf32, #tpu.memory_space<vmem>>, vector<8x1xf32>
    %broadcast_in_dim3A_1415 = vector.shape_cast %get3A_1414 : vector<8x1xf32> to vector<8x1xf32>
    %broadcast_in_dim3A_1416 = vector.broadcast %broadcast_in_dim3A_1415 : vector<8x1xf32> to vector<8x4096xf32>
    %select_n3A_1417 = arith.select %ge3A_1411, %broadcast_in_dim3A_1416, %select_n3A_1405 : vector<8x4096xi1>, vector<8x4096xf32>
    %get3A_1418 = arith.constant 80 : index
    %get3A_1419 = arith.constant 8 : index
    %get3A_1420 = vector.load %arg1[%get3A_1418, %get3A_1419] : memref<128x16xi32, #tpu.memory_space<vmem>>, vector<8x1xi32>
    %ge3A_1421 = vector.broadcast %add3A_1316 : vector<1x4096xi32> to vector<8x4096xi32>
    %ge3A_1422 = vector.broadcast %get3A_1420 : vector<8x1xi32> to vector<8x4096xi32>
    %ge3A_1423 = arith.cmpi sge, %ge3A_1421, %ge3A_1422 : vector<8x4096xi32>
    %get3A_1424 = arith.constant 80 : index
    %get3A_1425 = arith.constant 9 : index
    %get3A_1426 = vector.load %arg2[%get3A_1424, %get3A_1425] : memref<128x16xf32, #tpu.memory_space<vmem>>, vector<8x1xf32>
    %broadcast_in_dim3A_1427 = vector.shape_cast %get3A_1426 : vector<8x1xf32> to vector<8x1xf32>
    %broadcast_in_dim3A_1428 = vector.broadcast %broadcast_in_dim3A_1427 : vector<8x1xf32> to vector<8x4096xf32>
    %select_n3A_1429 = arith.select %ge3A_1423, %broadcast_in_dim3A_1428, %select_n3A_1417 : vector<8x4096xi1>, vector<8x4096xf32>
    %get3A_1430 = arith.constant 80 : index
    %get3A_1431 = arith.constant 9 : index
    %get3A_1432 = vector.load %arg1[%get3A_1430, %get3A_1431] : memref<128x16xi32, #tpu.memory_space<vmem>>, vector<8x1xi32>
    %ge3A_1433 = vector.broadcast %add3A_1316 : vector<1x4096xi32> to vector<8x4096xi32>
    %ge3A_1434 = vector.broadcast %get3A_1432 : vector<8x1xi32> to vector<8x4096xi32>
    %ge3A_1435 = arith.cmpi sge, %ge3A_1433, %ge3A_1434 : vector<8x4096xi32>
    %get3A_1436 = arith.constant 80 : index
    %get3A_1437 = arith.constant 10 : index
    %get3A_1438 = vector.load %arg2[%get3A_1436, %get3A_1437] : memref<128x16xf32, #tpu.memory_space<vmem>>, vector<8x1xf32>
    %broadcast_in_dim3A_1439 = vector.shape_cast %get3A_1438 : vector<8x1xf32> to vector<8x1xf32>
    %broadcast_in_dim3A_1440 = vector.broadcast %broadcast_in_dim3A_1439 : vector<8x1xf32> to vector<8x4096xf32>
    %select_n3A_1441 = arith.select %ge3A_1435, %broadcast_in_dim3A_1440, %select_n3A_1429 : vector<8x4096xi1>, vector<8x4096xf32>
    %swap3A_1442 = arith.constant 80 : index
    %swap3A_1443 = arith.constant 0 : index
    %swap3A_1444 = vector.load %arg3[%swap3A_1442, %swap3A_1443] : memref<128x4096xf32, #tpu.memory_space<vmem>>, vector<8x4096xf32>
    tpu.vector_store %arg3[%swap3A_1442, %swap3A_1443], %select_n3A_1441 {strides = array<i32>} : memref<128x4096xf32, #tpu.memory_space<vmem>>, vector<8x4096xf32>,
    %iota3A_1445 = tpu.iota {dimensions = array<i32: 1>} : vector<1x4096xi32>
    %add3A_1446 = arith.constant 0 : i32
    %add3A_1447 = vector.broadcast %add3A_1446 : i32 to vector<1x4096xi32>
    %add3A_1448 = arith.addi %iota3A_1445, %add3A_1447 : vector<1x4096xi32>
    %get3A_1449 = arith.constant 88 : index
    %get3A_1450 = arith.constant 0 : index
    %get3A_1451 = vector.load %arg2[%get3A_1449, %get3A_1450] : memref<128x16xf32, #tpu.memory_space<vmem>>, vector<8x1xf32>
    %broadcast_in_dim3A_1452 = vector.shape_cast %get3A_1451 : vector<8x1xf32> to vector<8x1xf32>
    %broadcast_in_dim3A_1453 = vector.broadcast %broadcast_in_dim3A_1452 : vector<8x1xf32> to vector<8x4096xf32>
    %get3A_1454 = arith.constant 88 : index
    %get3A_1455 = arith.constant 0 : index
    %get3A_1456 = vector.load %arg1[%get3A_1454, %get3A_1455] : memref<128x16xi32, #tpu.memory_space<vmem>>, vector<8x1xi32>
    %ge3A_1457 = vector.broadcast %add3A_1448 : vector<1x4096xi32> to vector<8x4096xi32>
    %ge3A_1458 = vector.broadcast %get3A_1456 : vector<8x1xi32> to vector<8x4096xi32>
    %ge3A_1459 = arith.cmpi sge, %ge3A_1457, %ge3A_1458 : vector<8x4096xi32>
    %get3A_1460 = arith.constant 88 : index
    %get3A_1461 = arith.constant 1 : index
    %get3A_1462 = vector.load %arg2[%get3A_1460, %get3A_1461] : memref<128x16xf32, #tpu.memory_space<vmem>>, vector<8x1xf32>
    %broadcast_in_dim3A_1463 = vector.shape_cast %get3A_1462 : vector<8x1xf32> to vector<8x1xf32>
    %broadcast_in_dim3A_1464 = vector.broadcast %broadcast_in_dim3A_1463 : vector<8x1xf32> to vector<8x4096xf32>
    %select_n3A_1465 = arith.select %ge3A_1459, %broadcast_in_dim3A_1464, %broadcast_in_dim3A_1453 : vector<8x4096xi1>, vector<8x4096xf32>
    %get3A_1466 = arith.constant 88 : index
    %get3A_1467 = arith.constant 1 : index
    %get3A_1468 = vector.load %arg1[%get3A_1466, %get3A_1467] : memref<128x16xi32, #tpu.memory_space<vmem>>, vector<8x1xi32>
    %ge3A_1469 = vector.broadcast %add3A_1448 : vector<1x4096xi32> to vector<8x4096xi32>
    %ge3A_1470 = vector.broadcast %get3A_1468 : vector<8x1xi32> to vector<8x4096xi32>
    %ge3A_1471 = arith.cmpi sge, %ge3A_1469, %ge3A_1470 : vector<8x4096xi32>
    %get3A_1472 = arith.constant 88 : index
    %get3A_1473 = arith.constant 2 : index
    %get3A_1474 = vector.load %arg2[%get3A_1472, %get3A_1473] : memref<128x16xf32, #tpu.memory_space<vmem>>, vector<8x1xf32>
    %broadcast_in_dim3A_1475 = vector.shape_cast %get3A_1474 : vector<8x1xf32> to vector<8x1xf32>
    %broadcast_in_dim3A_1476 = vector.broadcast %broadcast_in_dim3A_1475 : vector<8x1xf32> to vector<8x4096xf32>
    %select_n3A_1477 = arith.select %ge3A_1471, %broadcast_in_dim3A_1476, %select_n3A_1465 : vector<8x4096xi1>, vector<8x4096xf32>
    %get3A_1478 = arith.constant 88 : index
    %get3A_1479 = arith.constant 2 : index
    %get3A_1480 = vector.load %arg1[%get3A_1478, %get3A_1479] : memref<128x16xi32, #tpu.memory_space<vmem>>, vector<8x1xi32>
    %ge3A_1481 = vector.broadcast %add3A_1448 : vector<1x4096xi32> to vector<8x4096xi32>
    %ge3A_1482 = vector.broadcast %get3A_1480 : vector<8x1xi32> to vector<8x4096xi32>
    %ge3A_1483 = arith.cmpi sge, %ge3A_1481, %ge3A_1482 : vector<8x4096xi32>
    %get3A_1484 = arith.constant 88 : index
    %get3A_1485 = arith.constant 3 : index
    %get3A_1486 = vector.load %arg2[%get3A_1484, %get3A_1485] : memref<128x16xf32, #tpu.memory_space<vmem>>, vector<8x1xf32>
    %broadcast_in_dim3A_1487 = vector.shape_cast %get3A_1486 : vector<8x1xf32> to vector<8x1xf32>
    %broadcast_in_dim3A_1488 = vector.broadcast %broadcast_in_dim3A_1487 : vector<8x1xf32> to vector<8x4096xf32>
    %select_n3A_1489 = arith.select %ge3A_1483, %broadcast_in_dim3A_1488, %select_n3A_1477 : vector<8x4096xi1>, vector<8x4096xf32>
    %get3A_1490 = arith.constant 88 : index
    %get3A_1491 = arith.constant 3 : index
    %get3A_1492 = vector.load %arg1[%get3A_1490, %get3A_1491] : memref<128x16xi32, #tpu.memory_space<vmem>>, vector<8x1xi32>
    %ge3A_1493 = vector.broadcast %add3A_1448 : vector<1x4096xi32> to vector<8x4096xi32>
    %ge3A_1494 = vector.broadcast %get3A_1492 : vector<8x1xi32> to vector<8x4096xi32>
    %ge3A_1495 = arith.cmpi sge, %ge3A_1493, %ge3A_1494 : vector<8x4096xi32>
    %get3A_1496 = arith.constant 88 : index
    %get3A_1497 = arith.constant 4 : index
    %get3A_1498 = vector.load %arg2[%get3A_1496, %get3A_1497] : memref<128x16xf32, #tpu.memory_space<vmem>>, vector<8x1xf32>
    %broadcast_in_dim3A_1499 = vector.shape_cast %get3A_1498 : vector<8x1xf32> to vector<8x1xf32>
    %broadcast_in_dim3A_1500 = vector.broadcast %broadcast_in_dim3A_1499 : vector<8x1xf32> to vector<8x4096xf32>
    %select_n3A_1501 = arith.select %ge3A_1495, %broadcast_in_dim3A_1500, %select_n3A_1489 : vector<8x4096xi1>, vector<8x4096xf32>
    %get3A_1502 = arith.constant 88 : index
    %get3A_1503 = arith.constant 4 : index
    %get3A_1504 = vector.load %arg1[%get3A_1502, %get3A_1503] : memref<128x16xi32, #tpu.memory_space<vmem>>, vector<8x1xi32>
    %ge3A_1505 = vector.broadcast %add3A_1448 : vector<1x4096xi32> to vector<8x4096xi32>
    %ge3A_1506 = vector.broadcast %get3A_1504 : vector<8x1xi32> to vector<8x4096xi32>
    %ge3A_1507 = arith.cmpi sge, %ge3A_1505, %ge3A_1506 : vector<8x4096xi32>
    %get3A_1508 = arith.constant 88 : index
    %get3A_1509 = arith.constant 5 : index
    %get3A_1510 = vector.load %arg2[%get3A_1508, %get3A_1509] : memref<128x16xf32, #tpu.memory_space<vmem>>, vector<8x1xf32>
    %broadcast_in_dim3A_1511 = vector.shape_cast %get3A_1510 : vector<8x1xf32> to vector<8x1xf32>
    %broadcast_in_dim3A_1512 = vector.broadcast %broadcast_in_dim3A_1511 : vector<8x1xf32> to vector<8x4096xf32>
    %select_n3A_1513 = arith.select %ge3A_1507, %broadcast_in_dim3A_1512, %select_n3A_1501 : vector<8x4096xi1>, vector<8x4096xf32>
    %get3A_1514 = arith.constant 88 : index
    %get3A_1515 = arith.constant 5 : index
    %get3A_1516 = vector.load %arg1[%get3A_1514, %get3A_1515] : memref<128x16xi32, #tpu.memory_space<vmem>>, vector<8x1xi32>
    %ge3A_1517 = vector.broadcast %add3A_1448 : vector<1x4096xi32> to vector<8x4096xi32>
    %ge3A_1518 = vector.broadcast %get3A_1516 : vector<8x1xi32> to vector<8x4096xi32>
    %ge3A_1519 = arith.cmpi sge, %ge3A_1517, %ge3A_1518 : vector<8x4096xi32>
    %get3A_1520 = arith.constant 88 : index
    %get3A_1521 = arith.constant 6 : index
    %get3A_1522 = vector.load %arg2[%get3A_1520, %get3A_1521] : memref<128x16xf32, #tpu.memory_space<vmem>>, vector<8x1xf32>
    %broadcast_in_dim3A_1523 = vector.shape_cast %get3A_1522 : vector<8x1xf32> to vector<8x1xf32>
    %broadcast_in_dim3A_1524 = vector.broadcast %broadcast_in_dim3A_1523 : vector<8x1xf32> to vector<8x4096xf32>
    %select_n3A_1525 = arith.select %ge3A_1519, %broadcast_in_dim3A_1524, %select_n3A_1513 : vector<8x4096xi1>, vector<8x4096xf32>
    %get3A_1526 = arith.constant 88 : index
    %get3A_1527 = arith.constant 6 : index
    %get3A_1528 = vector.load %arg1[%get3A_1526, %get3A_1527] : memref<128x16xi32, #tpu.memory_space<vmem>>, vector<8x1xi32>
    %ge3A_1529 = vector.broadcast %add3A_1448 : vector<1x4096xi32> to vector<8x4096xi32>
    %ge3A_1530 = vector.broadcast %get3A_1528 : vector<8x1xi32> to vector<8x4096xi32>
    %ge3A_1531 = arith.cmpi sge, %ge3A_1529, %ge3A_1530 : vector<8x4096xi32>
    %get3A_1532 = arith.constant 88 : index
    %get3A_1533 = arith.constant 7 : index
    %get3A_1534 = vector.load %arg2[%get3A_1532, %get3A_1533] : memref<128x16xf32, #tpu.memory_space<vmem>>, vector<8x1xf32>
    %broadcast_in_dim3A_1535 = vector.shape_cast %get3A_1534 : vector<8x1xf32> to vector<8x1xf32>
    %broadcast_in_dim3A_1536 = vector.broadcast %broadcast_in_dim3A_1535 : vector<8x1xf32> to vector<8x4096xf32>
    %select_n3A_1537 = arith.select %ge3A_1531, %broadcast_in_dim3A_1536, %select_n3A_1525 : vector<8x4096xi1>, vector<8x4096xf32>
    %get3A_1538 = arith.constant 88 : index
    %get3A_1539 = arith.constant 7 : index
    %get3A_1540 = vector.load %arg1[%get3A_1538, %get3A_1539] : memref<128x16xi32, #tpu.memory_space<vmem>>, vector<8x1xi32>
    %ge3A_1541 = vector.broadcast %add3A_1448 : vector<1x4096xi32> to vector<8x4096xi32>
    %ge3A_1542 = vector.broadcast %get3A_1540 : vector<8x1xi32> to vector<8x4096xi32>
    %ge3A_1543 = arith.cmpi sge, %ge3A_1541, %ge3A_1542 : vector<8x4096xi32>
    %get3A_1544 = arith.constant 88 : index
    %get3A_1545 = arith.constant 8 : index
    %get3A_1546 = vector.load %arg2[%get3A_1544, %get3A_1545] : memref<128x16xf32, #tpu.memory_space<vmem>>, vector<8x1xf32>
    %broadcast_in_dim3A_1547 = vector.shape_cast %get3A_1546 : vector<8x1xf32> to vector<8x1xf32>
    %broadcast_in_dim3A_1548 = vector.broadcast %broadcast_in_dim3A_1547 : vector<8x1xf32> to vector<8x4096xf32>
    %select_n3A_1549 = arith.select %ge3A_1543, %broadcast_in_dim3A_1548, %select_n3A_1537 : vector<8x4096xi1>, vector<8x4096xf32>
    %get3A_1550 = arith.constant 88 : index
    %get3A_1551 = arith.constant 8 : index
    %get3A_1552 = vector.load %arg1[%get3A_1550, %get3A_1551] : memref<128x16xi32, #tpu.memory_space<vmem>>, vector<8x1xi32>
    %ge3A_1553 = vector.broadcast %add3A_1448 : vector<1x4096xi32> to vector<8x4096xi32>
    %ge3A_1554 = vector.broadcast %get3A_1552 : vector<8x1xi32> to vector<8x4096xi32>
    %ge3A_1555 = arith.cmpi sge, %ge3A_1553, %ge3A_1554 : vector<8x4096xi32>
    %get3A_1556 = arith.constant 88 : index
    %get3A_1557 = arith.constant 9 : index
    %get3A_1558 = vector.load %arg2[%get3A_1556, %get3A_1557] : memref<128x16xf32, #tpu.memory_space<vmem>>, vector<8x1xf32>
    %broadcast_in_dim3A_1559 = vector.shape_cast %get3A_1558 : vector<8x1xf32> to vector<8x1xf32>
    %broadcast_in_dim3A_1560 = vector.broadcast %broadcast_in_dim3A_1559 : vector<8x1xf32> to vector<8x4096xf32>
    %select_n3A_1561 = arith.select %ge3A_1555, %broadcast_in_dim3A_1560, %select_n3A_1549 : vector<8x4096xi1>, vector<8x4096xf32>
    %get3A_1562 = arith.constant 88 : index
    %get3A_1563 = arith.constant 9 : index
    %get3A_1564 = vector.load %arg1[%get3A_1562, %get3A_1563] : memref<128x16xi32, #tpu.memory_space<vmem>>, vector<8x1xi32>
    %ge3A_1565 = vector.broadcast %add3A_1448 : vector<1x4096xi32> to vector<8x4096xi32>
    %ge3A_1566 = vector.broadcast %get3A_1564 : vector<8x1xi32> to vector<8x4096xi32>
    %ge3A_1567 = arith.cmpi sge, %ge3A_1565, %ge3A_1566 : vector<8x4096xi32>
    %get3A_1568 = arith.constant 88 : index
    %get3A_1569 = arith.constant 10 : index
    %get3A_1570 = vector.load %arg2[%get3A_1568, %get3A_1569] : memref<128x16xf32, #tpu.memory_space<vmem>>, vector<8x1xf32>
    %broadcast_in_dim3A_1571 = vector.shape_cast %get3A_1570 : vector<8x1xf32> to vector<8x1xf32>
    %broadcast_in_dim3A_1572 = vector.broadcast %broadcast_in_dim3A_1571 : vector<8x1xf32> to vector<8x4096xf32>
    %select_n3A_1573 = arith.select %ge3A_1567, %broadcast_in_dim3A_1572, %select_n3A_1561 : vector<8x4096xi1>, vector<8x4096xf32>
    %swap3A_1574 = arith.constant 88 : index
    %swap3A_1575 = arith.constant 0 : index
    %swap3A_1576 = vector.load %arg3[%swap3A_1574, %swap3A_1575] : memref<128x4096xf32, #tpu.memory_space<vmem>>, vector<8x4096xf32>
    tpu.vector_store %arg3[%swap3A_1574, %swap3A_1575], %select_n3A_1573 {strides = array<i32>} : memref<128x4096xf32, #tpu.memory_space<vmem>>, vector<8x4096xf32>,
    %iota3A_1577 = tpu.iota {dimensions = array<i32: 1>} : vector<1x4096xi32>
    %add3A_1578 = arith.constant 0 : i32
    %add3A_1579 = vector.broadcast %add3A_1578 : i32 to vector<1x4096xi32>
    %add3A_1580 = arith.addi %iota3A_1577, %add3A_1579 : vector<1x4096xi32>
    %get3A_1581 = arith.constant 96 : index
    %get3A_1582 = arith.constant 0 : index
    %get3A_1583 = vector.load %arg2[%get3A_1581, %get3A_1582] : memref<128x16xf32, #tpu.memory_space<vmem>>, vector<8x1xf32>
    %broadcast_in_dim3A_1584 = vector.shape_cast %get3A_1583 : vector<8x1xf32> to vector<8x1xf32>
    %broadcast_in_dim3A_1585 = vector.broadcast %broadcast_in_dim3A_1584 : vector<8x1xf32> to vector<8x4096xf32>
    %get3A_1586 = arith.constant 96 : index
    %get3A_1587 = arith.constant 0 : index
    %get3A_1588 = vector.load %arg1[%get3A_1586, %get3A_1587] : memref<128x16xi32, #tpu.memory_space<vmem>>, vector<8x1xi32>
    %ge3A_1589 = vector.broadcast %add3A_1580 : vector<1x4096xi32> to vector<8x4096xi32>
    %ge3A_1590 = vector.broadcast %get3A_1588 : vector<8x1xi32> to vector<8x4096xi32>
    %ge3A_1591 = arith.cmpi sge, %ge3A_1589, %ge3A_1590 : vector<8x4096xi32>
    %get3A_1592 = arith.constant 96 : index
    %get3A_1593 = arith.constant 1 : index
    %get3A_1594 = vector.load %arg2[%get3A_1592, %get3A_1593] : memref<128x16xf32, #tpu.memory_space<vmem>>, vector<8x1xf32>
    %broadcast_in_dim3A_1595 = vector.shape_cast %get3A_1594 : vector<8x1xf32> to vector<8x1xf32>
    %broadcast_in_dim3A_1596 = vector.broadcast %broadcast_in_dim3A_1595 : vector<8x1xf32> to vector<8x4096xf32>
    %select_n3A_1597 = arith.select %ge3A_1591, %broadcast_in_dim3A_1596, %broadcast_in_dim3A_1585 : vector<8x4096xi1>, vector<8x4096xf32>
    %get3A_1598 = arith.constant 96 : index
    %get3A_1599 = arith.constant 1 : index
    %get3A_1600 = vector.load %arg1[%get3A_1598, %get3A_1599] : memref<128x16xi32, #tpu.memory_space<vmem>>, vector<8x1xi32>
    %ge3A_1601 = vector.broadcast %add3A_1580 : vector<1x4096xi32> to vector<8x4096xi32>
    %ge3A_1602 = vector.broadcast %get3A_1600 : vector<8x1xi32> to vector<8x4096xi32>
    %ge3A_1603 = arith.cmpi sge, %ge3A_1601, %ge3A_1602 : vector<8x4096xi32>
    %get3A_1604 = arith.constant 96 : index
    %get3A_1605 = arith.constant 2 : index
    %get3A_1606 = vector.load %arg2[%get3A_1604, %get3A_1605] : memref<128x16xf32, #tpu.memory_space<vmem>>, vector<8x1xf32>
    %broadcast_in_dim3A_1607 = vector.shape_cast %get3A_1606 : vector<8x1xf32> to vector<8x1xf32>
    %broadcast_in_dim3A_1608 = vector.broadcast %broadcast_in_dim3A_1607 : vector<8x1xf32> to vector<8x4096xf32>
    %select_n3A_1609 = arith.select %ge3A_1603, %broadcast_in_dim3A_1608, %select_n3A_1597 : vector<8x4096xi1>, vector<8x4096xf32>
    %get3A_1610 = arith.constant 96 : index
    %get3A_1611 = arith.constant 2 : index
    %get3A_1612 = vector.load %arg1[%get3A_1610, %get3A_1611] : memref<128x16xi32, #tpu.memory_space<vmem>>, vector<8x1xi32>
    %ge3A_1613 = vector.broadcast %add3A_1580 : vector<1x4096xi32> to vector<8x4096xi32>
    %ge3A_1614 = vector.broadcast %get3A_1612 : vector<8x1xi32> to vector<8x4096xi32>
    %ge3A_1615 = arith.cmpi sge, %ge3A_1613, %ge3A_1614 : vector<8x4096xi32>
    %get3A_1616 = arith.constant 96 : index
    %get3A_1617 = arith.constant 3 : index
    %get3A_1618 = vector.load %arg2[%get3A_1616, %get3A_1617] : memref<128x16xf32, #tpu.memory_space<vmem>>, vector<8x1xf32>
    %broadcast_in_dim3A_1619 = vector.shape_cast %get3A_1618 : vector<8x1xf32> to vector<8x1xf32>
    %broadcast_in_dim3A_1620 = vector.broadcast %broadcast_in_dim3A_1619 : vector<8x1xf32> to vector<8x4096xf32>
    %select_n3A_1621 = arith.select %ge3A_1615, %broadcast_in_dim3A_1620, %select_n3A_1609 : vector<8x4096xi1>, vector<8x4096xf32>
    %get3A_1622 = arith.constant 96 : index
    %get3A_1623 = arith.constant 3 : index
    %get3A_1624 = vector.load %arg1[%get3A_1622, %get3A_1623] : memref<128x16xi32, #tpu.memory_space<vmem>>, vector<8x1xi32>
    %ge3A_1625 = vector.broadcast %add3A_1580 : vector<1x4096xi32> to vector<8x4096xi32>
    %ge3A_1626 = vector.broadcast %get3A_1624 : vector<8x1xi32> to vector<8x4096xi32>
    %ge3A_1627 = arith.cmpi sge, %ge3A_1625, %ge3A_1626 : vector<8x4096xi32>
    %get3A_1628 = arith.constant 96 : index
    %get3A_1629 = arith.constant 4 : index
    %get3A_1630 = vector.load %arg2[%get3A_1628, %get3A_1629] : memref<128x16xf32, #tpu.memory_space<vmem>>, vector<8x1xf32>
    %broadcast_in_dim3A_1631 = vector.shape_cast %get3A_1630 : vector<8x1xf32> to vector<8x1xf32>
    %broadcast_in_dim3A_1632 = vector.broadcast %broadcast_in_dim3A_1631 : vector<8x1xf32> to vector<8x4096xf32>
    %select_n3A_1633 = arith.select %ge3A_1627, %broadcast_in_dim3A_1632, %select_n3A_1621 : vector<8x4096xi1>, vector<8x4096xf32>
    %get3A_1634 = arith.constant 96 : index
    %get3A_1635 = arith.constant 4 : index
    %get3A_1636 = vector.load %arg1[%get3A_1634, %get3A_1635] : memref<128x16xi32, #tpu.memory_space<vmem>>, vector<8x1xi32>
    %ge3A_1637 = vector.broadcast %add3A_1580 : vector<1x4096xi32> to vector<8x4096xi32>
    %ge3A_1638 = vector.broadcast %get3A_1636 : vector<8x1xi32> to vector<8x4096xi32>
    %ge3A_1639 = arith.cmpi sge, %ge3A_1637, %ge3A_1638 : vector<8x4096xi32>
    %get3A_1640 = arith.constant 96 : index
    %get3A_1641 = arith.constant 5 : index
    %get3A_1642 = vector.load %arg2[%get3A_1640, %get3A_1641] : memref<128x16xf32, #tpu.memory_space<vmem>>, vector<8x1xf32>
    %broadcast_in_dim3A_1643 = vector.shape_cast %get3A_1642 : vector<8x1xf32> to vector<8x1xf32>
    %broadcast_in_dim3A_1644 = vector.broadcast %broadcast_in_dim3A_1643 : vector<8x1xf32> to vector<8x4096xf32>
    %select_n3A_1645 = arith.select %ge3A_1639, %broadcast_in_dim3A_1644, %select_n3A_1633 : vector<8x4096xi1>, vector<8x4096xf32>
    %get3A_1646 = arith.constant 96 : index
    %get3A_1647 = arith.constant 5 : index
    %get3A_1648 = vector.load %arg1[%get3A_1646, %get3A_1647] : memref<128x16xi32, #tpu.memory_space<vmem>>, vector<8x1xi32>
    %ge3A_1649 = vector.broadcast %add3A_1580 : vector<1x4096xi32> to vector<8x4096xi32>
    %ge3A_1650 = vector.broadcast %get3A_1648 : vector<8x1xi32> to vector<8x4096xi32>
    %ge3A_1651 = arith.cmpi sge, %ge3A_1649, %ge3A_1650 : vector<8x4096xi32>
    %get3A_1652 = arith.constant 96 : index
    %get3A_1653 = arith.constant 6 : index
    %get3A_1654 = vector.load %arg2[%get3A_1652, %get3A_1653] : memref<128x16xf32, #tpu.memory_space<vmem>>, vector<8x1xf32>
    %broadcast_in_dim3A_1655 = vector.shape_cast %get3A_1654 : vector<8x1xf32> to vector<8x1xf32>
    %broadcast_in_dim3A_1656 = vector.broadcast %broadcast_in_dim3A_1655 : vector<8x1xf32> to vector<8x4096xf32>
    %select_n3A_1657 = arith.select %ge3A_1651, %broadcast_in_dim3A_1656, %select_n3A_1645 : vector<8x4096xi1>, vector<8x4096xf32>
    %get3A_1658 = arith.constant 96 : index
    %get3A_1659 = arith.constant 6 : index
    %get3A_1660 = vector.load %arg1[%get3A_1658, %get3A_1659] : memref<128x16xi32, #tpu.memory_space<vmem>>, vector<8x1xi32>
    %ge3A_1661 = vector.broadcast %add3A_1580 : vector<1x4096xi32> to vector<8x4096xi32>
    %ge3A_1662 = vector.broadcast %get3A_1660 : vector<8x1xi32> to vector<8x4096xi32>
    %ge3A_1663 = arith.cmpi sge, %ge3A_1661, %ge3A_1662 : vector<8x4096xi32>
    %get3A_1664 = arith.constant 96 : index
    %get3A_1665 = arith.constant 7 : index
    %get3A_1666 = vector.load %arg2[%get3A_1664, %get3A_1665] : memref<128x16xf32, #tpu.memory_space<vmem>>, vector<8x1xf32>
    %broadcast_in_dim3A_1667 = vector.shape_cast %get3A_1666 : vector<8x1xf32> to vector<8x1xf32>
    %broadcast_in_dim3A_1668 = vector.broadcast %broadcast_in_dim3A_1667 : vector<8x1xf32> to vector<8x4096xf32>
    %select_n3A_1669 = arith.select %ge3A_1663, %broadcast_in_dim3A_1668, %select_n3A_1657 : vector<8x4096xi1>, vector<8x4096xf32>
    %get3A_1670 = arith.constant 96 : index
    %get3A_1671 = arith.constant 7 : index
    %get3A_1672 = vector.load %arg1[%get3A_1670, %get3A_1671] : memref<128x16xi32, #tpu.memory_space<vmem>>, vector<8x1xi32>
    %ge3A_1673 = vector.broadcast %add3A_1580 : vector<1x4096xi32> to vector<8x4096xi32>
    %ge3A_1674 = vector.broadcast %get3A_1672 : vector<8x1xi32> to vector<8x4096xi32>
    %ge3A_1675 = arith.cmpi sge, %ge3A_1673, %ge3A_1674 : vector<8x4096xi32>
    %get3A_1676 = arith.constant 96 : index
    %get3A_1677 = arith.constant 8 : index
    %get3A_1678 = vector.load %arg2[%get3A_1676, %get3A_1677] : memref<128x16xf32, #tpu.memory_space<vmem>>, vector<8x1xf32>
    %broadcast_in_dim3A_1679 = vector.shape_cast %get3A_1678 : vector<8x1xf32> to vector<8x1xf32>
    %broadcast_in_dim3A_1680 = vector.broadcast %broadcast_in_dim3A_1679 : vector<8x1xf32> to vector<8x4096xf32>
    %select_n3A_1681 = arith.select %ge3A_1675, %broadcast_in_dim3A_1680, %select_n3A_1669 : vector<8x4096xi1>, vector<8x4096xf32>
    %get3A_1682 = arith.constant 96 : index
    %get3A_1683 = arith.constant 8 : index
    %get3A_1684 = vector.load %arg1[%get3A_1682, %get3A_1683] : memref<128x16xi32, #tpu.memory_space<vmem>>, vector<8x1xi32>
    %ge3A_1685 = vector.broadcast %add3A_1580 : vector<1x4096xi32> to vector<8x4096xi32>
    %ge3A_1686 = vector.broadcast %get3A_1684 : vector<8x1xi32> to vector<8x4096xi32>
    %ge3A_1687 = arith.cmpi sge, %ge3A_1685, %ge3A_1686 : vector<8x4096xi32>
    %get3A_1688 = arith.constant 96 : index
    %get3A_1689 = arith.constant 9 : index
    %get3A_1690 = vector.load %arg2[%get3A_1688, %get3A_1689] : memref<128x16xf32, #tpu.memory_space<vmem>>, vector<8x1xf32>
    %broadcast_in_dim3A_1691 = vector.shape_cast %get3A_1690 : vector<8x1xf32> to vector<8x1xf32>
    %broadcast_in_dim3A_1692 = vector.broadcast %broadcast_in_dim3A_1691 : vector<8x1xf32> to vector<8x4096xf32>
    %select_n3A_1693 = arith.select %ge3A_1687, %broadcast_in_dim3A_1692, %select_n3A_1681 : vector<8x4096xi1>, vector<8x4096xf32>
    %get3A_1694 = arith.constant 96 : index
    %get3A_1695 = arith.constant 9 : index
    %get3A_1696 = vector.load %arg1[%get3A_1694, %get3A_1695] : memref<128x16xi32, #tpu.memory_space<vmem>>, vector<8x1xi32>
    %ge3A_1697 = vector.broadcast %add3A_1580 : vector<1x4096xi32> to vector<8x4096xi32>
    %ge3A_1698 = vector.broadcast %get3A_1696 : vector<8x1xi32> to vector<8x4096xi32>
    %ge3A_1699 = arith.cmpi sge, %ge3A_1697, %ge3A_1698 : vector<8x4096xi32>
    %get3A_1700 = arith.constant 96 : index
    %get3A_1701 = arith.constant 10 : index
    %get3A_1702 = vector.load %arg2[%get3A_1700, %get3A_1701] : memref<128x16xf32, #tpu.memory_space<vmem>>, vector<8x1xf32>
    %broadcast_in_dim3A_1703 = vector.shape_cast %get3A_1702 : vector<8x1xf32> to vector<8x1xf32>
    %broadcast_in_dim3A_1704 = vector.broadcast %broadcast_in_dim3A_1703 : vector<8x1xf32> to vector<8x4096xf32>
    %select_n3A_1705 = arith.select %ge3A_1699, %broadcast_in_dim3A_1704, %select_n3A_1693 : vector<8x4096xi1>, vector<8x4096xf32>
    %swap3A_1706 = arith.constant 96 : index
    %swap3A_1707 = arith.constant 0 : index
    %swap3A_1708 = vector.load %arg3[%swap3A_1706, %swap3A_1707] : memref<128x4096xf32, #tpu.memory_space<vmem>>, vector<8x4096xf32>
    tpu.vector_store %arg3[%swap3A_1706, %swap3A_1707], %select_n3A_1705 {strides = array<i32>} : memref<128x4096xf32, #tpu.memory_space<vmem>>, vector<8x4096xf32>,
    %iota3A_1709 = tpu.iota {dimensions = array<i32: 1>} : vector<1x4096xi32>
    %add3A_1710 = arith.constant 0 : i32
    %add3A_1711 = vector.broadcast %add3A_1710 : i32 to vector<1x4096xi32>
    %add3A_1712 = arith.addi %iota3A_1709, %add3A_1711 : vector<1x4096xi32>
    %get3A_1713 = arith.constant 104 : index
    %get3A_1714 = arith.constant 0 : index
    %get3A_1715 = vector.load %arg2[%get3A_1713, %get3A_1714] : memref<128x16xf32, #tpu.memory_space<vmem>>, vector<8x1xf32>
    %broadcast_in_dim3A_1716 = vector.shape_cast %get3A_1715 : vector<8x1xf32> to vector<8x1xf32>
    %broadcast_in_dim3A_1717 = vector.broadcast %broadcast_in_dim3A_1716 : vector<8x1xf32> to vector<8x4096xf32>
    %get3A_1718 = arith.constant 104 : index
    %get3A_1719 = arith.constant 0 : index
    %get3A_1720 = vector.load %arg1[%get3A_1718, %get3A_1719] : memref<128x16xi32, #tpu.memory_space<vmem>>, vector<8x1xi32>
    %ge3A_1721 = vector.broadcast %add3A_1712 : vector<1x4096xi32> to vector<8x4096xi32>
    %ge3A_1722 = vector.broadcast %get3A_1720 : vector<8x1xi32> to vector<8x4096xi32>
    %ge3A_1723 = arith.cmpi sge, %ge3A_1721, %ge3A_1722 : vector<8x4096xi32>
    %get3A_1724 = arith.constant 104 : index
    %get3A_1725 = arith.constant 1 : index
    %get3A_1726 = vector.load %arg2[%get3A_1724, %get3A_1725] : memref<128x16xf32, #tpu.memory_space<vmem>>, vector<8x1xf32>
    %broadcast_in_dim3A_1727 = vector.shape_cast %get3A_1726 : vector<8x1xf32> to vector<8x1xf32>
    %broadcast_in_dim3A_1728 = vector.broadcast %broadcast_in_dim3A_1727 : vector<8x1xf32> to vector<8x4096xf32>
    %select_n3A_1729 = arith.select %ge3A_1723, %broadcast_in_dim3A_1728, %broadcast_in_dim3A_1717 : vector<8x4096xi1>, vector<8x4096xf32>
    %get3A_1730 = arith.constant 104 : index
    %get3A_1731 = arith.constant 1 : index
    %get3A_1732 = vector.load %arg1[%get3A_1730, %get3A_1731] : memref<128x16xi32, #tpu.memory_space<vmem>>, vector<8x1xi32>
    %ge3A_1733 = vector.broadcast %add3A_1712 : vector<1x4096xi32> to vector<8x4096xi32>
    %ge3A_1734 = vector.broadcast %get3A_1732 : vector<8x1xi32> to vector<8x4096xi32>
    %ge3A_1735 = arith.cmpi sge, %ge3A_1733, %ge3A_1734 : vector<8x4096xi32>
    %get3A_1736 = arith.constant 104 : index
    %get3A_1737 = arith.constant 2 : index
    %get3A_1738 = vector.load %arg2[%get3A_1736, %get3A_1737] : memref<128x16xf32, #tpu.memory_space<vmem>>, vector<8x1xf32>
    %broadcast_in_dim3A_1739 = vector.shape_cast %get3A_1738 : vector<8x1xf32> to vector<8x1xf32>
    %broadcast_in_dim3A_1740 = vector.broadcast %broadcast_in_dim3A_1739 : vector<8x1xf32> to vector<8x4096xf32>
    %select_n3A_1741 = arith.select %ge3A_1735, %broadcast_in_dim3A_1740, %select_n3A_1729 : vector<8x4096xi1>, vector<8x4096xf32>
    %get3A_1742 = arith.constant 104 : index
    %get3A_1743 = arith.constant 2 : index
    %get3A_1744 = vector.load %arg1[%get3A_1742, %get3A_1743] : memref<128x16xi32, #tpu.memory_space<vmem>>, vector<8x1xi32>
    %ge3A_1745 = vector.broadcast %add3A_1712 : vector<1x4096xi32> to vector<8x4096xi32>
    %ge3A_1746 = vector.broadcast %get3A_1744 : vector<8x1xi32> to vector<8x4096xi32>
    %ge3A_1747 = arith.cmpi sge, %ge3A_1745, %ge3A_1746 : vector<8x4096xi32>
    %get3A_1748 = arith.constant 104 : index
    %get3A_1749 = arith.constant 3 : index
    %get3A_1750 = vector.load %arg2[%get3A_1748, %get3A_1749] : memref<128x16xf32, #tpu.memory_space<vmem>>, vector<8x1xf32>
    %broadcast_in_dim3A_1751 = vector.shape_cast %get3A_1750 : vector<8x1xf32> to vector<8x1xf32>
    %broadcast_in_dim3A_1752 = vector.broadcast %broadcast_in_dim3A_1751 : vector<8x1xf32> to vector<8x4096xf32>
    %select_n3A_1753 = arith.select %ge3A_1747, %broadcast_in_dim3A_1752, %select_n3A_1741 : vector<8x4096xi1>, vector<8x4096xf32>
    %get3A_1754 = arith.constant 104 : index
    %get3A_1755 = arith.constant 3 : index
    %get3A_1756 = vector.load %arg1[%get3A_1754, %get3A_1755] : memref<128x16xi32, #tpu.memory_space<vmem>>, vector<8x1xi32>
    %ge3A_1757 = vector.broadcast %add3A_1712 : vector<1x4096xi32> to vector<8x4096xi32>
    %ge3A_1758 = vector.broadcast %get3A_1756 : vector<8x1xi32> to vector<8x4096xi32>
    %ge3A_1759 = arith.cmpi sge, %ge3A_1757, %ge3A_1758 : vector<8x4096xi32>
    %get3A_1760 = arith.constant 104 : index
    %get3A_1761 = arith.constant 4 : index
    %get3A_1762 = vector.load %arg2[%get3A_1760, %get3A_1761] : memref<128x16xf32, #tpu.memory_space<vmem>>, vector<8x1xf32>
    %broadcast_in_dim3A_1763 = vector.shape_cast %get3A_1762 : vector<8x1xf32> to vector<8x1xf32>
    %broadcast_in_dim3A_1764 = vector.broadcast %broadcast_in_dim3A_1763 : vector<8x1xf32> to vector<8x4096xf32>
    %select_n3A_1765 = arith.select %ge3A_1759, %broadcast_in_dim3A_1764, %select_n3A_1753 : vector<8x4096xi1>, vector<8x4096xf32>
    %get3A_1766 = arith.constant 104 : index
    %get3A_1767 = arith.constant 4 : index
    %get3A_1768 = vector.load %arg1[%get3A_1766, %get3A_1767] : memref<128x16xi32, #tpu.memory_space<vmem>>, vector<8x1xi32>
    %ge3A_1769 = vector.broadcast %add3A_1712 : vector<1x4096xi32> to vector<8x4096xi32>
    %ge3A_1770 = vector.broadcast %get3A_1768 : vector<8x1xi32> to vector<8x4096xi32>
    %ge3A_1771 = arith.cmpi sge, %ge3A_1769, %ge3A_1770 : vector<8x4096xi32>
    %get3A_1772 = arith.constant 104 : index
    %get3A_1773 = arith.constant 5 : index
    %get3A_1774 = vector.load %arg2[%get3A_1772, %get3A_1773] : memref<128x16xf32, #tpu.memory_space<vmem>>, vector<8x1xf32>
    %broadcast_in_dim3A_1775 = vector.shape_cast %get3A_1774 : vector<8x1xf32> to vector<8x1xf32>
    %broadcast_in_dim3A_1776 = vector.broadcast %broadcast_in_dim3A_1775 : vector<8x1xf32> to vector<8x4096xf32>
    %select_n3A_1777 = arith.select %ge3A_1771, %broadcast_in_dim3A_1776, %select_n3A_1765 : vector<8x4096xi1>, vector<8x4096xf32>
    %get3A_1778 = arith.constant 104 : index
    %get3A_1779 = arith.constant 5 : index
    %get3A_1780 = vector.load %arg1[%get3A_1778, %get3A_1779] : memref<128x16xi32, #tpu.memory_space<vmem>>, vector<8x1xi32>
    %ge3A_1781 = vector.broadcast %add3A_1712 : vector<1x4096xi32> to vector<8x4096xi32>
    %ge3A_1782 = vector.broadcast %get3A_1780 : vector<8x1xi32> to vector<8x4096xi32>
    %ge3A_1783 = arith.cmpi sge, %ge3A_1781, %ge3A_1782 : vector<8x4096xi32>
    %get3A_1784 = arith.constant 104 : index
    %get3A_1785 = arith.constant 6 : index
    %get3A_1786 = vector.load %arg2[%get3A_1784, %get3A_1785] : memref<128x16xf32, #tpu.memory_space<vmem>>, vector<8x1xf32>
    %broadcast_in_dim3A_1787 = vector.shape_cast %get3A_1786 : vector<8x1xf32> to vector<8x1xf32>
    %broadcast_in_dim3A_1788 = vector.broadcast %broadcast_in_dim3A_1787 : vector<8x1xf32> to vector<8x4096xf32>
    %select_n3A_1789 = arith.select %ge3A_1783, %broadcast_in_dim3A_1788, %select_n3A_1777 : vector<8x4096xi1>, vector<8x4096xf32>
    %get3A_1790 = arith.constant 104 : index
    %get3A_1791 = arith.constant 6 : index
    %get3A_1792 = vector.load %arg1[%get3A_1790, %get3A_1791] : memref<128x16xi32, #tpu.memory_space<vmem>>, vector<8x1xi32>
    %ge3A_1793 = vector.broadcast %add3A_1712 : vector<1x4096xi32> to vector<8x4096xi32>
    %ge3A_1794 = vector.broadcast %get3A_1792 : vector<8x1xi32> to vector<8x4096xi32>
    %ge3A_1795 = arith.cmpi sge, %ge3A_1793, %ge3A_1794 : vector<8x4096xi32>
    %get3A_1796 = arith.constant 104 : index
    %get3A_1797 = arith.constant 7 : index
    %get3A_1798 = vector.load %arg2[%get3A_1796, %get3A_1797] : memref<128x16xf32, #tpu.memory_space<vmem>>, vector<8x1xf32>
    %broadcast_in_dim3A_1799 = vector.shape_cast %get3A_1798 : vector<8x1xf32> to vector<8x1xf32>
    %broadcast_in_dim3A_1800 = vector.broadcast %broadcast_in_dim3A_1799 : vector<8x1xf32> to vector<8x4096xf32>
    %select_n3A_1801 = arith.select %ge3A_1795, %broadcast_in_dim3A_1800, %select_n3A_1789 : vector<8x4096xi1>, vector<8x4096xf32>
    %get3A_1802 = arith.constant 104 : index
    %get3A_1803 = arith.constant 7 : index
    %get3A_1804 = vector.load %arg1[%get3A_1802, %get3A_1803] : memref<128x16xi32, #tpu.memory_space<vmem>>, vector<8x1xi32>
    %ge3A_1805 = vector.broadcast %add3A_1712 : vector<1x4096xi32> to vector<8x4096xi32>
    %ge3A_1806 = vector.broadcast %get3A_1804 : vector<8x1xi32> to vector<8x4096xi32>
    %ge3A_1807 = arith.cmpi sge, %ge3A_1805, %ge3A_1806 : vector<8x4096xi32>
    %get3A_1808 = arith.constant 104 : index
    %get3A_1809 = arith.constant 8 : index
    %get3A_1810 = vector.load %arg2[%get3A_1808, %get3A_1809] : memref<128x16xf32, #tpu.memory_space<vmem>>, vector<8x1xf32>
    %broadcast_in_dim3A_1811 = vector.shape_cast %get3A_1810 : vector<8x1xf32> to vector<8x1xf32>
    %broadcast_in_dim3A_1812 = vector.broadcast %broadcast_in_dim3A_1811 : vector<8x1xf32> to vector<8x4096xf32>
    %select_n3A_1813 = arith.select %ge3A_1807, %broadcast_in_dim3A_1812, %select_n3A_1801 : vector<8x4096xi1>, vector<8x4096xf32>
    %get3A_1814 = arith.constant 104 : index
    %get3A_1815 = arith.constant 8 : index
    %get3A_1816 = vector.load %arg1[%get3A_1814, %get3A_1815] : memref<128x16xi32, #tpu.memory_space<vmem>>, vector<8x1xi32>
    %ge3A_1817 = vector.broadcast %add3A_1712 : vector<1x4096xi32> to vector<8x4096xi32>
    %ge3A_1818 = vector.broadcast %get3A_1816 : vector<8x1xi32> to vector<8x4096xi32>
    %ge3A_1819 = arith.cmpi sge, %ge3A_1817, %ge3A_1818 : vector<8x4096xi32>
    %get3A_1820 = arith.constant 104 : index
    %get3A_1821 = arith.constant 9 : index
    %get3A_1822 = vector.load %arg2[%get3A_1820, %get3A_1821] : memref<128x16xf32, #tpu.memory_space<vmem>>, vector<8x1xf32>
    %broadcast_in_dim3A_1823 = vector.shape_cast %get3A_1822 : vector<8x1xf32> to vector<8x1xf32>
    %broadcast_in_dim3A_1824 = vector.broadcast %broadcast_in_dim3A_1823 : vector<8x1xf32> to vector<8x4096xf32>
    %select_n3A_1825 = arith.select %ge3A_1819, %broadcast_in_dim3A_1824, %select_n3A_1813 : vector<8x4096xi1>, vector<8x4096xf32>
    %get3A_1826 = arith.constant 104 : index
    %get3A_1827 = arith.constant 9 : index
    %get3A_1828 = vector.load %arg1[%get3A_1826, %get3A_1827] : memref<128x16xi32, #tpu.memory_space<vmem>>, vector<8x1xi32>
    %ge3A_1829 = vector.broadcast %add3A_1712 : vector<1x4096xi32> to vector<8x4096xi32>
    %ge3A_1830 = vector.broadcast %get3A_1828 : vector<8x1xi32> to vector<8x4096xi32>
    %ge3A_1831 = arith.cmpi sge, %ge3A_1829, %ge3A_1830 : vector<8x4096xi32>
    %get3A_1832 = arith.constant 104 : index
    %get3A_1833 = arith.constant 10 : index
    %get3A_1834 = vector.load %arg2[%get3A_1832, %get3A_1833] : memref<128x16xf32, #tpu.memory_space<vmem>>, vector<8x1xf32>
    %broadcast_in_dim3A_1835 = vector.shape_cast %get3A_1834 : vector<8x1xf32> to vector<8x1xf32>
    %broadcast_in_dim3A_1836 = vector.broadcast %broadcast_in_dim3A_1835 : vector<8x1xf32> to vector<8x4096xf32>
    %select_n3A_1837 = arith.select %ge3A_1831, %broadcast_in_dim3A_1836, %select_n3A_1825 : vector<8x4096xi1>, vector<8x4096xf32>
    %swap3A_1838 = arith.constant 104 : index
    %swap3A_1839 = arith.constant 0 : index
    %swap3A_1840 = vector.load %arg3[%swap3A_1838, %swap3A_1839] : memref<128x4096xf32, #tpu.memory_space<vmem>>, vector<8x4096xf32>
    tpu.vector_store %arg3[%swap3A_1838, %swap3A_1839], %select_n3A_1837 {strides = array<i32>} : memref<128x4096xf32, #tpu.memory_space<vmem>>, vector<8x4096xf32>,
    %iota3A_1841 = tpu.iota {dimensions = array<i32: 1>} : vector<1x4096xi32>
    %add3A_1842 = arith.constant 0 : i32
    %add3A_1843 = vector.broadcast %add3A_1842 : i32 to vector<1x4096xi32>
    %add3A_1844 = arith.addi %iota3A_1841, %add3A_1843 : vector<1x4096xi32>
    %get3A_1845 = arith.constant 112 : index
    %get3A_1846 = arith.constant 0 : index
    %get3A_1847 = vector.load %arg2[%get3A_1845, %get3A_1846] : memref<128x16xf32, #tpu.memory_space<vmem>>, vector<8x1xf32>
    %broadcast_in_dim3A_1848 = vector.shape_cast %get3A_1847 : vector<8x1xf32> to vector<8x1xf32>
    %broadcast_in_dim3A_1849 = vector.broadcast %broadcast_in_dim3A_1848 : vector<8x1xf32> to vector<8x4096xf32>
    %get3A_1850 = arith.constant 112 : index
    %get3A_1851 = arith.constant 0 : index
    %get3A_1852 = vector.load %arg1[%get3A_1850, %get3A_1851] : memref<128x16xi32, #tpu.memory_space<vmem>>, vector<8x1xi32>
    %ge3A_1853 = vector.broadcast %add3A_1844 : vector<1x4096xi32> to vector<8x4096xi32>
    %ge3A_1854 = vector.broadcast %get3A_1852 : vector<8x1xi32> to vector<8x4096xi32>
    %ge3A_1855 = arith.cmpi sge, %ge3A_1853, %ge3A_1854 : vector<8x4096xi32>
    %get3A_1856 = arith.constant 112 : index
    %get3A_1857 = arith.constant 1 : index
    %get3A_1858 = vector.load %arg2[%get3A_1856, %get3A_1857] : memref<128x16xf32, #tpu.memory_space<vmem>>, vector<8x1xf32>
    %broadcast_in_dim3A_1859 = vector.shape_cast %get3A_1858 : vector<8x1xf32> to vector<8x1xf32>
    %broadcast_in_dim3A_1860 = vector.broadcast %broadcast_in_dim3A_1859 : vector<8x1xf32> to vector<8x4096xf32>
    %select_n3A_1861 = arith.select %ge3A_1855, %broadcast_in_dim3A_1860, %broadcast_in_dim3A_1849 : vector<8x4096xi1>, vector<8x4096xf32>
    %get3A_1862 = arith.constant 112 : index
    %get3A_1863 = arith.constant 1 : index
    %get3A_1864 = vector.load %arg1[%get3A_1862, %get3A_1863] : memref<128x16xi32, #tpu.memory_space<vmem>>, vector<8x1xi32>
    %ge3A_1865 = vector.broadcast %add3A_1844 : vector<1x4096xi32> to vector<8x4096xi32>
    %ge3A_1866 = vector.broadcast %get3A_1864 : vector<8x1xi32> to vector<8x4096xi32>
    %ge3A_1867 = arith.cmpi sge, %ge3A_1865, %ge3A_1866 : vector<8x4096xi32>
    %get3A_1868 = arith.constant 112 : index
    %get3A_1869 = arith.constant 2 : index
    %get3A_1870 = vector.load %arg2[%get3A_1868, %get3A_1869] : memref<128x16xf32, #tpu.memory_space<vmem>>, vector<8x1xf32>
    %broadcast_in_dim3A_1871 = vector.shape_cast %get3A_1870 : vector<8x1xf32> to vector<8x1xf32>
    %broadcast_in_dim3A_1872 = vector.broadcast %broadcast_in_dim3A_1871 : vector<8x1xf32> to vector<8x4096xf32>
    %select_n3A_1873 = arith.select %ge3A_1867, %broadcast_in_dim3A_1872, %select_n3A_1861 : vector<8x4096xi1>, vector<8x4096xf32>
    %get3A_1874 = arith.constant 112 : index
    %get3A_1875 = arith.constant 2 : index
    %get3A_1876 = vector.load %arg1[%get3A_1874, %get3A_1875] : memref<128x16xi32, #tpu.memory_space<vmem>>, vector<8x1xi32>
    %ge3A_1877 = vector.broadcast %add3A_1844 : vector<1x4096xi32> to vector<8x4096xi32>
    %ge3A_1878 = vector.broadcast %get3A_1876 : vector<8x1xi32> to vector<8x4096xi32>
    %ge3A_1879 = arith.cmpi sge, %ge3A_1877, %ge3A_1878 : vector<8x4096xi32>
    %get3A_1880 = arith.constant 112 : index
    %get3A_1881 = arith.constant 3 : index
    %get3A_1882 = vector.load %arg2[%get3A_1880, %get3A_1881] : memref<128x16xf32, #tpu.memory_space<vmem>>, vector<8x1xf32>
    %broadcast_in_dim3A_1883 = vector.shape_cast %get3A_1882 : vector<8x1xf32> to vector<8x1xf32>
    %broadcast_in_dim3A_1884 = vector.broadcast %broadcast_in_dim3A_1883 : vector<8x1xf32> to vector<8x4096xf32>
    %select_n3A_1885 = arith.select %ge3A_1879, %broadcast_in_dim3A_1884, %select_n3A_1873 : vector<8x4096xi1>, vector<8x4096xf32>
    %get3A_1886 = arith.constant 112 : index
    %get3A_1887 = arith.constant 3 : index
    %get3A_1888 = vector.load %arg1[%get3A_1886, %get3A_1887] : memref<128x16xi32, #tpu.memory_space<vmem>>, vector<8x1xi32>
    %ge3A_1889 = vector.broadcast %add3A_1844 : vector<1x4096xi32> to vector<8x4096xi32>
    %ge3A_1890 = vector.broadcast %get3A_1888 : vector<8x1xi32> to vector<8x4096xi32>
    %ge3A_1891 = arith.cmpi sge, %ge3A_1889, %ge3A_1890 : vector<8x4096xi32>
    %get3A_1892 = arith.constant 112 : index
    %get3A_1893 = arith.constant 4 : index
    %get3A_1894 = vector.load %arg2[%get3A_1892, %get3A_1893] : memref<128x16xf32, #tpu.memory_space<vmem>>, vector<8x1xf32>
    %broadcast_in_dim3A_1895 = vector.shape_cast %get3A_1894 : vector<8x1xf32> to vector<8x1xf32>
    %broadcast_in_dim3A_1896 = vector.broadcast %broadcast_in_dim3A_1895 : vector<8x1xf32> to vector<8x4096xf32>
    %select_n3A_1897 = arith.select %ge3A_1891, %broadcast_in_dim3A_1896, %select_n3A_1885 : vector<8x4096xi1>, vector<8x4096xf32>
    %get3A_1898 = arith.constant 112 : index
    %get3A_1899 = arith.constant 4 : index
    %get3A_1900 = vector.load %arg1[%get3A_1898, %get3A_1899] : memref<128x16xi32, #tpu.memory_space<vmem>>, vector<8x1xi32>
    %ge3A_1901 = vector.broadcast %add3A_1844 : vector<1x4096xi32> to vector<8x4096xi32>
    %ge3A_1902 = vector.broadcast %get3A_1900 : vector<8x1xi32> to vector<8x4096xi32>
    %ge3A_1903 = arith.cmpi sge, %ge3A_1901, %ge3A_1902 : vector<8x4096xi32>
    %get3A_1904 = arith.constant 112 : index
    %get3A_1905 = arith.constant 5 : index
    %get3A_1906 = vector.load %arg2[%get3A_1904, %get3A_1905] : memref<128x16xf32, #tpu.memory_space<vmem>>, vector<8x1xf32>
    %broadcast_in_dim3A_1907 = vector.shape_cast %get3A_1906 : vector<8x1xf32> to vector<8x1xf32>
    %broadcast_in_dim3A_1908 = vector.broadcast %broadcast_in_dim3A_1907 : vector<8x1xf32> to vector<8x4096xf32>
    %select_n3A_1909 = arith.select %ge3A_1903, %broadcast_in_dim3A_1908, %select_n3A_1897 : vector<8x4096xi1>, vector<8x4096xf32>
    %get3A_1910 = arith.constant 112 : index
    %get3A_1911 = arith.constant 5 : index
    %get3A_1912 = vector.load %arg1[%get3A_1910, %get3A_1911] : memref<128x16xi32, #tpu.memory_space<vmem>>, vector<8x1xi32>
    %ge3A_1913 = vector.broadcast %add3A_1844 : vector<1x4096xi32> to vector<8x4096xi32>
    %ge3A_1914 = vector.broadcast %get3A_1912 : vector<8x1xi32> to vector<8x4096xi32>
    %ge3A_1915 = arith.cmpi sge, %ge3A_1913, %ge3A_1914 : vector<8x4096xi32>
    %get3A_1916 = arith.constant 112 : index
    %get3A_1917 = arith.constant 6 : index
    %get3A_1918 = vector.load %arg2[%get3A_1916, %get3A_1917] : memref<128x16xf32, #tpu.memory_space<vmem>>, vector<8x1xf32>
    %broadcast_in_dim3A_1919 = vector.shape_cast %get3A_1918 : vector<8x1xf32> to vector<8x1xf32>
    %broadcast_in_dim3A_1920 = vector.broadcast %broadcast_in_dim3A_1919 : vector<8x1xf32> to vector<8x4096xf32>
    %select_n3A_1921 = arith.select %ge3A_1915, %broadcast_in_dim3A_1920, %select_n3A_1909 : vector<8x4096xi1>, vector<8x4096xf32>
    %get3A_1922 = arith.constant 112 : index
    %get3A_1923 = arith.constant 6 : index
    %get3A_1924 = vector.load %arg1[%get3A_1922, %get3A_1923] : memref<128x16xi32, #tpu.memory_space<vmem>>, vector<8x1xi32>
    %ge3A_1925 = vector.broadcast %add3A_1844 : vector<1x4096xi32> to vector<8x4096xi32>
    %ge3A_1926 = vector.broadcast %get3A_1924 : vector<8x1xi32> to vector<8x4096xi32>
    %ge3A_1927 = arith.cmpi sge, %ge3A_1925, %ge3A_1926 : vector<8x4096xi32>
    %get3A_1928 = arith.constant 112 : index
    %get3A_1929 = arith.constant 7 : index
    %get3A_1930 = vector.load %arg2[%get3A_1928, %get3A_1929] : memref<128x16xf32, #tpu.memory_space<vmem>>, vector<8x1xf32>
    %broadcast_in_dim3A_1931 = vector.shape_cast %get3A_1930 : vector<8x1xf32> to vector<8x1xf32>
    %broadcast_in_dim3A_1932 = vector.broadcast %broadcast_in_dim3A_1931 : vector<8x1xf32> to vector<8x4096xf32>
    %select_n3A_1933 = arith.select %ge3A_1927, %broadcast_in_dim3A_1932, %select_n3A_1921 : vector<8x4096xi1>, vector<8x4096xf32>
    %get3A_1934 = arith.constant 112 : index
    %get3A_1935 = arith.constant 7 : index
    %get3A_1936 = vector.load %arg1[%get3A_1934, %get3A_1935] : memref<128x16xi32, #tpu.memory_space<vmem>>, vector<8x1xi32>
    %ge3A_1937 = vector.broadcast %add3A_1844 : vector<1x4096xi32> to vector<8x4096xi32>
    %ge3A_1938 = vector.broadcast %get3A_1936 : vector<8x1xi32> to vector<8x4096xi32>
    %ge3A_1939 = arith.cmpi sge, %ge3A_1937, %ge3A_1938 : vector<8x4096xi32>
    %get3A_1940 = arith.constant 112 : index
    %get3A_1941 = arith.constant 8 : index
    %get3A_1942 = vector.load %arg2[%get3A_1940, %get3A_1941] : memref<128x16xf32, #tpu.memory_space<vmem>>, vector<8x1xf32>
    %broadcast_in_dim3A_1943 = vector.shape_cast %get3A_1942 : vector<8x1xf32> to vector<8x1xf32>
    %broadcast_in_dim3A_1944 = vector.broadcast %broadcast_in_dim3A_1943 : vector<8x1xf32> to vector<8x4096xf32>
    %select_n3A_1945 = arith.select %ge3A_1939, %broadcast_in_dim3A_1944, %select_n3A_1933 : vector<8x4096xi1>, vector<8x4096xf32>
    %get3A_1946 = arith.constant 112 : index
    %get3A_1947 = arith.constant 8 : index
    %get3A_1948 = vector.load %arg1[%get3A_1946, %get3A_1947] : memref<128x16xi32, #tpu.memory_space<vmem>>, vector<8x1xi32>
    %ge3A_1949 = vector.broadcast %add3A_1844 : vector<1x4096xi32> to vector<8x4096xi32>
    %ge3A_1950 = vector.broadcast %get3A_1948 : vector<8x1xi32> to vector<8x4096xi32>
    %ge3A_1951 = arith.cmpi sge, %ge3A_1949, %ge3A_1950 : vector<8x4096xi32>
    %get3A_1952 = arith.constant 112 : index
    %get3A_1953 = arith.constant 9 : index
    %get3A_1954 = vector.load %arg2[%get3A_1952, %get3A_1953] : memref<128x16xf32, #tpu.memory_space<vmem>>, vector<8x1xf32>
    %broadcast_in_dim3A_1955 = vector.shape_cast %get3A_1954 : vector<8x1xf32> to vector<8x1xf32>
    %broadcast_in_dim3A_1956 = vector.broadcast %broadcast_in_dim3A_1955 : vector<8x1xf32> to vector<8x4096xf32>
    %select_n3A_1957 = arith.select %ge3A_1951, %broadcast_in_dim3A_1956, %select_n3A_1945 : vector<8x4096xi1>, vector<8x4096xf32>
    %get3A_1958 = arith.constant 112 : index
    %get3A_1959 = arith.constant 9 : index
    %get3A_1960 = vector.load %arg1[%get3A_1958, %get3A_1959] : memref<128x16xi32, #tpu.memory_space<vmem>>, vector<8x1xi32>
    %ge3A_1961 = vector.broadcast %add3A_1844 : vector<1x4096xi32> to vector<8x4096xi32>
    %ge3A_1962 = vector.broadcast %get3A_1960 : vector<8x1xi32> to vector<8x4096xi32>
    %ge3A_1963 = arith.cmpi sge, %ge3A_1961, %ge3A_1962 : vector<8x4096xi32>
    %get3A_1964 = arith.constant 112 : index
    %get3A_1965 = arith.constant 10 : index
    %get3A_1966 = vector.load %arg2[%get3A_1964, %get3A_1965] : memref<128x16xf32, #tpu.memory_space<vmem>>, vector<8x1xf32>
    %broadcast_in_dim3A_1967 = vector.shape_cast %get3A_1966 : vector<8x1xf32> to vector<8x1xf32>
    %broadcast_in_dim3A_1968 = vector.broadcast %broadcast_in_dim3A_1967 : vector<8x1xf32> to vector<8x4096xf32>
    %select_n3A_1969 = arith.select %ge3A_1963, %broadcast_in_dim3A_1968, %select_n3A_1957 : vector<8x4096xi1>, vector<8x4096xf32>
    %swap3A_1970 = arith.constant 112 : index
    %swap3A_1971 = arith.constant 0 : index
    %swap3A_1972 = vector.load %arg3[%swap3A_1970, %swap3A_1971] : memref<128x4096xf32, #tpu.memory_space<vmem>>, vector<8x4096xf32>
    tpu.vector_store %arg3[%swap3A_1970, %swap3A_1971], %select_n3A_1969 {strides = array<i32>} : memref<128x4096xf32, #tpu.memory_space<vmem>>, vector<8x4096xf32>,
    %iota3A_1973 = tpu.iota {dimensions = array<i32: 1>} : vector<1x4096xi32>
    %add3A_1974 = arith.constant 0 : i32
    %add3A_1975 = vector.broadcast %add3A_1974 : i32 to vector<1x4096xi32>
    %add3A_1976 = arith.addi %iota3A_1973, %add3A_1975 : vector<1x4096xi32>
    %get3A_1977 = arith.constant 120 : index
    %get3A_1978 = arith.constant 0 : index
    %get3A_1979 = vector.load %arg2[%get3A_1977, %get3A_1978] : memref<128x16xf32, #tpu.memory_space<vmem>>, vector<8x1xf32>
    %broadcast_in_dim3A_1980 = vector.shape_cast %get3A_1979 : vector<8x1xf32> to vector<8x1xf32>
    %broadcast_in_dim3A_1981 = vector.broadcast %broadcast_in_dim3A_1980 : vector<8x1xf32> to vector<8x4096xf32>
    %get3A_1982 = arith.constant 120 : index
    %get3A_1983 = arith.constant 0 : index
    %get3A_1984 = vector.load %arg1[%get3A_1982, %get3A_1983] : memref<128x16xi32, #tpu.memory_space<vmem>>, vector<8x1xi32>
    %ge3A_1985 = vector.broadcast %add3A_1976 : vector<1x4096xi32> to vector<8x4096xi32>
    %ge3A_1986 = vector.broadcast %get3A_1984 : vector<8x1xi32> to vector<8x4096xi32>
    %ge3A_1987 = arith.cmpi sge, %ge3A_1985, %ge3A_1986 : vector<8x4096xi32>
    %get3A_1988 = arith.constant 120 : index
    %get3A_1989 = arith.constant 1 : index
    %get3A_1990 = vector.load %arg2[%get3A_1988, %get3A_1989] : memref<128x16xf32, #tpu.memory_space<vmem>>, vector<8x1xf32>
    %broadcast_in_dim3A_1991 = vector.shape_cast %get3A_1990 : vector<8x1xf32> to vector<8x1xf32>
    %broadcast_in_dim3A_1992 = vector.broadcast %broadcast_in_dim3A_1991 : vector<8x1xf32> to vector<8x4096xf32>
    %select_n3A_1993 = arith.select %ge3A_1987, %broadcast_in_dim3A_1992, %broadcast_in_dim3A_1981 : vector<8x4096xi1>, vector<8x4096xf32>
    %get3A_1994 = arith.constant 120 : index
    %get3A_1995 = arith.constant 1 : index
    %get3A_1996 = vector.load %arg1[%get3A_1994, %get3A_1995] : memref<128x16xi32, #tpu.memory_space<vmem>>, vector<8x1xi32>
    %ge3A_1997 = vector.broadcast %add3A_1976 : vector<1x4096xi32> to vector<8x4096xi32>
    %ge3A_1998 = vector.broadcast %get3A_1996 : vector<8x1xi32> to vector<8x4096xi32>
    %ge3A_1999 = arith.cmpi sge, %ge3A_1997, %ge3A_1998 : vector<8x4096xi32>
    %get3A_2000 = arith.constant 120 : index
    %get3A_2001 = arith.constant 2 : index
    %get3A_2002 = vector.load %arg2[%get3A_2000, %get3A_2001] : memref<128x16xf32, #tpu.memory_space<vmem>>, vector<8x1xf32>
    %broadcast_in_dim3A_2003 = vector.shape_cast %get3A_2002 : vector<8x1xf32> to vector<8x1xf32>
    %broadcast_in_dim3A_2004 = vector.broadcast %broadcast_in_dim3A_2003 : vector<8x1xf32> to vector<8x4096xf32>
    %select_n3A_2005 = arith.select %ge3A_1999, %broadcast_in_dim3A_2004, %select_n3A_1993 : vector<8x4096xi1>, vector<8x4096xf32>
    %get3A_2006 = arith.constant 120 : index
    %get3A_2007 = arith.constant 2 : index
    %get3A_2008 = vector.load %arg1[%get3A_2006, %get3A_2007] : memref<128x16xi32, #tpu.memory_space<vmem>>, vector<8x1xi32>
    %ge3A_2009 = vector.broadcast %add3A_1976 : vector<1x4096xi32> to vector<8x4096xi32>
    %ge3A_2010 = vector.broadcast %get3A_2008 : vector<8x1xi32> to vector<8x4096xi32>
    %ge3A_2011 = arith.cmpi sge, %ge3A_2009, %ge3A_2010 : vector<8x4096xi32>
    %get3A_2012 = arith.constant 120 : index
    %get3A_2013 = arith.constant 3 : index
    %get3A_2014 = vector.load %arg2[%get3A_2012, %get3A_2013] : memref<128x16xf32, #tpu.memory_space<vmem>>, vector<8x1xf32>
    %broadcast_in_dim3A_2015 = vector.shape_cast %get3A_2014 : vector<8x1xf32> to vector<8x1xf32>
    %broadcast_in_dim3A_2016 = vector.broadcast %broadcast_in_dim3A_2015 : vector<8x1xf32> to vector<8x4096xf32>
    %select_n3A_2017 = arith.select %ge3A_2011, %broadcast_in_dim3A_2016, %select_n3A_2005 : vector<8x4096xi1>, vector<8x4096xf32>
    %get3A_2018 = arith.constant 120 : index
    %get3A_2019 = arith.constant 3 : index
    %get3A_2020 = vector.load %arg1[%get3A_2018, %get3A_2019] : memref<128x16xi32, #tpu.memory_space<vmem>>, vector<8x1xi32>
    %ge3A_2021 = vector.broadcast %add3A_1976 : vector<1x4096xi32> to vector<8x4096xi32>
    %ge3A_2022 = vector.broadcast %get3A_2020 : vector<8x1xi32> to vector<8x4096xi32>
    %ge3A_2023 = arith.cmpi sge, %ge3A_2021, %ge3A_2022 : vector<8x4096xi32>
    %get3A_2024 = arith.constant 120 : index
    %get3A_2025 = arith.constant 4 : index
    %get3A_2026 = vector.load %arg2[%get3A_2024, %get3A_2025] : memref<128x16xf32, #tpu.memory_space<vmem>>, vector<8x1xf32>
    %broadcast_in_dim3A_2027 = vector.shape_cast %get3A_2026 : vector<8x1xf32> to vector<8x1xf32>
    %broadcast_in_dim3A_2028 = vector.broadcast %broadcast_in_dim3A_2027 : vector<8x1xf32> to vector<8x4096xf32>
    %select_n3A_2029 = arith.select %ge3A_2023, %broadcast_in_dim3A_2028, %select_n3A_2017 : vector<8x4096xi1>, vector<8x4096xf32>
    %get3A_2030 = arith.constant 120 : index
    %get3A_2031 = arith.constant 4 : index
    %get3A_2032 = vector.load %arg1[%get3A_2030, %get3A_2031] : memref<128x16xi32, #tpu.memory_space<vmem>>, vector<8x1xi32>
    %ge3A_2033 = vector.broadcast %add3A_1976 : vector<1x4096xi32> to vector<8x4096xi32>
    %ge3A_2034 = vector.broadcast %get3A_2032 : vector<8x1xi32> to vector<8x4096xi32>
    %ge3A_2035 = arith.cmpi sge, %ge3A_2033, %ge3A_2034 : vector<8x4096xi32>
    %get3A_2036 = arith.constant 120 : index
    %get3A_2037 = arith.constant 5 : index
    %get3A_2038 = vector.load %arg2[%get3A_2036, %get3A_2037] : memref<128x16xf32, #tpu.memory_space<vmem>>, vector<8x1xf32>
    %broadcast_in_dim3A_2039 = vector.shape_cast %get3A_2038 : vector<8x1xf32> to vector<8x1xf32>
    %broadcast_in_dim3A_2040 = vector.broadcast %broadcast_in_dim3A_2039 : vector<8x1xf32> to vector<8x4096xf32>
    %select_n3A_2041 = arith.select %ge3A_2035, %broadcast_in_dim3A_2040, %select_n3A_2029 : vector<8x4096xi1>, vector<8x4096xf32>
    %get3A_2042 = arith.constant 120 : index
    %get3A_2043 = arith.constant 5 : index
    %get3A_2044 = vector.load %arg1[%get3A_2042, %get3A_2043] : memref<128x16xi32, #tpu.memory_space<vmem>>, vector<8x1xi32>
    %ge3A_2045 = vector.broadcast %add3A_1976 : vector<1x4096xi32> to vector<8x4096xi32>
    %ge3A_2046 = vector.broadcast %get3A_2044 : vector<8x1xi32> to vector<8x4096xi32>
    %ge3A_2047 = arith.cmpi sge, %ge3A_2045, %ge3A_2046 : vector<8x4096xi32>
    %get3A_2048 = arith.constant 120 : index
    %get3A_2049 = arith.constant 6 : index
    %get3A_2050 = vector.load %arg2[%get3A_2048, %get3A_2049] : memref<128x16xf32, #tpu.memory_space<vmem>>, vector<8x1xf32>
    %broadcast_in_dim3A_2051 = vector.shape_cast %get3A_2050 : vector<8x1xf32> to vector<8x1xf32>
    %broadcast_in_dim3A_2052 = vector.broadcast %broadcast_in_dim3A_2051 : vector<8x1xf32> to vector<8x4096xf32>
    %select_n3A_2053 = arith.select %ge3A_2047, %broadcast_in_dim3A_2052, %select_n3A_2041 : vector<8x4096xi1>, vector<8x4096xf32>
    %get3A_2054 = arith.constant 120 : index
    %get3A_2055 = arith.constant 6 : index
    %get3A_2056 = vector.load %arg1[%get3A_2054, %get3A_2055] : memref<128x16xi32, #tpu.memory_space<vmem>>, vector<8x1xi32>
    %ge3A_2057 = vector.broadcast %add3A_1976 : vector<1x4096xi32> to vector<8x4096xi32>
    %ge3A_2058 = vector.broadcast %get3A_2056 : vector<8x1xi32> to vector<8x4096xi32>
    %ge3A_2059 = arith.cmpi sge, %ge3A_2057, %ge3A_2058 : vector<8x4096xi32>
    %get3A_2060 = arith.constant 120 : index
    %get3A_2061 = arith.constant 7 : index
    %get3A_2062 = vector.load %arg2[%get3A_2060, %get3A_2061] : memref<128x16xf32, #tpu.memory_space<vmem>>, vector<8x1xf32>
    %broadcast_in_dim3A_2063 = vector.shape_cast %get3A_2062 : vector<8x1xf32> to vector<8x1xf32>
    %broadcast_in_dim3A_2064 = vector.broadcast %broadcast_in_dim3A_2063 : vector<8x1xf32> to vector<8x4096xf32>
    %select_n3A_2065 = arith.select %ge3A_2059, %broadcast_in_dim3A_2064, %select_n3A_2053 : vector<8x4096xi1>, vector<8x4096xf32>
    %get3A_2066 = arith.constant 120 : index
    %get3A_2067 = arith.constant 7 : index
    %get3A_2068 = vector.load %arg1[%get3A_2066, %get3A_2067] : memref<128x16xi32, #tpu.memory_space<vmem>>, vector<8x1xi32>
    %ge3A_2069 = vector.broadcast %add3A_1976 : vector<1x4096xi32> to vector<8x4096xi32>
    %ge3A_2070 = vector.broadcast %get3A_2068 : vector<8x1xi32> to vector<8x4096xi32>
    %ge3A_2071 = arith.cmpi sge, %ge3A_2069, %ge3A_2070 : vector<8x4096xi32>
    %get3A_2072 = arith.constant 120 : index
    %get3A_2073 = arith.constant 8 : index
    %get3A_2074 = vector.load %arg2[%get3A_2072, %get3A_2073] : memref<128x16xf32, #tpu.memory_space<vmem>>, vector<8x1xf32>
    %broadcast_in_dim3A_2075 = vector.shape_cast %get3A_2074 : vector<8x1xf32> to vector<8x1xf32>
    %broadcast_in_dim3A_2076 = vector.broadcast %broadcast_in_dim3A_2075 : vector<8x1xf32> to vector<8x4096xf32>
    %select_n3A_2077 = arith.select %ge3A_2071, %broadcast_in_dim3A_2076, %select_n3A_2065 : vector<8x4096xi1>, vector<8x4096xf32>
    %get3A_2078 = arith.constant 120 : index
    %get3A_2079 = arith.constant 8 : index
    %get3A_2080 = vector.load %arg1[%get3A_2078, %get3A_2079] : memref<128x16xi32, #tpu.memory_space<vmem>>, vector<8x1xi32>
    %ge3A_2081 = vector.broadcast %add3A_1976 : vector<1x4096xi32> to vector<8x4096xi32>
    %ge3A_2082 = vector.broadcast %get3A_2080 : vector<8x1xi32> to vector<8x4096xi32>
    %ge3A_2083 = arith.cmpi sge, %ge3A_2081, %ge3A_2082 : vector<8x4096xi32>
    %get3A_2084 = arith.constant 120 : index
    %get3A_2085 = arith.constant 9 : index
    %get3A_2086 = vector.load %arg2[%get3A_2084, %get3A_2085] : memref<128x16xf32, #tpu.memory_space<vmem>>, vector<8x1xf32>
    %broadcast_in_dim3A_2087 = vector.shape_cast %get3A_2086 : vector<8x1xf32> to vector<8x1xf32>
    %broadcast_in_dim3A_2088 = vector.broadcast %broadcast_in_dim3A_2087 : vector<8x1xf32> to vector<8x4096xf32>
    %select_n3A_2089 = arith.select %ge3A_2083, %broadcast_in_dim3A_2088, %select_n3A_2077 : vector<8x4096xi1>, vector<8x4096xf32>
    %get3A_2090 = arith.constant 120 : index
    %get3A_2091 = arith.constant 9 : index
    %get3A_2092 = vector.load %arg1[%get3A_2090, %get3A_2091] : memref<128x16xi32, #tpu.memory_space<vmem>>, vector<8x1xi32>
    %ge3A_2093 = vector.broadcast %add3A_1976 : vector<1x4096xi32> to vector<8x4096xi32>
    %ge3A_2094 = vector.broadcast %get3A_2092 : vector<8x1xi32> to vector<8x4096xi32>
    %ge3A_2095 = arith.cmpi sge, %ge3A_2093, %ge3A_2094 : vector<8x4096xi32>
    %get3A_2096 = arith.constant 120 : index
    %get3A_2097 = arith.constant 10 : index
    %get3A_2098 = vector.load %arg2[%get3A_2096, %get3A_2097] : memref<128x16xf32, #tpu.memory_space<vmem>>, vector<8x1xf32>
    %broadcast_in_dim3A_2099 = vector.shape_cast %get3A_2098 : vector<8x1xf32> to vector<8x1xf32>
    %broadcast_in_dim3A_2100 = vector.broadcast %broadcast_in_dim3A_2099 : vector<8x1xf32> to vector<8x4096xf32>
    %select_n3A_2101 = arith.select %ge3A_2095, %broadcast_in_dim3A_2100, %select_n3A_2089 : vector<8x4096xi1>, vector<8x4096xf32>
    %swap3A_2102 = arith.constant 120 : index
    %swap3A_2103 = arith.constant 0 : index
    %swap3A_2104 = vector.load %arg3[%swap3A_2102, %swap3A_2103] : memref<128x4096xf32, #tpu.memory_space<vmem>>, vector<8x4096xf32>
    tpu.vector_store %arg3[%swap3A_2102, %swap3A_2103], %select_n3A_2101 {strides = array<i32>} : memref<128x4096xf32, #tpu.memory_space<vmem>>, vector<8x4096xf32>,
    return
  }
  func.func @transform_0(%arg0: i32) -> (i32, i32) {
    %c0_i32 = arith.constant 0 : i32
    %c0_i32_0 = arith.constant 0 : i32
    return %arg0, %c0_i32 : i32, i32
  }
  func.func @transform_1(%arg0: i32) -> (i32, i32) {
    %c0_i32 = arith.constant 0 : i32
    %c0_i32_0 = arith.constant 0 : i32
    return %arg0, %c0_i32 : i32, i32
  }
  func.func @transform_2(%arg0: i32) -> (i32, i32) {
    %c0_i32 = arith.constant 0 : i32
    %c0_i32_0 = arith.constant 0 : i32
    return %arg0, %c0_i32 : i32, i32
  }
}

</mosaic_0001>

<sc_bundles>
// kernel: kernel.4.cloned.1.call-start
scs
__scs_entry_jumppad:
0x0: {  	(pc) =	sbr.rel $0x88, $3  }
0x1: {  	(tag) =	ssettag $0x0;
	lr =	simm.s32 $0x1  }
0x2: {  	[smem:$0x3F9F] =	sst lr;
	_ =	strace $0xD0000000  }
0x3: {  	_ = 	snop  }
0x4: {  	_ = 	snop  }
0x5: {  	_ = 	snop  }
0x6: {  	_ = 	snop  }
0x7: {  	_ = 	snop  }
__scs_overlays_trampoline_lowered:
0x8: {  	[smem:$0x3FAE] =	sst s0  }
0x9: {  	[smem:$0x3FAF] =	sst s1  }
0xa: {  	[smem:$0x3FB0] =	sst s2  }
0xb: {  	[smem:$0x3FB1] =	sst s3  }
0xc: {  	[smem:$0x3FB2] =	sst s4  }
0xd: {  	[smem:$0x3FB3] =	sst s5  }
0xe: {  	[smem:$0x3FB4] =	sst s6  }
0xf: {  	[smem:$0x3FB5] =	sst s7  }
0x10: {  	[smem:$0x3FB6] =	sst s8  }
0x11: {  	[smem:$0x3FB7] =	sst s9;
	s0 =	simm.s32 @!p0 $0x0  }
0x12: {  	s1 =	sld [smem:$0x3F9D];
	s0 =	simm.s32 @p0 $0x1  }
0x13: {  	[smem:$0x3FB8] =	sst s0;
	s0 =	simm.s32 @!p1 $0x0  }
0x14: {  	s2 =	sld [smem:$0x3F9C];
	s0 =	simm.s32 @p1 $0x1  }
0x15: {  	[smem:$0x3FB9] =	sst s0;
	s0 =	simm.s32 @!p2 $0x0  }
0x16: {  	s3 =	sld [smem:$0x3FDB];
	s0 =	simm.s32 @p2 $0x1  }
0x17: {  	s4 =	simm.s32 $0x1BF5;
	[smem:$0x3FBB] =	sst s0  }
0x18: {  	s0 =	sld [smem:$0x3F9E];
	_ =	swait.ge [sflag:s4], $0x0  }
0x19: {  	s7 =	sld [smem:$0x3F9F]  }
0x1a: {  	s8 =	sadd.s32 $0xFFFFE003, lr  }
0x1b: {  	s9 =	sadd.s32 $0xFFFFFEF7, lr;
	s5 =	simm.s32 $0xFFFFFFFF;
	p2 =	slt.u32 s8, $0xFFFFF086  }
0x1c: {  	p1 =	slt.u32 s9, $0xF7A;
	s5 =	simm.s32 @!p2 $0x0  }
0x1d: {  	s5 =	simm.s32 @p1 $0x1;
	p0 =	seq.s32 s7, s2  }
0x1e: {  	s7 =	smul.u32 @!p0 $0xF7A, s2;
	p2 =	seq.s32 @!p0 s5, $0x0  }
0x1f: {  	s9 =	smul.u32 $0xF7A, s1;
	s8 =	simm.s32 @!p0 $0x1BF5;
	p2 =	por !p2, p0  }
0x20: {  	[sflag:s8] =	ssyncset.s32 @!p0 $0xFFFFF086;
	s6 =	sadd.s32 @!p0 s3, s7;
	s7 =	simm.s32 @!p0 $0x108  }
0x21: {  	s3 =	sadd.s32 s3, s9;
	s6 =	sadd.s32 @!p0 $0x88, s6;
	s7 =	simm.s32 @p2 $0x1082  }
0x22: {  	[simem:s7], [sflag:s8] =	dma.local @!p0 [hbm:s6], $0xF7A  }
0x23: {  	s9 =	sor.u32 $0xD0000000, s2;
	s6 =	simm.s32 $0x108;
	_ =	swait.ge @!p0 [sflag:s8], $0x0  }
0x24: {  	s3 =	sadd.s32 $0x88, s3;
	s6 =	simm.s32 @!p1 $0x1082;
	[sflag:s4] =	ssyncset.s32 $0xFFFFF086  }
0x25: {  	[simem:s6], [sflag:s4] =	dma.local [hbm:s3], $0xF7A  }
0x26: {  	[smem:$0x3F9F] =	sst s1;
	(tag) =	ssettag s2;
	_ =	strace s9  }
0x27: {  	s1 =	sld [smem:$0x3FAF]  }
0x28: {  	s2 =	sld [smem:$0x3FB0]  }
0x29: {  	s4 =	sld [smem:$0x3FB2]  }
0x2a: {  	p0 =	seq.s32 s5, $0x0;
	s5 =	sld [smem:$0x3FB3]  }
0x2b: {  	s6 =	sld [smem:$0x3FB4]  }
0x2c: {  	s7 =	sld [smem:$0x3FB5]  }
0x2d: {  	s3 =	simm.s32 $0x108;
	s8 =	sld [smem:$0x3FB6]  }
0x2e: {  	s3 =	simm.s32 @!p0 $0x1082;
	s9 =	sld [smem:$0x3FB7]  }
0x2f: {  	lr =	sadd.s32 s0, s3;
	s0 =	sld [smem:$0x3FAE]  }
0x30: {  	s3 =	sld [smem:$0x3FB1]  }
0x31: {  	[smem:$0x3FBA] =	sst s10  }
0x32: {  	s10 =	sld [smem:$0x3FB8];
	_ =	sdelay $0x3  }
0x33: {  	p0 =	seq.s32 s10, $0x1;
	s10 =	sld [smem:$0x3FBA];
	_ =	sdelay $0x3  }
0x34: {  	[smem:$0x3FBA] =	sst s10  }
0x35: {  	s10 =	sld [smem:$0x3FB9];
	_ =	sdelay $0x3  }
0x36: {  	p1 =	seq.s32 s10, $0x1;
	s10 =	sld [smem:$0x3FBA];
	_ =	sdelay $0x3  }
0x37: {  	[smem:$0x3FBA] =	sst s10  }
0x38: {  	s10 =	sld [smem:$0x3FBB]  }
0x39: {  	_ = 	snop;
	(pc) =	sbr.ind lr, $3  }
0x3a: {  	_ = 	snop  }
0x3b: {  	_ = 	snop  }
0x3c: {  	p2 =	seq.s32 s10, $0x1;
	s10 =	sld [smem:$0x3FBA]  }
0x3d: {  	_ =	shalt  }
0x3e: {  	_ =	shalt  }
0x3f: {  	_ =	shalt  }
0x40: {  	_ =	shalt  }
0x41: {  	_ =	shalt  }
0x42: {  	_ =	shalt  }
0x43: {  	_ =	shalt  }
0x44: {  	_ =	shalt  }
0x45: {  	_ =	shalt  }
0x46: {  	_ =	shalt  }
0x47: {  	_ =	shalt  }
0x48: {  	_ =	shalt  }
0x49: {  	_ =	shalt  }
0x4a: {  	_ =	shalt  }
0x4b: {  	_ =	shalt  }
0x4c: {  	_ =	shalt  }
0x4d: {  	_ =	shalt  }
0x4e: {  	_ =	shalt  }
0x4f: {  	_ =	shalt  }
0x50: {  	_ =	shalt  }
0x51: {  	_ =	shalt  }
0x52: {  	_ =	shalt  }
0x53: {  	_ =	shalt  }
0x54: {  	_ =	shalt  }
0x55: {  	_ =	shalt  }
0x56: {  	_ =	shalt  }
0x57: {  	_ =	shalt  }
0x58: {  	_ =	shalt  }
0x59: {  	_ =	shalt  }
0x5a: {  	_ =	shalt  }
0x5b: {  	_ =	shalt  }
0x5c: {  	_ =	shalt  }
0x5d: {  	_ =	shalt  }
0x5e: {  	_ =	shalt  }
0x5f: {  	_ =	shalt  }
0x60: {  	_ =	shalt  }
0x61: {  	_ =	shalt  }
0x62: {  	_ =	shalt  }
0x63: {  	_ =	shalt  }
0x64: {  	_ =	shalt  }
0x65: {  	_ =	shalt  }
0x66: {  	_ =	shalt  }
0x67: {  	_ =	shalt  }
0x68: {  	_ =	shalt  }
0x69: {  	_ =	shalt  }
0x6a: {  	_ =	shalt  }
0x6b: {  	_ =	shalt  }
0x6c: {  	_ =	shalt  }
0x6d: {  	_ =	shalt  }
0x6e: {  	_ =	shalt  }
0x6f: {  	_ =	shalt  }
0x70: {  	_ =	shalt  }
0x71: {  	_ =	shalt  }
0x72: {  	_ =	shalt  }
0x73: {  	_ =	shalt  }
0x74: {  	_ =	shalt  }
0x75: {  	_ =	shalt  }
0x76: {  	_ =	shalt  }
0x77: {  	_ =	shalt  }
0x78: {  	_ =	shalt  }
0x79: {  	_ =	shalt  }
0x7a: {  	_ =	shalt  }
0x7b: {  	_ =	shalt  }
0x7c: {  	_ =	shalt  }
0x7d: {  	_ =	shalt  }
0x7e: {  	_ =	shalt  }
0x7f: {  	_ =	shalt  }
0x80: {  	_ =	shalt  }
0x81: {  	_ =	shalt  }
0x82: {  	_ =	shalt  }
0x83: {  	_ =	shalt  }
0x84: {  	_ =	shalt  }
0x85: {  	_ =	shalt  }
0x86: {  	_ =	shalt  }
0x87: {  	_ =	shalt  }
.Lfunc_end0:
.L_simem_size_0:
called_computation_lowered:
.L_overlay_start_0:
0x88: {  	s2 =	sld [smem:$0x3FD9]  }
0x89: {  	s3 =	sld [smem:$0x3FFE];
	_ =	sdelay $0x1  }
0x8a: {  	s1 =	srdreg.scid  }
0x8b: {  	s0 =	sand.u32 $0x1, s1  }
0x8c: {  	s17 =	sshll.u32 s0, $0xA;
	s2 =	sadd.s32 s3, s2  }
0x8d: {  	s2 =	sadd.s32 s2, s17  }
0x8e: {  	[smem:$0x3FC6] =	sst s2  }
0x8f: {  	_ = 	snop  }
0x90: {  	s2 =	sld [smem:$0x3FC9]  }
0x91: {  	s18 =	sld [smem:$0x3FD0];
	(tm) =	ssettm $0x1  }
0x92: {  	s4 =	sld [smem:$0x3FFB];
	_ =	sdelay $0x3  }
0x93: {  	_ =	strace s4  }
0x94: {  	s4 =	sld [smem:$0x3FFC];
	_ =	sdelay $0x3  }
0x95: {  	_ =	strace s4  }
0x96: {  	s4 =	sld [smem:$0x3FFD];
	_ =	sdelay $0x3  }
0x97: {  	_ =	strace s4  }
0x98: {  	_ =	strace $0x8FFFFFFF  }
0x99: {  	s19 =	sld [smem:$0x3FDB];
	_ =	sdelay $0x1  }
0x9a: {  	s5 =	simm.s32 $_scs_section_size  }
0x9b: {  	s6 =	simm.s32 $_size__tile_overlayer_lowered;
	s7 =	simm.s32 $_tile_overlayer_lowered  }
0x9c: {  	s22 =	simm.s32 $0x1BFF;
	s21 =	sshll.u32 s7, $0x1;
	s4 =	sadd.s32 s5, s19  }
0x9d: {  	s8 =	simm.s32 $0x0;
	s20 =	sshll.u32 s6, $0x1;
	s6 =	sadd.s32 s21, s4  }
0x9e: {  	[timem:s8], [sflag:s22] =	dma.local [hbm:s6], s20  }
0x9f: {  	_ =	swait.ge [sflag:s22], s20  }
0xa0: {  	s5 =	ssub.s32 $0x0, s20;
	[sflag:s22] =	ssyncset.done $0x0  }
0xa1: {  	[sflag:s22] =	ssyncadd.s32 s5;
	_ =	sdelay $0x1  }
0xa2: {  	s23 =	simm.s32 $0x1B8B  }
0xa3: {  	_ =	swait.ge [sflag:s23], $0x1  }
0xa4: {  	[sflag:s23] =	ssyncset.done $0x0  }
0xa5: {  	s25 =	simm.s32 $0x1B8E;
	s24 =	sld [smem:$0x3FFE];
	[sflag:s23] =	ssyncadd.s32 $0xFFFFFFFF  }
0xa6: {  	s26 =	simm.s32 $execute0_lowered;
	[smem:$0x3FD2] =	sst s25  }
0xa7: {  	s6 =	sshll.u32 s26, $0x1;
	_ =	strace $0x80000046;
	[dreg:$0x1] =	wrdreg $0xFFFFFFFF  }
0xa8: {  	s28 =	simm.s32 $_size_execute0_lowered;
	s4 =	sadd.s32 s4, s6;
	[dreg:$0x0] =	wrdreg $0x0  }
0xa9: {  	s6 =	sshll.u32 s28, $0x1;
	[dreg:$0x2] =	wrdreg s4  }
0xaa: {  	[dreg:$0x3] =	wrdreg s6  }
0xab: {  	[dreg:$0x4] =	wrdreg $0xC0  }
0xac: {  	_ =	task [dreg:s8], $0x5FFFF  }
0xad: {  	[dreg:$0x1] =	wrdreg $0xFFFFFFFF  }
0xae: {  	[dreg:$0x0] =	wrdreg $0x60  }
0xaf: {  	[dreg:$0x2] =	wrdreg s2  }
0xb0: {  	[dreg:$0x3] =	wrdreg s24  }
0xb1: {  	[dreg:$0x4] =	wrdreg s18  }
0xb2: {  	[dreg:$0x5] =	wrdreg $0x9  }
0xb3: {  	_ =	task.clear_ibuf [dreg:s8], $0x6FFFF;
	_ =	strace $0x90000046  }
0xb4: {  	s29 =	simm.s32 $0x9;
	_ =	strace $0x80000048  }
0xb5: {  	_ =	swait.ge [sflag:s29], $0x1  }
0xb6: {  	[sflag:s29] =	ssyncadd.s32 $0xFFFFFFFF  }
0xb7: {  	_ =	strace $0x90000048  }
0xb8: {  	_ =	sfence  }
0xb9: {  	s30 =	sld [smem:$0x0];
	_ =	sdelay $0x2  }
0xba: {  	s31 =	sshll.u32 s1, $0xD;
	s1 =	sshrl.u32 s1, $0x2  }
0xbb: {  	s3 =	sand.u32 $0x4000, s31;
	s1 =	sadd.s32 s1, s30  }
0xbc: {  	s0 =	sor.u32 s3, s0;
	s1 =	sshll.u32 s1, $0x11  }
0xbd: {  	s0 =	sor.u32 s1, s0  }
0xbe: {  	s0 =	sadd.s32 $0x8F2B, s0  }
0xbf: {  	[sflag:s0] =	ssyncadd.remote.s32 $0x1  }
0xc0: {  	_ =	sfence.sel $0xFFFF  }
0xc1: {  	[dreg:$0x0] =	wrdreg $0xFFFFFFFF;
	(pc) =	sbr.abs _section_cstart, $3  }
0xc2: {  	[dreg:$0x1] =	wrdreg $0xFFFFFFFF  }
0xc3: {  	_ =	task.clear_ibuf [dreg:s8], $0x2FFFF;
	_ =	strace $0x9FFFFFFF  }
0xc4: {  	(tm) =	ssettm $0x7FFFFFFF  }
0xc5: {  	_ =	shalt  }
tec
execute0_lowered:
.L_overlay_start_1:
0x0: {  	(tag) =	ssettag $0x1  }
0x1: {  	s1 =	rddreg [dreg:$0x0]  }
0x2: {  	s5 =	rddreg [dreg:$0x1]  }
0x3: {  	s6 =	rddreg [dreg:$0x2]  }
0x4: {  	s0 =	rddreg [dreg:$0x3];
	s4 =	srdreg.scid  }
0x5: {  	s3 =	simm.s32 $0x0;
	s2 =	stileid.u32;
	s11 =	simm.s32 $0x480  }
0x6: {  	v0 =	vimm.s32 $0x8040201;
	v1 =	vimm.s32 $0x80402010;
	s12 =	simm.s32 $0xC80;
	s13 =	simm.s32 $0x0;
	s8 =	sand.u32 $0x1, s4  }
0x7: {  	[smem:$0x7FF] =	sst s3;
	s29 =	sshll.u32 s2, $0x9;
	v0 =	vunpack.c.0.s8.s32 v0;
	v1 =	vunpack.c.0.s8.s32 v1;
	s4 =	sadd.s32 $0xC00, s5  }
0x8: {  	vm0 =	vcmask $0xF00;
	s31 =	sshll.u32 s2, $0x8;
	s7 =	sshll.u32 s8, $0x8;
	_ =	strace $0x80000047  }
0x9: {  	vm13 =	vcmask $0x1F10;
	s9 =	ssub.s32 $0x2, s8;
	s8 =	sshll.u32 s8, $0x7;
	s7 =	sor.u32 s7, s29;
	v0 =	vnsel vm0, $0x0, v0;
	v1 =	vand.u32 $0xFF, v1  }
0xa: {  	vm14 =	vcmask $0x2320;
	s30 =	sshrl.u32 s9, $0x1;
	s8 =	sor.u32 s8, s31;
	s10 =	sadd.s32 s7, s5;
	v0 =	vsel vm13, v1, v0  }
0xb: {  	vm15 =	vcmask $0x2724;
	v2 =	vimm.s32 $0x800;
	s9 =	ssub.s32 s9, s30;
	s5 =	sadd.s32 s6, s7;
	s6 =	sadd.s32 $0xE00, s10;
	v0 =	vsel vm14, $0x100, v0  }
0xc: {  	v3 =	vimm.s32 $0xC00;
	v1 =	vimm.s32 $0x1000;
	s7 =	smax.u32 s9, $0x1;
	s9 =	simm.s32 $0x1;
	s10 =	simm.s32 $0x400;
	v0 =	vsel vm15, $0x200, v0  }
.LBB2_1:
0xd: {  	[tilespmem:s3], [sflag:$0x1] =	stream.linear.gather [hbm4b:s1+s3], $0x400, $0x38;
	[tilespmem:$0x1480] =	vst v63  }
0xe: {  	_ =	swait.ge [sflag:s9], $0x400  }
0xf: {  	[sflag:s9] =	ssyncset.done $0x0  }
0x10: {  	[sflag:s9] =	ssyncadd.s32 $0xFFFFFC00  }
0x11: {  	[tilespmem:s10], [sflag:$0x1] =	stream.linear.gather [hbm4b:s4+s3], $0x80, $0x38;
	[tilespmem:$0x1480] =	vst v63  }
0x12: {  	_ =	swait.ge [sflag:s9], $0x80  }
0x13: {  	s14 =	scvt.s32.f32 s8;
	[sflag:s9] =	ssyncset.done $0x0  }
0x14: {  	[sflag:s9] =	ssyncadd.s32 $0xFFFFFF80  }
0x15: {  	s14 =	smul.f32 $2.442002590e-04, s14;
	v4 =	vld [tilespmem:$0x400];
	_ =	sdelay $0x1  }
0x16: {  	v8 =	vmov s14;
	v5 =	vld [tilespmem:$0x410]  }
0x17: {  	v8 =	vbroadcast v8, $0x0  }
0x18: {  	v7 =	vld [tilespmem:$0x420]  }
0x19: {  	v9 =	vshrl.u32 v8, $0x10;
	v6 =	vshrl.u32 v4, $0x10  }
0x1a: {  	v9 =	vand.u32 $0x1, v9;
	v6 =	vand.u32 $0x1, v6  }
0x1b: {  	v8 =	vadd.s32 v9, v8;
	v4 =	vadd.s32 v6, v4;
	v6 =	vshrl.u32 v5, $0x10  }
0x1c: {  	v9 =	vadd.s32 $0x7FFF, v8;
	v6 =	vand.u32 $0x1, v6  }
0x1d: {  	v4 =	vadd.s32 $0x7FFF, v4;
	v5 =	vadd.s32 v6, v5;
	v6 =	vshrl.u32 v7, $0x10  }
0x1e: {  	v4 =	vand.u32 $0xFFFF0000, v4;
	v5 =	vadd.s32 $0x7FFF, v5;
	v6 =	vand.u32 $0x1, v6  }
0x1f: {  	v8 =	vand.u32 $0xFFFF0000, v5;
	v5 =	vadd.s32 v6, v7;
	v6 =	vand.u32 $0xFFFF0000, v9  }
0x20: {  	v9 =	vmul.f32 $5.000000000e-01, v4;
	v5 =	vadd.s32 $0x7FFF, v5;
	v6 =	vmul.f32 v6, v8  }
0x21: {  	v4 =	vand.u32 $0xFFFF0000, v5  }
0x22: {  	v10 =	vmul.f32 $5.000000000e-01, v4;
	v5 =	vadd.f32 v6, v9;
	_ =	sdelay $0x1  }
0x23: {  	v6 =	vadd.f32 v5, v10;
	_ =	sdelay $0x1  }
0x24: {  	vm0 =	vgt.f32 v5, $0.0e+00;
	vm1 =	vgt.f32 v6, $0.0e+00  }
0x25: {  	vm1 =	vmxor vm0, vm1  }
0x26: {  	v6 =	vsel vm1, $0x400, v3  }
0x27: {  	v7 =	vcvt.s32.f32 v6;
	_ =	sdelay $0x1  }
0x28: {  	v7 =	vmul.f32 $2.442002590e-04, v7;
	_ =	sdelay $0x1  }
0x29: {  	v11 =	vshrl.u32 v7, $0x10  }
0x2a: {  	v11 =	vand.u32 $0x1, v11  }
0x2b: {  	v7 =	vadd.s32 v11, v7  }
0x2c: {  	v7 =	vadd.s32 $0x7FFF, v7  }
0x2d: {  	v7 =	vand.u32 $0xFFFF0000, v7  }
0x2e: {  	v7 =	vmul.f32 v7, v4;
	_ =	sdelay $0x1  }
0x2f: {  	v7 =	vadd.f32 v7, v5;
	_ =	sdelay $0x1  }
0x30: {  	vm2 =	vgt.f32 v7, $0.0e+00  }
0x31: {  	v7 =	vsel vm1, $0x800, v1;
	vm2 =	vmxor vm0, vm2  }
0x32: {  	v11 =	vsel vm1, $0x0, v2;
	v7 =	vsel vm2, v6, v7  }
0x33: {  	v6 =	vsel vm2, v11, v6;
	v11 =	vadd.s32 $0xFFFFFFFF, v7  }
0x34: {  	v12 =	vxor.u32 v11, v6  }
0x35: {  	v11 =	vor.u32 v11, v6;
	v12 =	vshrl.u32 v12, $0x1  }
0x36: {  	v11 =	vsub.s32 v11, v12  }
0x37: {  	v12 =	vcvt.s32.f32 v11;
	_ =	sdelay $0x1  }
0x38: {  	v12 =	vmul.f32 $2.442002590e-04, v12;
	_ =	sdelay $0x1  }
0x39: {  	v13 =	vshrl.u32 v12, $0x10  }
0x3a: {  	v13 =	vand.u32 $0x1, v13  }
0x3b: {  	v12 =	vadd.s32 v13, v12  }
0x3c: {  	v12 =	vadd.s32 $0x7FFF, v12  }
0x3d: {  	v12 =	vand.u32 $0xFFFF0000, v12  }
0x3e: {  	v12 =	vmul.f32 v12, v4;
	_ =	sdelay $0x1  }
0x3f: {  	v12 =	vadd.f32 v12, v5;
	_ =	sdelay $0x1  }
0x40: {  	vm1 =	vgt.f32 v12, $0.0e+00  }
0x41: {  	vm1 =	vmxor vm0, vm1  }
0x42: {  	v7 =	vsel vm1, v11, v7  }
0x43: {  	v6 =	vsel vm1, v6, v11;
	v11 =	vadd.s32 $0xFFFFFFFF, v7  }
0x44: {  	v12 =	vxor.u32 v11, v6  }
0x45: {  	v11 =	vor.u32 v11, v6;
	v12 =	vshrl.u32 v12, $0x1  }
0x46: {  	v11 =	vsub.s32 v11, v12  }
0x47: {  	v12 =	vcvt.s32.f32 v11;
	_ =	sdelay $0x1  }
0x48: {  	v12 =	vmul.f32 $2.442002590e-04, v12;
	_ =	sdelay $0x1  }
0x49: {  	v13 =	vshrl.u32 v12, $0x10  }
0x4a: {  	s30 =	sadd.s32 $0x1, s8;
	v13 =	vand.u32 $0x1, v13  }
0x4b: {  	s15 =	scvt.s32.f32 s30;
	v12 =	vadd.s32 v13, v12  }
0x4c: {  	v12 =	vadd.s32 $0x7FFF, v12  }
0x4d: {  	s15 =	smul.f32 $2.442002590e-04, s15;
	v12 =	vand.u32 $0xFFFF0000, v12  }
0x4e: {  	v12 =	vmul.f32 v12, v4  }
0x4f: {  	v13 =	vmov s15  }
0x50: {  	v13 =	vbroadcast v13, $0x0;
	v12 =	vadd.f32 v12, v5;
	_ =	sdelay $0x1  }
0x51: {  	vm0 =	vmmov vm0;
	v14 =	vshrl.u32 v13, $0x10;
	vm1 =	vgt.f32 v12, $0.0e+00  }
0x52: {  	v12 =	vand.u32 $0x1, v14;
	vm1 =	vmxor vm0, vm1  }
0x53: {  	v12 =	vadd.s32 v12, v13;
	v7 =	vsel vm1, v11, v7;
	v11 =	vsel vm1, v6, v11  }
0x54: {  	v6 =	vadd.s32 $0x7FFF, v12;
	v12 =	vxor.u32 v7, v11  }
0x55: {  	v6 =	vand.u32 $0xFFFF0000, v6;
	v13 =	vand.u32 v7, v11;
	v12 =	vshrl.u32 v12, $0x1  }
0x56: {  	v6 =	vmul.f32 v6, v8;
	v12 =	vadd.s32 v12, v13  }
0x57: {  	v13 =	vcvt.s32.f32 v12  }
0x58: {  	v6 =	vadd.f32 v6, v9  }
0x59: {  	v13 =	vmul.f32 $2.442002590e-04, v13  }
0x5a: {  	v14 =	vadd.f32 v6, v10  }
0x5b: {  	v15 =	vshrl.u32 v13, $0x10  }
0x5c: {  	vm1 =	vgt.f32 v6, $0.0e+00;
	vm2 =	vgt.f32 v14, $0.0e+00;
	v14 =	vand.u32 $0x1, v15  }
0x5d: {  	vm2 =	vmxor vm1, vm2;
	v13 =	vadd.s32 v14, v13  }
0x5e: {  	v14 =	vsel vm2, $0x400, v3;
	v13 =	vadd.s32 $0x7FFF, v13  }
0x5f: {  	v15 =	vcvt.s32.f32 v14;
	v13 =	vand.u32 $0xFFFF0000, v13  }
0x60: {  	v13 =	vmul.f32 v13, v4  }
0x61: {  	v15 =	vmul.f32 $2.442002590e-04, v15  }
0x62: {  	v13 =	vadd.f32 v13, v5  }
0x63: {  	v16 =	vshrl.u32 v15, $0x10  }
0x64: {  	v16 =	vand.u32 $0x1, v16;
	vm3 =	vgt.f32 v13, $0.0e+00  }
0x65: {  	v13 =	vadd.s32 v16, v15;
	vm3 =	vmxor vm0, vm3  }
0x66: {  	v13 =	vadd.s32 $0x7FFF, v13;
	v7 =	vsel vm3, v12, v7;
	v11 =	vsel vm3, v11, v12  }
0x67: {  	v12 =	vand.u32 $0xFFFF0000, v13;
	v13 =	vadd.s32 v7, v11  }
0x68: {  	v12 =	vmul.f32 v12, v4;
	v13 =	vshrl.u32 v13, $0x1  }
0x69: {  	v15 =	vcvt.s32.f32 v13  }
0x6a: {  	v12 =	vadd.f32 v12, v6  }
0x6b: {  	v15 =	vmul.f32 $2.442002590e-04, v15  }
0x6c: {  	vm3 =	vgt.f32 v12, $0.0e+00  }
0x6d: {  	v12 =	vsel vm2, $0x800, v1;
	vm3 =	vmxor vm1, vm3;
	v16 =	vshrl.u32 v15, $0x10  }
0x6e: {  	v17 =	vsel vm2, $0x0, v2;
	v12 =	vsel vm3, v14, v12;
	v16 =	vand.u32 $0x1, v16  }
0x6f: {  	v14 =	vsel vm3, v17, v14;
	v17 =	vadd.s32 $0xFFFFFFFF, v12;
	v15 =	vadd.s32 v16, v15  }
0x70: {  	v16 =	vxor.u32 v17, v14;
	v15 =	vadd.s32 $0x7FFF, v15  }
0x71: {  	v17 =	vor.u32 v17, v14;
	v16 =	vshrl.u32 v16, $0x1;
	v15 =	vand.u32 $0xFFFF0000, v15  }
0x72: {  	v16 =	vsub.s32 v17, v16;
	v15 =	vmul.f32 v15, v4  }
0x73: {  	v17 =	vcvt.s32.f32 v16  }
0x74: {  	v15 =	vadd.f32 v15, v5  }
0x75: {  	v17 =	vmul.f32 $2.442002590e-04, v17  }
0x76: {  	vm0 =	vmmov vm0;
	vm2 =	vgt.f32 v15, $0.0e+00  }
0x77: {  	v15 =	vshrl.u32 v17, $0x10;
	vm2 =	vmxor vm0, vm2  }
0x78: {  	v15 =	vand.u32 $0x1, v15;
	v7 =	vsel vm2, v13, v7;
	v11 =	vsel vm2, v11, v13  }
0x79: {  	v13 =	vadd.s32 v15, v17;
	v15 =	vadd.s32 v7, v11  }
0x7a: {  	v13 =	vadd.s32 $0x7FFF, v13;
	v15 =	vshrl.u32 v15, $0x1  }
0x7b: {  	v13 =	vand.u32 $0xFFFF0000, v13;
	v17 =	vcvt.s32.f32 v15  }
0x7c: {  	v13 =	vmul.f32 v13, v4  }
0x7d: {  	v17 =	vmul.f32 $2.442002590e-04, v17  }
0x7e: {  	v13 =	vadd.f32 v13, v6  }
0x7f: {  	s14 =	sadd.s32 $0x1, s30;
	v18 =	vshrl.u32 v17, $0x10  }
0x80: {  	s31 =	scvt.s32.f32 s14;
	vm2 =	vgt.f32 v13, $0.0e+00;
	v13 =	vand.u32 $0x1, v18  }
0x81: {  	vm2 =	vmxor vm1, vm2;
	v13 =	vadd.s32 v13, v17  }
0x82: {  	s15 =	smul.f32 $2.442002590e-04, s31;
	v12 =	vsel vm2, v16, v12;
	v13 =	vadd.s32 $0x7FFF, v13  }
0x83: {  	v14 =	vsel vm2, v14, v16;
	v16 =	vadd.s32 $0xFFFFFFFF, v12;
	v13 =	vand.u32 $0xFFFF0000, v13  }
0x84: {  	v17 =	vmov s15;
	v18 =	vxor.u32 v16, v14;
	v13 =	vmul.f32 v13, v4  }
0x85: {  	v17 =	vbroadcast v17, $0x0;
	v16 =	vor.u32 v16, v14;
	v18 =	vshrl.u32 v18, $0x1  }
0x86: {  	v16 =	vsub.s32 v16, v18;
	v13 =	vadd.f32 v13, v5  }
0x87: {  	v18 =	vshrl.u32 v17, $0x10;
	v19 =	vcvt.s32.f32 v16  }
0x88: {  	v18 =	vand.u32 $0x1, v18;
	vm2 =	vgt.f32 v13, $0.0e+00  }
0x89: {  	v13 =	vadd.s32 v18, v17;
	v17 =	vmul.f32 $2.442002590e-04, v19;
	vm2 =	vmxor vm0, vm2  }
0x8a: {  	v13 =	vadd.s32 $0x7FFF, v13;
	v18 =	vsel vm2, v15, v7;
	v11 =	vsel vm2, v11, v15  }
0x8b: {  	v7 =	vand.u32 $0xFFFF0000, v13;
	v13 =	vshrl.u32 v17, $0x10;
	v15 =	vadd.s32 v18, v11  }
0x8c: {  	v7 =	vmul.f32 v7, v8;
	v13 =	vand.u32 $0x1, v13;
	v15 =	vshrl.u32 v15, $0x1  }
0x8d: {  	v13 =	vadd.s32 v13, v17;
	v17 =	vcvt.s32.f32 v15  }
0x8e: {  	v7 =	vadd.f32 v7, v9;
	v13 =	vadd.s32 $0x7FFF, v13  }
0x8f: {  	v13 =	vand.u32 $0xFFFF0000, v13;
	v17 =	vmul.f32 $2.442002590e-04, v17  }
0x90: {  	v19 =	vadd.f32 v7, v10;
	v13 =	vmul.f32 v13, v4  }
0x91: {  	vm2 =	vgt.f32 v7, $0.0e+00;
	v20 =	vshrl.u32 v17, $0x10  }
0x92: {  	vm3 =	vgt.f32 v19, $0.0e+00;
	v13 =	vadd.f32 v13, v6;
	v19 =	vand.u32 $0x1, v20  }
0x93: {  	vm1 =	vmmov vm1;
	vm3 =	vmxor vm2, vm3;
	v17 =	vadd.s32 v19, v17  }
0x94: {  	v19 =	vsel vm3, $0x400, v3;
	vm4 =	vgt.f32 v13, $0.0e+00;
	v13 =	vadd.s32 $0x7FFF, v17  }
0x95: {  	v17 =	vcvt.s32.f32 v19;
	vm4 =	vmxor vm1, vm4;
	v13 =	vand.u32 $0xFFFF0000, v13  }
0x96: {  	v12 =	vsel vm4, v16, v12;
	v14 =	vsel vm4, v14, v16;
	v13 =	vmul.f32 v13, v4  }
0x97: {  	v16 =	vmul.f32 $2.442002590e-04, v17;
	v17 =	vxor.u32 v12, v14  }
0x98: {  	v20 =	vand.u32 v12, v14;
	v17 =	vshrl.u32 v17, $0x1;
	v13 =	vadd.f32 v13, v5  }
0x99: {  	v17 =	vadd.s32 v17, v20  }
0x9a: {  	v20 =	vshrl.u32 v16, $0x10;
	v21 =	vcvt.s32.f32 v17;
	vm4 =	vgt.f32 v13, $0.0e+00  }
0x9b: {  	v13 =	vand.u32 $0x1, v20;
	vm4 =	vmxor vm0, vm4  }
0x9c: {  	v20 =	vmul.f32 $2.442002590e-04, v21;
	v18 =	vsel vm4, v15, v18;
	v11 =	vsel vm4, v11, v15  }
0x9d: {  	v13 =	vadd.s32 v13, v16;
	v15 =	vadd.s32 v18, v11  }
0x9e: {  	v13 =	vadd.s32 $0x7FFF, v13;
	v16 =	vshrl.u32 v20, $0x10;
	v15 =	vshrl.u32 v15, $0x1  }
0x9f: {  	s18 =	sadd.s32 $0x1, s14;
	v13 =	vand.u32 $0xFFFF0000, v13;
	v16 =	vand.u32 $0x1, v16;
	v21 =	vcvt.s32.f32 v15  }
0xa0: {  	s14 =	scvt.s32.f32 s18;
	v13 =	vmul.f32 v13, v4;
	v16 =	vadd.s32 v16, v20  }
0xa1: {  	v16 =	vadd.s32 $0x7FFF, v16;
	v20 =	vmul.f32 $2.442002590e-04, v21  }
0xa2: {  	s14 =	smul.f32 $2.442002590e-04, s14;
	v13 =	vadd.f32 v13, v7;
	v16 =	vand.u32 $0xFFFF0000, v16  }
0xa3: {  	v16 =	vmul.f32 v16, v4;
	v21 =	vshrl.u32 v20, $0x10  }
0xa4: {  	v22 =	vmov s14;
	vm4 =	vgt.f32 v13, $0.0e+00;
	v13 =	vand.u32 $0x1, v21  }
0xa5: {  	vm4 =	vmxor vm2, vm4;
	v16 =	vadd.f32 v16, v6;
	v13 =	vadd.s32 v13, v20  }
0xa6: {  	v21 =	vsel vm3, $0x0, v2;
	v20 =	vsel vm3, $0x800, v1;
	v13 =	vadd.s32 $0x7FFF, v13  }
0xa7: {  	v21 =	vsel vm4, v21, v19;
	vm3 =	vgt.f32 v16, $0.0e+00;
	v13 =	vand.u32 $0xFFFF0000, v13  }
0xa8: {  	v19 =	vsel vm4, v19, v20;
	vm3 =	vmxor vm1, vm3;
	v13 =	vmul.f32 v13, v4  }
0xa9: {  	v16 =	vadd.s32 $0xFFFFFFFF, v19;
	v12 =	vsel vm3, v17, v12;
	v14 =	vsel vm3, v14, v17  }
0xaa: {  	v17 =	vxor.u32 v16, v21;
	v20 =	vadd.s32 v12, v14;
	v13 =	vadd.f32 v13, v5  }
0xab: {  	v16 =	vor.u32 v16, v21;
	v17 =	vshrl.u32 v17, $0x1;
	v20 =	vshrl.u32 v20, $0x1  }
0xac: {  	v23 =	vsub.s32 v16, v17;
	v16 =	vcvt.s32.f32 v20;
	vm3 =	vgt.f32 v13, $0.0e+00  }
0xad: {  	v17 =	vcvt.s32.f32 v23;
	v13 =	vbroadcast v22, $0x0;
	vm3 =	vmxor vm0, vm3  }
0xae: {  	v16 =	vmul.f32 $2.442002590e-04, v16;
	v18 =	vsel vm3, v15, v18;
	v15 =	vsel vm3, v11, v15  }
0xaf: {  	v17 =	vmul.f32 $2.442002590e-04, v17;
	v22 =	vadd.s32 v18, v15  }
0xb0: {  	v11 =	vshrl.u32 v13, $0x10;
	v24 =	vshrl.u32 v16, $0x10;
	v22 =	vshrl.u32 v22, $0x1  }
0xb1: {  	v11 =	vand.u32 $0x1, v11;
	v24 =	vand.u32 $0x1, v24;
	v25 =	vcvt.s32.f32 v22  }
0xb2: {  	v11 =	vadd.s32 v11, v13;
	v13 =	vadd.s32 v24, v16;
	v16 =	vshrl.u32 v17, $0x10  }
0xb3: {  	v16 =	vand.u32 $0x1, v16;
	v13 =	vadd.s32 $0x7FFF, v13;
	v24 =	vmul.f32 $2.442002590e-04, v25  }
0xb4: {  	v16 =	vadd.s32 v16, v17;
	v13 =	vand.u32 $0xFFFF0000, v13  }
0xb5: {  	v16 =	vadd.s32 $0x7FFF, v16;
	v13 =	vmul.f32 v13, v4;
	v17 =	vshrl.u32 v24, $0x10  }
0xb6: {  	v16 =	vand.u32 $0xFFFF0000, v16;
	v17 =	vand.u32 $0x1, v17  }
0xb7: {  	v16 =	vmul.f32 v16, v4;
	v13 =	vadd.f32 v13, v6;
	v17 =	vadd.s32 v17, v24  }
0xb8: {  	vm1 =	vmmov vm1;
	v11 =	vadd.s32 $0x7FFF, v11;
	v17 =	vadd.s32 $0x7FFF, v17  }
0xb9: {  	v16 =	vadd.f32 v16, v7;
	vm3 =	vgt.f32 v13, $0.0e+00;
	v13 =	vand.u32 $0xFFFF0000, v17  }
0xba: {  	v11 =	vand.u32 $0xFFFF0000, v11;
	vm3 =	vmxor vm1, vm3;
	v13 =	vmul.f32 v13, v4  }
0xbb: {  	vm4 =	vgt.f32 v16, $0.0e+00;
	v16 =	vsel vm3, v20, v12;
	v17 =	vsel vm3, v14, v20  }
0xbc: {  	v11 =	vmul.f32 v11, v8;
	vm3 =	vmxor vm2, vm4;
	v12 =	vadd.s32 v16, v17  }
0xbd: {  	v13 =	vadd.f32 v13, v5;
	v20 =	vsel vm3, v23, v19;
	v19 =	vshrl.u32 v12, $0x1  }
0xbe: {  	vm0 =	vmmov vm0;
	v12 =	vcvt.s32.f32 v19  }
0xbf: {  	v11 =	vadd.f32 v11, v9;
	v21 =	vsel vm3, v21, v23;
	vm3 =	vgt.f32 v13, $0.0e+00  }
0xc0: {  	v14 =	vadd.s32 $0xFFFFFFFF, v20;
	vm3 =	vmxor vm0, vm3;
	v24 =	vmul.f32 $2.442002590e-04, v12  }
0xc1: {  	v23 =	vor.u32 v14, v21;
	v13 =	vsel vm3, v22, v18;
	v12 =	vsel vm3, v15, v22  }
0xc2: {  	v14 =	vxor.u32 v14, v21;
	v15 =	vadd.s32 v13, v12;
	v18 =	vshrl.u32 v24, $0x10  }
0xc3: {  	v22 =	vshrl.u32 v14, $0x1;
	v14 =	vshrl.u32 v15, $0x1;
	v15 =	vand.u32 $0x1, v18  }
0xc4: {  	v22 =	vsub.s32 v23, v22;
	v18 =	vcvt.s32.f32 v14;
	v15 =	vadd.s32 v15, v24  }
0xc5: {  	v23 =	vadd.f32 v11, v10;
	v24 =	vcvt.s32.f32 v22;
	v25 =	vadd.s32 $0x7FFF, v15  }
0xc6: {  	vm3 =	vgt.f32 v11, $0.0e+00;
	v15 =	vmul.f32 $2.442002590e-04, v18;
	v18 =	vand.u32 $0xFFFF0000, v25  }
0xc7: {  	s16 =	simm.s32 $0x40;
	s19 =	simm.s32 $0x100;
	vm4 =	vgt.f32 v23, $0.0e+00;
	v24 =	vmul.f32 $2.442002590e-04, v24;
	v23 =	vmul.f32 v18, v4  }
0xc8: {  	s17 =	simm.s32 $0x0;
	s14 =	simm.s32 $0xC0;
	s15 =	simm.s32 $0x80;
	vm2 =	vmmov vm2;
	vm4 =	vmxor vm3, vm4;
	v18 =	vshrl.u32 v15, $0x10  }
.LBB2_2:
0xc9: {  	p0 =	sne.s32 s19, $0x1FC0;
	v25 =	vshrl.u32 v24, $0x10;
	v23 =	vadd.f32 v23, v6;
	v18 =	vand.u32 $0x1, v18  }
0xca: {  	v26 =	vsel vm4, $0x400, v3;
	v25 =	vand.u32 $0x1, v25;
	v15 =	vadd.s32 v18, v15  }
0xcb: {  	v18 =	vadd.s32 v25, v24;
	vm5 =	vgt.f32 v23, $0.0e+00;
	v15 =	vadd.s32 $0x7FFF, v15  }
0xcc: {  	s18 =	sadd.s32 $0x1, s18;
	v18 =	vadd.s32 $0x7FFF, v18;
	vm5 =	vmxor vm1, vm5;
	v15 =	vand.u32 $0xFFFF0000, v15  }
0xcd: {  	s20 =	scvt.s32.f32 s18;
	v16 =	vsel vm5, v19, v16;
	v17 =	vsel vm5, v17, v19;
	v15 =	vmul.f32 v15, v4  }
0xce: {  	v19 =	vcvt.s32.f32 v26;
	v18 =	vand.u32 $0xFFFF0000, v18;
	v23 =	vadd.s32 v16, v17  }
0xcf: {  	s20 =	smul.f32 $2.442002590e-04, s20;
	v18 =	vmul.f32 v18, v4;
	v23 =	vshrl.u32 v23, $0x1;
	v15 =	vadd.f32 v15, v5  }
0xd0: {  	v19 =	vmul.f32 $2.442002590e-04, v19;
	v24 =	vcvt.s32.f32 v23  }
0xd1: {  	v25 =	vmov s20;
	v18 =	vadd.f32 v18, v7;
	vm5 =	vgt.f32 v15, $0.0e+00  }
0xd2: {  	v15 =	vshrl.u32 v19, $0x10;
	v24 =	vmul.f32 $2.442002590e-04, v24;
	vm5 =	vmxor vm0, vm5  }
0xd3: {  	vm6 =	vgt.f32 v18, $0.0e+00;
	v13 =	vsel vm5, v14, v13;
	v12 =	vsel vm5, v12, v14  }
0xd4: {  	vm5 =	vmxor vm2, vm6;
	v14 =	vshrl.u32 v24, $0x10;
	v12 =	vadd.s32 v13, v12  }
0xd5: {  	v18 =	vsel vm5, v22, v20;
	v14 =	vand.u32 $0x1, v14;
	v12 =	vshrl.u32 v12, $0x1  }
0xd6: {  	v20 =	vsel vm5, v21, v22;
	v14 =	vadd.s32 v14, v24;
	v21 =	vcvt.s32.f32 v12  }
0xd7: {  	v22 =	vand.u32 v18, v20;
	v24 =	vxor.u32 v18, v20;
	v14 =	vadd.s32 $0x7FFF, v14  }
0xd8: {  	v24 =	vshrl.u32 v24, $0x1;
	v14 =	vand.u32 $0xFFFF0000, v14;
	v21 =	vmul.f32 $2.442002590e-04, v21  }
0xd9: {  	v15 =	vand.u32 $0x1, v15;
	v22 =	vadd.s32 v24, v22;
	v14 =	vmul.f32 v14, v4  }
0xda: {  	v15 =	vadd.s32 v15, v19;
	v19 =	vcvt.s32.f32 v22;
	v24 =	vshrl.u32 v21, $0x10  }
0xdb: {  	v15 =	vadd.s32 $0x7FFF, v15;
	v14 =	vadd.f32 v14, v6;
	v24 =	vand.u32 $0x1, v24  }
0xdc: {  	v15 =	vand.u32 $0xFFFF0000, v15;
	v19 =	vmul.f32 $2.442002590e-04, v19;
	v21 =	vadd.s32 v24, v21  }
0xdd: {  	v15 =	vmul.f32 v15, v4;
	vm5 =	vgt.f32 v14, $0.0e+00;
	v14 =	vadd.s32 $0x7FFF, v21  }
0xde: {  	v21 =	vshrl.u32 v19, $0x10;
	vm5 =	vmxor vm1, vm5;
	v14 =	vand.u32 $0xFFFF0000, v14  }
0xdf: {  	v16 =	vsel vm5, v23, v16;
	v17 =	vsel vm5, v17, v23;
	v14 =	vmul.f32 v14, v4  }
0xe0: {  	v15 =	vadd.f32 v15, v11;
	v21 =	vand.u32 $0x1, v21;
	v23 =	vadd.s32 v16, v17  }
0xe1: {  	v19 =	vadd.s32 v21, v19;
	v21 =	vshrl.u32 v23, $0x1;
	v14 =	vadd.f32 v14, v5;
	v5 =	vmovc v6;
	v6 =	vmovc v7  }
0xe2: {  	v19 =	vadd.s32 $0x7FFF, v19;
	v23 =	vbroadcast v25, $0x0;
	v7 =	vmovc v11;
	v24 =	vcvt.s32.f32 v21  }
0xe3: {  	vm5 =	vgt.f32 v15, $0.0e+00;
	v11 =	vand.u32 $0xFFFF0000, v19;
	vm6 =	vgt.f32 v14, $0.0e+00  }
0xe4: {  	v11 =	vmul.f32 v11, v4;
	v14 =	vmul.f32 $2.442002590e-04, v24;
	vm6 =	vmxor vm0, vm6  }
0xe5: {  	v15 =	vsel vm4, $0x0, v2;
	vm5 =	vmxor vm3, vm5;
	v12 =	vsel vm6, v12, v13  }
0xe6: {  	v11 =	vadd.f32 v11, v6;
	v13 =	vshrl.u32 v14, $0x10;
	v12 =	vxor.u32 $0x80000000, v12  }
0xe7: {  	v19 =	vsel vm4, $0x800, v1;
	v15 =	vsel vm5, v15, v26;
	v13 =	vand.u32 $0x1, v13;
	(xrf1) =	vsort.ascd.msk.u32 $0xffff, v12, v0  }
0xe8: {  	vm4 =	vgt.f32 v11, $0.0e+00;
	v12 =	vsel vm5, v26, v19;
	v11 =	vadd.s32 v13, v14  }
0xe9: {  	vm4 =	vmxor vm2, vm4;
	v13 =	vadd.s32 $0xFFFFFFFF, v12;
	v11 =	vadd.s32 $0x7FFF, v11  }
0xea: {  	v14 =	vsel vm4, v22, v18;
	v18 =	vsel vm4, v20, v22;
	v11 =	vand.u32 $0xFFFF0000, v11  }
0xeb: {  	v19 =	vxor.u32 v13, v15;
	v20 =	vadd.s32 v14, v18;
	v11 =	vmul.f32 v11, v4  }
0xec: {  	v13 =	vor.u32 v13, v15;
	v19 =	vshrl.u32 v19, $0x1;
	v20 =	vshrl.u32 v20, $0x1  }
0xed: {  	v13 =	vsub.s32 v13, v19;
	v19 =	vcvt.s32.f32 v20;
	v11 =	vadd.f32 v11, v5  }
0xee: {  	v22 =	vshrl.u32 v23, $0x10;
	v24 =	vcvt.s32.f32 v13  }
0xef: {  	v22 =	vand.u32 $0x1, v22;
	v19 =	vmul.f32 $2.442002590e-04, v19;
	vm4 =	vgt.f32 v11, $0.0e+00  }
0xf0: {  	v11 =	vadd.s32 v22, v23;
	v22 =	vmul.f32 $2.442002590e-04, v24;
	vm4 =	vmxor vm1, vm4  }
0xf1: {  	v23 =	vshrl.u32 v19, $0x10;
	v24 =	vsel vm4, v21, v16;
	v25 =	vsel vm4, v17, v21  }
0xf2: {  	v27 =	vnsel vm0, $0x0, v0;
	v16 =	vand.u32 $0x1, v23;
	v17 =	vadd.s32 v24, v25  }
0xf3: {  	v23 =	vshrl.u32 v22, $0x10;
	v16 =	vadd.s32 v16, v19;
	v26 =	vshrl.u32 v17, $0x1  }
0xf4: {  	v17 =	vand.u32 $0x1, v23;
	v16 =	vadd.s32 $0x7FFF, v16;
	v19 =	vcvt.s32.f32 v26;
	(xrf0) =	vadd.scan.msk.s32 $0xffff, v27  }
0xf5: {  	v11 =	vadd.s32 $0x7FFF, v11;
	v17 =	vadd.s32 v17, v22;
	v16 =	vand.u32 $0xFFFF0000, v16;
	v22, v21, _ =	vpop (xrf1)  }
0xf6: {  	v17 =	vadd.s32 $0x7FFF, v17;
	v16 =	vmul.f32 v16, v4;
	v19 =	vmul.f32 $2.442002590e-04, v19;
	(xrf0) =	vadd.scan.msk.s32 $0xffff, v21  }
0xf7: {  	vm0 =	vmmov vm1;
	v11 =	vand.u32 $0xFFFF0000, v11;
	v17 =	vand.u32 $0xFFFF0000, v17  }
0xf8: {  	v17 =	vmul.f32 v17, v4;
	v16 =	vadd.f32 v16, v6;
	v23 =	vshrl.u32 v19, $0x10  }
0xf9: {  	vm1 =	vmmov vm2;
	v11 =	vmul.f32 v11, v8;
	v23 =	vand.u32 $0x1, v23  }
0xfa: {  	v17 =	vadd.f32 v17, v7;
	vm2 =	vgt.f32 v16, $0.0e+00;
	v16 =	vadd.s32 v23, v19;
	v19, _, _ =	vpop (xrf0)  }
0xfb: {  	vm2 =	vmxor vm1, vm2;
	v27 =	vadd.s32 $0x7FFF, v16;
	v19 =	vbroadcast v19, $0xF  }
0xfc: {  	vm4 =	vgt.f32 v17, $0.0e+00;
	v16 =	vsel vm2, v20, v14;
	v14 =	vand.u32 $0xFFFF0000, v27;
	v23, _, _ =	vpop (xrf0)  }
0xfd: {  	v17 =	vsel vm2, v18, v20;
	v14 =	vmul.f32 v14, v4;
	v18 =	vsub.s32 v23, v21  }
0xfe: {  	vm2 =	vmxor vm3, vm4;
	v21 =	vadd.s32 v16, v17;
	v18 =	vxor.u32 v19, v18  }
0xff: {  	v20 =	vsel vm2, v13, v12;
	v19 =	vshrl.u32 v21, $0x1;
	v12 =	vadd.f32 v14, v5  }
0x100: {  	v21 =	vsel vm2, v15, v13;
	v14 =	vadd.s32 $0xFFFFFFFF, v20;
	v13 =	vcvt.s32.f32 v19  }
0x101: {  	v11 =	vadd.f32 v11, v9;
	v15 =	vor.u32 v14, v21;
	vm2 =	vgt.f32 v12, $0.0e+00  }
0x102: {  	s20 =	sshra.s32 s17, $0x2;
	s17 =	smov.u32 s16;
	s16 =	smov.u32 s15;
	v22 =	vxor.u32 $0x80000000, v22;
	v23 =	vmul.f32 $2.442002590e-04, v13;
	vm2 =	vmxor vm0, vm2  }
0x103: {  	s15 =	smov.u32 s14;
	s14 =	smov.u32 s19;
	v13 =	vsel vm2, v26, v24;
	v12 =	vsel vm2, v25, v26;
	v18 =	vld.idx.msk [tilespmem:v18+s3+$0x0], $0xffff;
	[tilespmem:s20+$0x480] =	vst v22;
	vm2 =	vmmov vm3  }
0x104: {  	v14 =	vxor.u32 v14, v21;
	v22 =	vshrl.u32 v23, $0x10;
	v24 =	vadd.s32 v13, v12  }
0x105: {  	v25 =	vshrl.u32 v14, $0x1;
	v26 =	vand.u32 $0x1, v22;
	v14 =	vshrl.u32 v24, $0x1  }
.Ltmp0:
0x106: {  	v22 =	vsub.s32 v15, v25;
	v15 =	vadd.s32 v26, v23;
	v23 =	vcvt.s32.f32 v14;
	(pc) =	sbr.rel @p0 .LBB2_2-.Ltmp0, $4  }
0x107: {  	v24 =	vadd.f32 v11, v10;
	v25 =	vcvt.s32.f32 v22;
	v15 =	vadd.s32 $0x7FFF, v15  }
0x108: {  	vm3 =	vgt.f32 v11, $0.0e+00;
	v26 =	vand.u32 $0xFFFF0000, v15;
	v15 =	vmul.f32 $2.442002590e-04, v23  }
0x109: {  	vm4 =	vgt.f32 v24, $0.0e+00;
	v24 =	vmul.f32 $2.442002590e-04, v25;
	v23 =	vmul.f32 v26, v4;
	[tilespmem:s20+$0xC80] =	vst v18  }
0x10a: {  	s19 =	sadd.s32 $0x40, s19;
	vm4 =	vmxor vm3, vm4;
	v18 =	vshrl.u32 v15, $0x10  }
0x10b: {  	v8 =	vsel vm4, $0x400, v3  }
0x10c: {  	v9 =	vcvt.s32.f32 v8;
	_ =	sdelay $0x1  }
0x10d: {  	v9 =	vmul.f32 $2.442002590e-04, v9;
	_ =	sdelay $0x1  }
0x10e: {  	v10 =	vshrl.u32 v9, $0x10  }
0x10f: {  	v10 =	vand.u32 $0x1, v10  }
0x110: {  	v9 =	vadd.s32 v10, v9  }
0x111: {  	v9 =	vadd.s32 $0x7FFF, v9  }
0x112: {  	v9 =	vand.u32 $0xFFFF0000, v9  }
0x113: {  	v9 =	vmul.f32 v9, v4;
	_ =	sdelay $0x1  }
0x114: {  	v9 =	vadd.f32 v9, v11;
	_ =	sdelay $0x1  }
0x115: {  	vm5 =	vgt.f32 v9, $0.0e+00  }
0x116: {  	v29 =	vsel vm4, $0x800, v1;
	vm5 =	vmxor vm3, vm5  }
0x117: {  	v30 =	vsel vm4, $0x0, v2;
	v9 =	vsel vm5, v8, v29  }
0x118: {  	v8 =	vsel vm5, v30, v8;
	v31 =	vadd.s32 $0xFFFFFFFF, v9  }
0x119: {  	v25 =	vxor.u32 v31, v8  }
0x11a: {  	v10 =	vor.u32 v31, v8;
	v25 =	vshrl.u32 v25, $0x1  }
0x11b: {  	v10 =	vsub.s32 v10, v25  }
0x11c: {  	v25 =	vcvt.s32.f32 v10;
	_ =	sdelay $0x1  }
0x11d: {  	v25 =	vmul.f32 $2.442002590e-04, v25;
	_ =	sdelay $0x1  }
0x11e: {  	v26 =	vshrl.u32 v25, $0x10  }
0x11f: {  	v26 =	vand.u32 $0x1, v26  }
0x120: {  	v25 =	vadd.s32 v26, v25  }
0x121: {  	v25 =	vadd.s32 $0x7FFF, v25  }
0x122: {  	v25 =	vand.u32 $0xFFFF0000, v25  }
0x123: {  	v25 =	vmul.f32 v25, v4;
	_ =	sdelay $0x1  }
0x124: {  	v25 =	vadd.f32 v25, v11;
	_ =	sdelay $0x1  }
0x125: {  	vm11 =	vgt.f32 v25, $0.0e+00  }
0x126: {  	vm4 =	vmxor vm3, vm11  }
0x127: {  	v9 =	vsel vm4, v10, v9  }
0x128: {  	v34 =	vshrl.u32 v24, $0x10;
	v8 =	vsel vm4, v8, v10;
	v32 =	vadd.s32 $0xFFFFFFFF, v9  }
0x129: {  	v35 =	vand.u32 $0x1, v34;
	v33 =	vxor.u32 v32, v8  }
0x12a: {  	v37 =	vadd.s32 v35, v24;
	v10 =	vor.u32 v32, v8;
	v25 =	vshrl.u32 v33, $0x1  }
0x12b: {  	v24 =	vadd.s32 $0x7FFF, v37;
	v10 =	vsub.s32 v10, v25  }
0x12c: {  	v24 =	vand.u32 $0xFFFF0000, v24;
	v36 =	vcvt.s32.f32 v10  }
0x12d: {  	v24 =	vmul.f32 v24, v4  }
0x12e: {  	v38 =	vmul.f32 $2.442002590e-04, v36  }
0x12f: {  	v24 =	vadd.f32 v24, v7  }
0x130: {  	v26 =	vshrl.u32 v38, $0x10  }
0x131: {  	vm12 =	vgt.f32 v24, $0.0e+00;
	v26 =	vand.u32 $0x1, v26  }
0x132: {  	vm4 =	vmxor vm2, vm12;
	v25 =	vadd.s32 v26, v38  }
0x133: {  	v20 =	vsel vm4, v22, v20;
	v21 =	vsel vm4, v21, v22;
	v25 =	vadd.s32 $0x7FFF, v25  }
0x134: {  	v22 =	vxor.u32 v20, v21;
	v39 =	vand.u32 $0xFFFF0000, v25  }
0x135: {  	v40 =	vand.u32 v20, v21;
	v22 =	vshrl.u32 v22, $0x1;
	v24 =	vmul.f32 v39, v4  }
0x136: {  	v22 =	vadd.s32 v22, v40  }
0x137: {  	v41 =	vcvt.s32.f32 v22;
	v24 =	vadd.f32 v24, v11;
	_ =	sdelay $0x1  }
0x138: {  	vm13 =	vmmov vm3;
	v42 =	vmul.f32 $2.442002590e-04, v41;
	vm14 =	vgt.f32 v24, $0.0e+00  }
0x139: {  	vm3 =	vmxor vm13, vm14  }
0x13a: {  	v45 =	vshrl.u32 v42, $0x10;
	v9 =	vsel vm3, v10, v9;
	v8 =	vsel vm3, v8, v10  }
0x13b: {  	v46 =	vand.u32 $0x1, v45;
	v43 =	vxor.u32 v9, v8  }
0x13c: {  	v10 =	vadd.s32 v46, v42;
	v44 =	vand.u32 v9, v8;
	v24 =	vshrl.u32 v43, $0x1  }
0x13d: {  	v10 =	vadd.s32 $0x7FFF, v10;
	v24 =	vadd.s32 v24, v44  }
0x13e: {  	v10 =	vand.u32 $0xFFFF0000, v10;
	v47 =	vcvt.s32.f32 v24  }
0x13f: {  	v10 =	vmul.f32 v10, v4  }
0x140: {  	v48 =	vmul.f32 $2.442002590e-04, v47  }
0x141: {  	v10 =	vadd.f32 v10, v7  }
0x142: {  	v26 =	vshrl.u32 v48, $0x10  }
0x143: {  	vm15 =	vgt.f32 v10, $0.0e+00;
	v26 =	vand.u32 $0x1, v26  }
0x144: {  	vm3 =	vmxor vm2, vm15;
	v25 =	vadd.s32 v26, v48  }
0x145: {  	v20 =	vsel vm3, v22, v20;
	v21 =	vsel vm3, v21, v22;
	v25 =	vadd.s32 $0x7FFF, v25  }
0x146: {  	v22 =	vadd.s32 v20, v21;
	v49 =	vand.u32 $0xFFFF0000, v25  }
0x147: {  	v22 =	vshrl.u32 v22, $0x1;
	v10 =	vmul.f32 v49, v4  }
0x148: {  	v50 =	vcvt.s32.f32 v22  }
0x149: {  	v10 =	vadd.f32 v10, v11  }
0x14a: {  	v51 =	vmul.f32 $2.442002590e-04, v50  }
0x14b: {  	vm6 =	vgt.f32 v10, $0.0e+00  }
0x14c: {  	v25 =	vshrl.u32 v51, $0x10;
	vm3 =	vmxor vm13, vm6  }
0x14d: {  	v25 =	vand.u32 $0x1, v25;
	v9 =	vsel vm3, v24, v9;
	v8 =	vsel vm3, v8, v24  }
0x14e: {  	v10 =	vadd.s32 v25, v51;
	v24 =	vadd.s32 v9, v8  }
0x14f: {  	v10 =	vadd.s32 $0x7FFF, v10;
	v24 =	vshrl.u32 v24, $0x1  }
0x150: {  	v10 =	vand.u32 $0xFFFF0000, v10;
	v52 =	vcvt.s32.f32 v24  }
0x151: {  	v10 =	vmul.f32 v10, v4  }
0x152: {  	v53 =	vmul.f32 $2.442002590e-04, v52  }
0x153: {  	v10 =	vadd.f32 v10, v7  }
0x154: {  	v26 =	vshrl.u32 v53, $0x10  }
0x155: {  	vm3 =	vmmov vm2;
	vm7 =	vgt.f32 v10, $0.0e+00;
	v26 =	vand.u32 $0x1, v26  }
0x156: {  	vm2 =	vmxor vm3, vm7;
	v25 =	vadd.s32 v26, v53  }
0x157: {  	v20 =	vsel vm2, v22, v20;
	v21 =	vsel vm2, v21, v22;
	v25 =	vadd.s32 $0x7FFF, v25  }
0x158: {  	v23 =	vadd.f32 v23, v6;
	v22 =	vadd.s32 v20, v21;
	v54 =	vand.u32 $0xFFFF0000, v25  }
0x159: {  	v55 =	vshrl.u32 v22, $0x1;
	v10 =	vmul.f32 v54, v4  }
0x15a: {  	vm8 =	vgt.f32 v23, $0.0e+00;
	v22 =	vcvt.s32.f32 v55  }
0x15b: {  	vm9 =	vmxor vm1, vm8;
	v10 =	vadd.f32 v10, v11  }
0x15c: {  	v16 =	vsel vm9, v19, v16;
	v22 =	vmul.f32 $2.442002590e-04, v22  }
0x15d: {  	v17 =	vsel vm9, v17, v19;
	vm2 =	vmmov vm13;
	vm10 =	vgt.f32 v10, $0.0e+00  }
0x15e: {  	v56 =	vadd.s32 v16, v17;
	v59 =	vshrl.u32 v22, $0x10;
	vm4 =	vmxor vm2, vm10  }
0x15f: {  	v10 =	vshrl.u32 v56, $0x1;
	v9 =	vsel vm4, v24, v9;
	v8 =	vsel vm4, v8, v24  }
0x160: {  	v25 =	vand.u32 $0x1, v59;
	v58 =	vcvt.s32.f32 v10;
	v57 =	vadd.s32 v9, v8  }
0x161: {  	v22 =	vadd.s32 v25, v22;
	v23 =	vshrl.u32 v57, $0x1  }
0x162: {  	v22 =	vadd.s32 $0x7FFF, v22;
	v24 =	vmul.f32 $2.442002590e-04, v58;
	v60 =	vcvt.s32.f32 v23  }
0x163: {  	v22 =	vand.u32 $0xFFFF0000, v22  }
0x164: {  	v22 =	vmul.f32 v22, v4;
	v62 =	vshrl.u32 v24, $0x10;
	v61 =	vmul.f32 $2.442002590e-04, v60  }
0x165: {  	v26 =	vand.u32 $0x1, v62  }
0x166: {  	v22 =	vadd.f32 v22, v7;
	v24 =	vadd.s32 v26, v24;
	v27 =	vshrl.u32 v61, $0x10  }
0x167: {  	v24 =	vadd.s32 $0x7FFF, v24;
	v63 =	vand.u32 $0x1, v27  }
0x168: {  	vm11 =	vgt.f32 v22, $0.0e+00;
	v24 =	vand.u32 $0xFFFF0000, v24;
	v25 =	vadd.s32 v63, v61  }
0x169: {  	vm4 =	vmxor vm3, vm11;
	v24 =	vmul.f32 v24, v4;
	v25 =	vadd.s32 $0x7FFF, v25  }
0x16a: {  	v20 =	vsel vm4, v55, v20;
	v19 =	vsel vm4, v21, v55;
	v28 =	vand.u32 $0xFFFF0000, v25  }
0x16b: {  	v21 =	vadd.s32 v20, v19;
	v22 =	vmul.f32 v28, v4  }
0x16c: {  	v24 =	vadd.f32 v24, v6;
	v21 =	vshrl.u32 v21, $0x1  }
0x16d: {  	v29 =	vcvt.s32.f32 v21;
	v22 =	vadd.f32 v22, v11  }
0x16e: {  	vm12 =	vgt.f32 v24, $0.0e+00  }
0x16f: {  	vm4 =	vmxor vm1, vm12;
	v30 =	vmul.f32 $2.442002590e-04, v29;
	vm13 =	vgt.f32 v22, $0.0e+00  }
0x170: {  	v16 =	vsel vm4, v10, v16;
	v10 =	vsel vm4, v17, v10;
	vm14 =	vmxor vm2, vm13  }
0x171: {  	v31 =	vadd.s32 v16, v10;
	v9 =	vsel vm14, v23, v9;
	v8 =	vsel vm14, v8, v23  }
0x172: {  	v24 =	vshrl.u32 v30, $0x10;
	v22 =	vshrl.u32 v31, $0x1;
	v23 =	vadd.s32 v9, v8  }
0x173: {  	v24 =	vand.u32 $0x1, v24;
	v32 =	vcvt.s32.f32 v22;
	v23 =	vshrl.u32 v23, $0x1  }
0x174: {  	v17 =	vadd.s32 v24, v30;
	v33 =	vcvt.s32.f32 v23  }
0x175: {  	v17 =	vadd.s32 $0x7FFF, v17;
	v34 =	vmul.f32 $2.442002590e-04, v32  }
0x176: {  	v17 =	vand.u32 $0xFFFF0000, v17;
	v35 =	vmul.f32 $2.442002590e-04, v33  }
0x177: {  	v17 =	vmul.f32 v17, v4;
	v36 =	vshrl.u32 v34, $0x10  }
0x178: {  	v26 =	vand.u32 $0x1, v36;
	v37 =	vshrl.u32 v35, $0x10  }
0x179: {  	v17 =	vadd.f32 v17, v7;
	v24 =	vadd.s32 v26, v34;
	v27 =	vand.u32 $0x1, v37  }
0x17a: {  	v24 =	vadd.s32 $0x7FFF, v24;
	v25 =	vadd.s32 v27, v35  }
0x17b: {  	vm15 =	vgt.f32 v17, $0.0e+00;
	v24 =	vand.u32 $0xFFFF0000, v24;
	v25 =	vadd.s32 $0x7FFF, v25  }
0x17c: {  	vm4 =	vmxor vm3, vm15;
	v24 =	vmul.f32 v24, v4;
	v38 =	vand.u32 $0xFFFF0000, v25  }
0x17d: {  	v20 =	vsel vm4, v21, v20;
	v19 =	vsel vm4, v19, v21;
	v17 =	vmul.f32 v38, v4  }
0x17e: {  	v40 =	vadd.s32 v20, v19  }
0x17f: {  	v39 =	vadd.f32 v24, v6;
	v24 =	vshrl.u32 v40, $0x1;
	v17 =	vadd.f32 v17, v11  }
0x180: {  	v41 =	vcvt.s32.f32 v24  }
0x181: {  	vm9 =	vgt.f32 v17, $0.0e+00  }
0x182: {  	v18 =	vand.u32 $0x1, v18;
	v42 =	vmul.f32 $2.442002590e-04, v41;
	vm5 =	vmxor vm2, vm9  }
0x183: {  	vm8 =	vgt.f32 v39, $0.0e+00;
	v9 =	vsel vm5, v23, v9;
	v8 =	vsel vm5, v8, v23  }
0x184: {  	vm4 =	vmxor vm1, vm8;
	v44 =	vshrl.u32 v42, $0x10;
	v43 =	vadd.s32 v9, v8  }
0x185: {  	v16 =	vsel vm4, v22, v16;
	v23 =	vand.u32 $0x1, v44;
	v21 =	vshrl.u32 v43, $0x1  }
0x186: {  	v10 =	vsel vm4, v10, v22;
	v17 =	vadd.s32 v23, v42;
	v45 =	vcvt.s32.f32 v21  }
0x187: {  	v15 =	vadd.s32 v18, v15;
	v22 =	vadd.s32 v16, v10;
	v17 =	vadd.s32 $0x7FFF, v17  }
0x188: {  	v22 =	vshrl.u32 v22, $0x1;
	v17 =	vand.u32 $0xFFFF0000, v17;
	v47 =	vmul.f32 $2.442002590e-04, v45  }
0x189: {  	v15 =	vadd.s32 $0x7FFF, v15;
	v46 =	vcvt.s32.f32 v22;
	v17 =	vmul.f32 v17, v4  }
0x18a: {  	v15 =	vand.u32 $0xFFFF0000, v15;
	v49 =	vshrl.u32 v47, $0x10  }
0x18b: {  	v48 =	vmul.f32 $2.442002590e-04, v46;
	v17 =	vadd.f32 v17, v7;
	v26 =	vand.u32 $0x1, v49  }
0x18c: {  	v15 =	vmul.f32 v15, v4;
	v23 =	vadd.s32 v26, v47  }
0x18d: {  	v50 =	vshrl.u32 v48, $0x10;
	vm10 =	vgt.f32 v17, $0.0e+00;
	v23 =	vadd.s32 $0x7FFF, v23  }
0x18e: {  	v18 =	vand.u32 $0x1, v50;
	vm4 =	vmxor vm3, vm10;
	v51 =	vand.u32 $0xFFFF0000, v23  }
0x18f: {  	v20 =	vsel vm4, v24, v20;
	v19 =	vsel vm4, v19, v24;
	v17 =	vmul.f32 v51, v4  }
0x190: {  	v15 =	vadd.f32 v15, v5;
	v18 =	vadd.s32 v18, v48;
	v52 =	vadd.s32 v20, v19  }
0x191: {  	v18 =	vadd.s32 $0x7FFF, v18;
	v23 =	vshrl.u32 v52, $0x1;
	v17 =	vadd.f32 v17, v11  }
0x192: {  	vm12 =	vgt.f32 v15, $0.0e+00;
	v18 =	vand.u32 $0xFFFF0000, v18;
	v53 =	vcvt.s32.f32 v23  }
0x193: {  	vm13 =	vmxor vm0, vm12;
	v18 =	vmul.f32 v18, v4;
	vm11 =	vgt.f32 v17, $0.0e+00  }
0x194: {  	v13 =	vsel vm13, v14, v13;
	v17 =	vmul.f32 $2.442002590e-04, v53;
	vm4 =	vmxor vm2, vm11  }
0x195: {  	v54 =	vadd.f32 v18, v6;
	v9 =	vsel vm4, v21, v9;
	v8 =	vsel vm4, v8, v21  }
0x196: {  	vm1 =	vmmov vm1;
	v56 =	vshrl.u32 v17, $0x10;
	v55 =	vadd.s32 v9, v8  }
0x197: {  	vm14 =	vgt.f32 v54, $0.0e+00;
	v15 =	vand.u32 $0x1, v56;
	v18 =	vshrl.u32 v55, $0x1  }
0x198: {  	vm5 =	vmxor vm1, vm14;
	v15 =	vadd.s32 v15, v17;
	v57 =	vcvt.s32.f32 v18  }
0x199: {  	v16 =	vsel vm5, v22, v16;
	v10 =	vsel vm5, v10, v22;
	v15 =	vadd.s32 $0x7FFF, v15  }
0x19a: {  	v59 =	vadd.s32 v16, v10;
	v15 =	vand.u32 $0xFFFF0000, v15;
	v58 =	vmul.f32 $2.442002590e-04, v57  }
0x19b: {  	v12 =	vsel vm13, v12, v14;
	v14 =	vshrl.u32 v59, $0x1;
	v15 =	vmul.f32 v15, v4  }
0x19c: {  	v12 =	vadd.s32 v13, v12;
	v60 =	vcvt.s32.f32 v14;
	v21 =	vshrl.u32 v58, $0x10  }
0x19d: {  	v12 =	vshrl.u32 v12, $0x1;
	v15 =	vadd.f32 v15, v7;
	v21 =	vand.u32 $0x1, v21  }
0x19e: {  	v61 =	vcvt.s32.f32 v12;
	v22 =	vmul.f32 $2.442002590e-04, v60;
	v17 =	vadd.s32 v21, v58  }
0x19f: {  	vm3 =	vmmov vm3;
	vm15 =	vgt.f32 v15, $0.0e+00;
	v17 =	vadd.s32 $0x7FFF, v17  }
0x1a0: {  	v24 =	vshrl.u32 v22, $0x10;
	vm4 =	vmxor vm3, vm15;
	v62 =	vand.u32 $0xFFFF0000, v17  }
0x1a1: {  	v20 =	vsel vm4, v23, v20;
	v19 =	vsel vm4, v19, v23;
	v15 =	vmul.f32 v62, v4  }
0x1a2: {  	v63 =	vmul.f32 $2.442002590e-04, v61;
	v21 =	vand.u32 $0x1, v24;
	v23 =	vadd.s32 v20, v19  }
0x1a3: {  	v21 =	vadd.s32 v21, v22;
	v25 =	vshrl.u32 v23, $0x1;
	v15 =	vadd.f32 v15, v11  }
0x1a4: {  	v26 =	vshrl.u32 v63, $0x10;
	v21 =	vadd.s32 $0x7FFF, v21;
	v27 =	vcvt.s32.f32 v25  }
0x1a5: {  	vm2 =	vmmov vm2;
	v21 =	vand.u32 $0xFFFF0000, v21;
	vm8 =	vgt.f32 v15, $0.0e+00  }
0x1a6: {  	v23 =	vand.u32 $0x1, v26;
	v15 =	vmul.f32 $2.442002590e-04, v27;
	vm4 =	vmxor vm2, vm8  }
0x1a7: {  	v21 =	vmul.f32 v21, v4;
	v9 =	vsel vm4, v18, v9;
	v8 =	vsel vm4, v8, v18  }
0x1a8: {  	v17 =	vadd.s32 v23, v63;
	v28 =	vshrl.u32 v15, $0x10;
	v29 =	vadd.s32 v9, v8  }
0x1a9: {  	v21 =	vadd.f32 v21, v6;
	v18 =	vand.u32 $0x1, v28;
	v23 =	vshrl.u32 v29, $0x1  }
0x1aa: {  	v17 =	vadd.s32 $0x7FFF, v17;
	v15 =	vadd.s32 v18, v15;
	v30 =	vcvt.s32.f32 v23  }
0x1ab: {  	v17 =	vand.u32 $0xFFFF0000, v17;
	vm9 =	vgt.f32 v21, $0.0e+00;
	v15 =	vadd.s32 $0x7FFF, v15  }
0x1ac: {  	vm4 =	vmxor vm1, vm9;
	v15 =	vand.u32 $0xFFFF0000, v15;
	v18 =	vmul.f32 $2.442002590e-04, v30  }
0x1ad: {  	v16 =	vsel vm4, v14, v16;
	v10 =	vsel vm4, v10, v14;
	v31 =	vmul.f32 v15, v4  }
0x1ae: {  	v32 =	vmul.f32 v17, v4;
	v10 =	vadd.s32 v16, v10;
	v33 =	vshrl.u32 v18, $0x10  }
0x1af: {  	v10 =	vshrl.u32 v10, $0x1;
	v14 =	vadd.f32 v31, v7;
	v17 =	vand.u32 $0x1, v33  }
0x1b0: {  	v34 =	vcvt.s32.f32 v10;
	v17 =	vadd.s32 v17, v18  }
0x1b1: {  	v5 =	vadd.f32 v32, v5;
	vm10 =	vgt.f32 v14, $0.0e+00;
	v35 =	vadd.s32 $0x7FFF, v17  }
0x1b2: {  	v36 =	vmul.f32 $2.442002590e-04, v34;
	vm4 =	vmxor vm3, vm10;
	v14 =	vand.u32 $0xFFFF0000, v35  }
0x1b3: {  	v37 =	vsel vm4, v25, v20;
	v38 =	vsel vm4, v19, v25;
	v14 =	vmul.f32 v14, v4  }
0x1b4: {  	vm11 =	vgt.f32 v5, $0.0e+00;
	v5 =	vshrl.u32 v36, $0x10;
	v18 =	vadd.s32 v37, v38  }
0x1b5: {  	v5 =	vand.u32 $0x1, v5;
	v18 =	vshrl.u32 v18, $0x1;
	v14 =	vadd.f32 v14, v11  }
0x1b6: {  	v5 =	vadd.s32 v5, v36;
	vm4 =	vmxor vm0, vm11;
	v39 =	vcvt.s32.f32 v18  }
0x1b7: {  	v5 =	vadd.s32 $0x7FFF, v5;
	v12 =	vsel vm4, v12, v13;
	vm12 =	vgt.f32 v14, $0.0e+00  }
0x1b8: {  	v5 =	vand.u32 $0xFFFF0000, v5;
	v40 =	vmul.f32 $2.442002590e-04, v39;
	vm4 =	vmxor vm2, vm12  }
0x1b9: {  	v5 =	vmul.f32 v5, v4;
	v9 =	vsel vm4, v23, v9;
	v8 =	vsel vm4, v8, v23  }
0x1ba: {  	v12 =	vxor.u32 $0x80000000, v12;
	v41 =	vshrl.u32 v40, $0x10;
	v8 =	vadd.s32 v9, v8  }
0x1bb: {  	v5 =	vadd.f32 v5, v6;
	v42 =	vand.u32 $0x1, v41;
	v8 =	vshrl.u32 v8, $0x1  }
0x1bc: {  	(xrf1) =	vsort.ascd.msk.u32 $0xffff, v12, v0;
	v6 =	vadd.s32 v42, v40;
	v43 =	vcvt.s32.f32 v8  }
0x1bd: {  	vm13 =	vgt.f32 v5, $0.0e+00;
	v5 =	vadd.s32 $0x7FFF, v6  }
0x1be: {  	v5 =	vand.u32 $0xFFFF0000, v5;
	v44 =	vmul.f32 $2.442002590e-04, v43  }
0x1bf: {  	vm4 =	vmxor vm1, vm13;
	v5 =	vmul.f32 v5, v4  }
0x1c0: {  	v10 =	vsel vm4, v10, v16;
	v12 =	vshrl.u32 v44, $0x10  }
0x1c1: {  	v10 =	vxor.u32 $0x80000000, v10;
	v5 =	vadd.f32 v5, v7;
	v45 =	vand.u32 $0x1, v12  }
0x1c2: {  	(xrf1) =	vsort.ascd.msk.u32 $0xffff, v10, v0;
	v6 =	vadd.s32 v45, v44  }
0x1c3: {  	vm14 =	vgt.f32 v5, $0.0e+00;
	v5 =	vadd.s32 $0x7FFF, v6  }
0x1c4: {  	v5 =	vand.u32 $0xFFFF0000, v5  }
0x1c5: {  	vm4 =	vmxor vm3, vm14;
	v4 =	vmul.f32 v5, v4  }
0x1c6: {  	v46 =	vsel vm4, v18, v37  }
0x1c7: {  	v5 =	vxor.u32 $0x80000000, v46;
	v4 =	vadd.f32 v4, v11  }
0x1c8: {  	v47 =	vnsel vm0, $0x0, v0;
	(xrf1) =	vsort.ascd.msk.u32 $0xffff, v5, v0  }
0x1c9: {  	(xrf0) =	vadd.scan.msk.s32 $0xffff, v47;
	vm15 =	vgt.f32 v4, $0.0e+00  }
0x1ca: {  	v5, v48, _ =	vpop (xrf1);
	vm0 =	vmxor vm2, vm15  }
0x1cb: {  	(xrf0) =	vadd.scan.msk.s32 $0xffff, v48;
	v4 =	vsel vm0, v8, v9  }
0x1cc: {  	v4 =	vxor.u32 $0x80000000, v4;
	_ =	sdelay $0x1  }
0x1cd: {  	v49 =	vnsel vm1, $0x0, v0;
	(xrf1) =	vsort.ascd.msk.u32 $0xffff, v4, v0  }
0x1ce: {  	v4, _, _ =	vpop (xrf0);
	(xrf0) =	vadd.scan.msk.s32 $0xffff, v49  }
0x1cf: {  	v51, v50, _ =	vpop (xrf1)  }
0x1d0: {  	v4 =	vbroadcast v4, $0xF;
	v52, _, _ =	vpop (xrf0);
	(xrf0) =	vadd.scan.msk.s32 $0xffff, v50  }
0x1d1: {  	v6 =	vsub.s32 v52, v48  }
0x1d2: {  	v4 =	vxor.u32 v4, v6  }
0x1d3: {  	v53 =	vnsel vm3, $0x0, v0  }
0x1d4: {  	v54, _, _ =	vpop (xrf0);
	(xrf0) =	vadd.scan.msk.s32 $0xffff, v53  }
0x1d5: {  	v56, v55, _ =	vpop (xrf1)  }
0x1d6: {  	v9 =	vbroadcast v54, $0xF;
	v57, _, _ =	vpop (xrf0);
	(xrf0) =	vadd.scan.msk.s32 $0xffff, v55  }
0x1d7: {  	v4 =	vld.idx.msk [tilespmem:v4+s3+$0x0], $0xffff;
	v8 =	vsub.s32 v57, v50  }
0x1d8: {  	v5 =	vxor.u32 $0x80000000, v5;
	v8 =	vxor.u32 v9, v8;
	_ =	sdelay $0x1  }
0x1d9: {  	s17 =	sshra.s32 s17, $0x2;
	v59 =	vnsel vm2, $0x0, v0;
	v58, _, _ =	vpop (xrf0)  }
0x1da: {  	[tilespmem:s17+$0x480] =	vst v5;
	(xrf0) =	vadd.scan.msk.s32 $0xffff, v59;
	v5, v60, _ =	vpop (xrf1)  }
0x1db: {  	[tilespmem:s17+$0xC80] =	vst v4;
	v4 =	vbroadcast v58, $0xF;
	v61, _, _ =	vpop (xrf0);
	(xrf0) =	vadd.scan.msk.s32 $0xffff, v60  }
0x1dc: {  	v8 =	vld.idx.msk [tilespmem:v8+s3+$0x0], $0xffff;
	v9 =	vsub.s32 v61, v55  }
0x1dd: {  	v4 =	vxor.u32 v4, v9;
	_ =	sdelay $0x1  }
0x1de: {  	s16 =	sshra.s32 s16, $0x2;
	v7 =	vxor.u32 $0x80000000, v51  }
0x1df: {  	[tilespmem:s16+$0x480] =	vst v7;
	v62, _, _ =	vpop (xrf0)  }
0x1e0: {  	[tilespmem:s16+$0xC80] =	vst v8;
	v7 =	vbroadcast v62, $0xF;
	v63, _, _ =	vpop (xrf0)  }
0x1e1: {  	v4 =	vld.idx.msk [tilespmem:v4+s3+$0x0], $0xffff;
	v8 =	vsub.s32 v63, v60  }
0x1e2: {  	v7 =	vxor.u32 v7, v8;
	_ =	sdelay $0x1  }
0x1e3: {  	s15 =	sshra.s32 s15, $0x2;
	v6 =	vxor.u32 $0x80000000, v56  }
0x1e4: {  	[tilespmem:s15+$0x480] =	vst v6  }
0x1e5: {  	[tilespmem:s15+$0xC80] =	vst v4  }
0x1e6: {  	v4 =	vld.idx.msk [tilespmem:v7+s3+$0x0], $0xffff;
	_ =	sdelay $0x2  }
0x1e7: {  	s14 =	sshra.s32 s14, $0x2;
	v5 =	vxor.u32 $0x80000000, v5  }
0x1e8: {  	[tilespmem:s14+$0x480] =	vst v5  }
0x1e9: {  	[tilespmem:s14+$0xC80] =	vst v4  }
0x1ea: {  	[hbm4b:s5+s3] =	stream.linear.scatter [tilespmem:s11], [sflag:$0x1], $0x800, $0x38;
	[tilespmem:$0x1480] =	vst v63  }
0x1eb: {  	s13 =	sadd.s32 $0x1, s13;
	_ =	swait.ge [sflag:s9], $0x800  }
0x1ec: {  	p0 =	sne.s32 s13, s7;
	[sflag:s9] =	ssyncset.done $0x0  }
.Ltmp1:
0x1ed: {  	[sflag:s9] =	ssyncadd.s32 $0xFFFFF800;
	(pc) =	sbr.rel @p0 .LBB2_1-.Ltmp1, $4  }
0x1ee: {  	[hbm4b:s6+s3] =	stream.linear.scatter [tilespmem:s12], [sflag:$0x1], $0x800, $0x38;
	[tilespmem:$0x1480] =	vst v63  }
0x1ef: {  	_ =	swait.ge [sflag:s9], $0x800  }
0x1f0: {  	[sflag:s9] =	ssyncset.done $0x0  }
0x1f1: {  	[sflag:s9] =	ssyncadd.s32 $0xFFFFF800  }
0x1f2: {  	_ =	sfence.sel $0x180000  }
0x1f3: {  	[bflag:$0x0] =	sbarrier.arrive $0xFFFF  }
0x1f4: {  	p0 =	sne.s32 s2, $0x0;
	_ =	strace $0x90000047  }
0x1f5: {  	s0 =	sadd.s32 @!p0 $0x100000, s0;
	[bflag:$0x2] =	sbarrier.arrive $0xFFFF  }
0x1f6: {  	[sflag:s0] =	ssyncadd.tile.s32 @!p0 $0x1;
	_ =	shalt  }
.Lfunc_end2:
_tile_overlayer_lowered:
.L_overlay_start_2:
0x1f7: {  	(tag) =	ssettag $0x2  }
0x1f8: {  	s0 =	rddreg [dreg:$0x0];
	s2 =	stileid.u32  }
0x1f9: {  	s1 =	rddreg [dreg:$0x1];
	p0 =	sne.s32 s2, $0x0  }
0x1fa: {  	s3 =	rddreg [dreg:$0x2];
	[bflag:$0x3] =	sbarrier.arrive $0xFFFF;
	s2 =	simm.s32 @!p0 $0x1C01  }
0x1fb: {  	[timem:s3], [sflag:s2] =	dma.local @!p0 [hbm:s0], s1  }
0x1fc: {  	s0 =	simm.s32 @!p0 $0x1  }
0x1fd: {  	_ =	swait.ge @!p0 [sflag:s0], s1  }
0x1fe: {  	s1 =	ssub.s32 @!p0 $0x0, s1;
	[sflag:s0] =	ssyncset.done @!p0 $0x0  }
0x1ff: {  	[sflag:s0] =	ssyncadd.s32 @!p0 s1  }
0x200: {  	[bflag:$0x3] =	sbarrier.arrive $0xFFFF  }
0x201: {  	_ =	shalt  }

</sc_bundles>
